<compile_context>
chip_gen: v7x
topology: tpu7x:2x2x1
jax: 0.10.2.dev20260603
libtpu: 0.0.44.dev20260713+nightly
codegen_flags: <defaults>
</compile_context>

<pallas_src>
import functools

import jax
import jax.numpy as jnp
from jax import lax
from jax.experimental import pallas as pl
from jax.experimental.pallas import tpu as pltpu
from jax.experimental.pallas import tpu_sc as plsc

F32 = jnp.float32
N = 10000
E = 320000
H = 128
NH = 4
HD = 32
ED = 16
FM = 256

NC = 2
NS = 16
NW = NC * NS
CH = 128
NCHUNK = E // CH
NPAD = 10240
TPS = NPAD // NS

_INV_SQRT_HD = 1.0 / (32.0 ** 0.5)


def _nodeproj_body(h_ref, wq_ref, wkv_ref, hq_ref, hkv_ref):
    hb = h_ref[...]
    hq_ref[...] = jnp.dot(hb, wq_ref[...], preferred_element_type=F32)
    hkv_ref[...] = jnp.dot(hb, wkv_ref[...], preferred_element_type=F32)


def _node_proj(h, Wq, Wkv):
    Bn = 2000
    return pl.pallas_call(
        _nodeproj_body,
        grid=(N // Bn,),
        in_specs=[
            pl.BlockSpec((Bn, H), lambda i: (i, 0)),
            pl.BlockSpec((H, H), lambda i: (0, 0)),
            pl.BlockSpec((H, 2 * H), lambda i: (0, 0)),
        ],
        out_specs=[
            pl.BlockSpec((Bn, H), lambda i: (i, 0)),
            pl.BlockSpec((Bn, 2 * H), lambda i: (i, 0)),
        ],
        out_shape=[
            jax.ShapeDtypeStruct((N, H), F32),
            jax.ShapeDtypeStruct((N, 2 * H), F32),
        ],
    )(h, Wq, Wkv)


def _sc_mesh():
    return plsc.VectorSubcoreMesh(
        core_axis_name="c", subcore_axis_name="s", num_cores=NC, num_subcores=NS
    )


def _gather(hq, hkv, cur, nbr):
    @functools.partial(
        pl.kernel,
        out_type=(
            jax.ShapeDtypeStruct((E, H), F32),
            jax.ShapeDtypeStruct((E, 2 * H), F32),
        ),
        mesh=_sc_mesh(),
        scratch_types=[
            pltpu.VMEM((CH,), jnp.int32),
            pltpu.VMEM((CH,), jnp.int32),
            pltpu.VMEM((CH, H), F32),
            pltpu.VMEM((CH, 2 * H), F32),
            pltpu.VMEM((CH,), jnp.int32),
            pltpu.VMEM((CH,), jnp.int32),
            pltpu.VMEM((CH, H), F32),
            pltpu.VMEM((CH, 2 * H), F32),
            pltpu.SemaphoreType.DMA,
            pltpu.SemaphoreType.DMA,
            pltpu.SemaphoreType.DMA,
            pltpu.SemaphoreType.DMA,
        ],
    )
    def k(hq_hbm, hkv_hbm, cur_hbm, nbr_hbm, q_out, kv_out,
          curv, nbrv, qv, kvv, curv2, nbrv2, qv2, kvv2, s1, s2, s3, s4):
        wid = lax.axis_index("s") * NC + lax.axis_index("c")
        npair = NCHUNK // (2 * NW)
        nrem = NCHUNK - npair * 2 * NW

        def pair(p, carry):
            offa = pl.multiple_of((wid + (2 * p) * NW) * CH, CH)
            offb = pl.multiple_of((wid + (2 * p + 1) * NW) * CH, CH)
            pltpu.sync_copy(cur_hbm.at[pl.ds(offa, CH)], curv)
            pltpu.sync_copy(nbr_hbm.at[pl.ds(offa, CH)], nbrv)
            cpa1 = pltpu.async_copy(hq_hbm.at[curv], qv, s1)
            cpa2 = pltpu.async_copy(hkv_hbm.at[nbrv], kvv, s2)
            pltpu.sync_copy(cur_hbm.at[pl.ds(offb, CH)], curv2)
            pltpu.sync_copy(nbr_hbm.at[pl.ds(offb, CH)], nbrv2)
            cpb1 = pltpu.async_copy(hq_hbm.at[curv2], qv2, s3)
            cpb2 = pltpu.async_copy(hkv_hbm.at[nbrv2], kvv2, s4)
            cpa1.wait()
            cpa2.wait()
            pltpu.sync_copy(qv, q_out.at[pl.ds(offa, CH)])
            pltpu.sync_copy(kvv, kv_out.at[pl.ds(offa, CH)])
            cpb1.wait()
            cpb2.wait()
            pltpu.sync_copy(qv2, q_out.at[pl.ds(offb, CH)])
            pltpu.sync_copy(kvv2, kv_out.at[pl.ds(offb, CH)])
            return carry

        lax.fori_loop(0, npair, pair, 0)

        @pl.when(wid < nrem)
        def _():
            off = pl.multiple_of((wid + npair * 2 * NW) * CH, CH)
            pltpu.sync_copy(cur_hbm.at[pl.ds(off, CH)], curv)
            pltpu.sync_copy(nbr_hbm.at[pl.ds(off, CH)], nbrv)
            cp1 = pltpu.async_copy(hq_hbm.at[curv], qv, s1)
            cp2 = pltpu.async_copy(hkv_hbm.at[nbrv], kvv, s2)
            cp1.wait()
            cp2.wait()
            pltpu.sync_copy(qv, q_out.at[pl.ds(off, CH)])
            pltpu.sync_copy(kvv, kv_out.at[pl.ds(off, CH)])

    return k(hq, hkv, cur, nbr)


def _edge_body(q_ref, kv_ref, ea_ref, m8p_ref, wke_ref, wve_ref, web_ref,
               ge_ref, be_ref, msg_ref, exp_ref, eout_ref):
    Be = q_ref.shape[0]
    ea = ea_ref[...]
    ke = jnp.dot(ea, wke_ref[...], preferred_element_type=F32)
    ve = jnp.dot(ea, wve_ref[...], preferred_element_type=F32)

    s = ke + ve
    sl = s * jax.nn.sigmoid(s)
    mu = jnp.mean(sl, axis=-1, keepdims=True)
    var = jnp.mean((sl - mu) ** 2, axis=-1, keepdims=True)
    eout_ref[...] = (sl - mu) / jnp.sqrt(var + 1e-5) * ge_ref[...] + be_ref[...]

    q = q_ref[...]
    kk = kv_ref[:, :H]
    vv = kv_ref[:, H:]
    p = q * (kk + ke)
    r128 = lax.broadcasted_iota(jnp.int32, (H, NH), 0)
    c4 = lax.broadcasted_iota(jnp.int32, (H, NH), 1)
    M = jnp.where(r128 // HD == c4, 1.0, 0.0).astype(F32)
    eb = jnp.dot(ea, web_ref[...], preferred_element_type=F32)
    l4 = jnp.dot(p, M, preferred_element_type=F32) * _INV_SQRT_HD + eb
    ex = jnp.exp(l4)
    r4 = lax.broadcasted_iota(jnp.int32, (NH, H), 0)
    c128 = lax.broadcasted_iota(jnp.int32, (NH, H), 1)
    MT = jnp.where(c128 // HD == r4, 1.0, 0.0).astype(F32)
    exb = jnp.dot(ex, MT, preferred_element_type=F32)
    msg_ref[...] = (vv + ve) * exb

    m8 = jnp.transpose(m8p_ref[...])
    exp16 = jnp.zeros((Be, H), F32)
    ga = lax.broadcasted_iota(jnp.int32, (NH, H), 0)
    gb = lax.broadcasted_iota(jnp.int32, (NH, H), 1)
    for m in range(8):
        G = jnp.where(gb == 16 * m + ga, 1.0, 0.0).astype(F32)
        exp16 = exp16 + m8[:, m:m + 1] * jnp.dot(
            ex, G, preferred_element_type=F32)
    exp_ref[...] = exp16


def _edge_math(q, kv, edge_attr, m8p, Wke, Wve, Web, g_e, b_e):
    Be = 512
    return pl.pallas_call(
        _edge_body,
        grid=(E // Be,),
        in_specs=[
            pl.BlockSpec((Be, H), lambda i: (i, 0)),
            pl.BlockSpec((Be, 2 * H), lambda i: (i, 0)),
            pl.BlockSpec((Be, ED), lambda i: (i, 0)),
            pl.BlockSpec((8, Be), lambda i: (0, i)),
            pl.BlockSpec((ED, H), lambda i: (0, 0)),
            pl.BlockSpec((ED, H), lambda i: (0, 0)),
            pl.BlockSpec((ED, NH), lambda i: (0, 0)),
            pl.BlockSpec((1, H), lambda i: (0, 0)),
            pl.BlockSpec((1, H), lambda i: (0, 0)),
        ],
        out_specs=[
            pl.BlockSpec((Be, H), lambda i: (i, 0)),
            pl.BlockSpec((Be, H), lambda i: (i, 0)),
            pl.BlockSpec((Be, H), lambda i: (i, 0)),
        ],
        out_shape=[
            jax.ShapeDtypeStruct((E, H), F32),
            jax.ShapeDtypeStruct((E, H), F32),
            jax.ShapeDtypeStruct((E, H), F32),
        ],
    )(q, kv, edge_attr, m8p, Wke, Wve, Web, g_e, b_e)


NP8 = NPAD // 8
DPT = NP8 // NS


def _scatter(msg, exp16, cur, curp):
    @functools.partial(
        pl.kernel,
        out_type=(
            jax.ShapeDtypeStruct((NC, NPAD, H), F32),
            jax.ShapeDtypeStruct((NC, NP8, H), F32),
        ),
        mesh=_sc_mesh(),
        scratch_types=[
            pltpu.VMEM((CH,), jnp.int32),
            pltpu.VMEM((CH,), jnp.int32),
            pltpu.VMEM((CH, H), F32),
            pltpu.VMEM((CH, H), F32),
            pltpu.VMEM_SHARED((NPAD, H), F32),
            pltpu.VMEM_SHARED((NP8, H), F32),
        ],
    )
    def k(msg_hbm, exp_hbm, cur_hbm, curp_hbm, agg_out, den_out,
          curv, curpv, msgv, expv, AGG, DENP):
        c = lax.axis_index("c")
        s = lax.axis_index("s")
        wid = s * NC + c
        nloc = (NCHUNK // NW) + jnp.where(wid < NCHUNK % NW, 1, 0)

        def zrow(r, carry):
            for l in range(8):
                msgv[r, 16 * l:16 * l + 16] = jnp.zeros((16,), F32)
            return carry

        lax.fori_loop(0, CH, zrow, 0)
        r0 = pl.multiple_of(s * TPS, TPS)
        for blk in range(TPS // CH):
            pltpu.sync_copy(msgv, AGG.at[pl.ds(r0 + blk * CH, CH)])
        q0 = pl.multiple_of(s * DPT, DPT)
        pltpu.sync_copy(msgv.at[pl.ds(0, DPT)], DENP.at[pl.ds(q0, DPT)])
        plsc.subcore_barrier()

        def body(i, carry):
            off = pl.multiple_of((wid + i * NW) * CH, CH)
            pltpu.sync_copy(cur_hbm.at[pl.ds(off, CH)], curv)
            pltpu.sync_copy(curp_hbm.at[pl.ds(off, CH)], curpv)
            pltpu.sync_copy(msg_hbm.at[pl.ds(off, CH)], msgv)
            pltpu.sync_copy(exp_hbm.at[pl.ds(off, CH)], expv)
            pltpu.sync_copy(msgv, AGG.at[curv], add=True)
            pltpu.sync_copy(expv, DENP.at[curpv], add=True)
            return carry

        lax.fori_loop(0, nloc, body, 0)
        plsc.subcore_barrier()

        for blk in range(TPS // CH):
            rr = r0 + blk * CH
            pltpu.sync_copy(AGG.at[pl.ds(rr, CH)], msgv)
            pltpu.sync_copy(msgv, agg_out.at[c, pl.ds(rr, CH)])
        pltpu.sync_copy(DENP.at[pl.ds(q0, DPT)], expv.at[pl.ds(0, DPT)])
        pltpu.sync_copy(expv.at[pl.ds(0, DPT)],
                        den_out.at[c, pl.ds(q0, DPT)])

    return k(msg, exp16, cur, curp)


def _final_body(h_ref, aggs_ref, dens_ref, wout_ref, ga_ref, ba_ref,
                gf_ref, bf_ref, w1_ref, b1_ref, w2_ref, b2_ref, out_ref):
    agg = aggs_ref[0] + aggs_ref[1]
    Bn = agg.shape[0]
    pages = dens_ref[0] + dens_ref[1]
    den128 = jnp.zeros((Bn, H), F32)
    pa = lax.broadcasted_iota(jnp.int32, (H, H), 0)
    pb = lax.broadcasted_iota(jnp.int32, (H, H), 1)
    ea_i = lax.broadcasted_iota(jnp.int32, (Bn, Bn // 8), 0)
    eb_i = lax.broadcasted_iota(jnp.int32, (Bn, Bn // 8), 1)
    for j in range(8):
        Wd = jnp.where((pa >= 16 * j) & (pa < 16 * j + NH)
                       & (pb // HD == pa - 16 * j), 1.0, 0.0).astype(F32)
        t = jnp.dot(pages, Wd, preferred_element_type=F32)
        T8 = jnp.where((ea_i // 8 == eb_i) & (ea_i % 8 == j),
                       1.0, 0.0).astype(F32)
        den128 = den128 + jnp.dot(T8, t, preferred_element_type=F32)
    norm = agg / (den128 + 1e-16)
    out = jnp.dot(norm, wout_ref[...], preferred_element_type=F32)
    x = h_ref[...] + out
    mu = jnp.mean(x, axis=-1, keepdims=True)
    var = jnp.mean((x - mu) ** 2, axis=-1, keepdims=True)
    h1 = (x - mu) / jnp.sqrt(var + 1e-5) * ga_ref[...] + ba_ref[...]
    mid = jnp.dot(h1, w1_ref[...], preferred_element_type=F32) + b1_ref[...]
    mid = mid * jax.nn.sigmoid(mid)
    ffn = jnp.dot(mid, w2_ref[...], preferred_element_type=F32) + b2_ref[...]
    y = h1 + ffn
    mu2 = jnp.mean(y, axis=-1, keepdims=True)
    var2 = jnp.mean((y - mu2) ** 2, axis=-1, keepdims=True)
    out_ref[...] = (y - mu2) / jnp.sqrt(var2 + 1e-5) * gf_ref[...] + bf_ref[...]


def _finalize(h, aggs, dens, Wout, g_attn, b_attn, g_ffn, b_ffn, W1, b1, W2, b2):
    Bn = 1280
    return pl.pallas_call(
        _final_body,
        grid=(NPAD // Bn,),
        in_specs=[
            pl.BlockSpec((Bn, H), lambda i: (i, 0)),
            pl.BlockSpec((NC, Bn, H), lambda i: (0, i, 0)),
            pl.BlockSpec((NC, Bn // 8, H), lambda i: (0, i, 0)),
            pl.BlockSpec((H, H), lambda i: (0, 0)),
            pl.BlockSpec((1, H), lambda i: (0, 0)),
            pl.BlockSpec((1, H), lambda i: (0, 0)),
            pl.BlockSpec((1, H), lambda i: (0, 0)),
            pl.BlockSpec((1, H), lambda i: (0, 0)),
            pl.BlockSpec((H, FM), lambda i: (0, 0)),
            pl.BlockSpec((1, FM), lambda i: (0, 0)),
            pl.BlockSpec((FM, H), lambda i: (0, 0)),
            pl.BlockSpec((1, H), lambda i: (0, 0)),
        ],
        out_specs=pl.BlockSpec((Bn, H), lambda i: (i, 0)),
        out_shape=jax.ShapeDtypeStruct((NPAD, H), F32),
    )(h, aggs, dens, Wout, g_attn, b_attn, g_ffn, b_ffn, W1, b1, W2, b2)


def kernel(h, edge_index, edge_attr, Wq, Wk, Wv, Wke, Wve, Web, Wout,
           g_attn, b_attn, g_ffn, b_ffn, g_e, b_e, W1, b1, W2, b2):
    cur = edge_index[0].astype(jnp.int32)
    nbr = edge_index[1].astype(jnp.int32)
    Wkv = jnp.concatenate([Wk, Wv], axis=1)
    curp = jnp.right_shift(cur, 3)
    m8p = (jnp.arange(8, dtype=jnp.int32)[:, None]
           == jnp.bitwise_and(cur, 7)[None, :]).astype(F32)

    hq, hkv = _node_proj(h, Wq, Wkv)
    q, kv = _gather(hq, hkv, cur, nbr)
    msg, exp16, e_out = _edge_math(q, kv, edge_attr, m8p, Wke, Wve, Web,
                                   g_e.reshape(1, H), b_e.reshape(1, H))
    aggs, dens = _scatter(msg, exp16, cur, curp)
    h_pad = jnp.zeros((NPAD, H), F32).at[:N].set(h)
    h2 = _finalize(h_pad, aggs, dens, Wout,
                   g_attn.reshape(1, H), b_attn.reshape(1, H),
                   g_ffn.reshape(1, H), b_ffn.reshape(1, H),
                   W1, b1.reshape(1, FM), W2, b2.reshape(1, H))
    return (h2[:N], e_out)

# --- scband reference (transcript-rebuilt; emitter-appended) ---
"""Pipeline reference for scband-sparse-knnnode-attention-layer-19000935317550 (READ-ONLY COPY).

The authoritative reference and input builder live on the scoring server;
editing this copy changes nothing except your own understanding.
"""

import jax, jax.numpy as jnp
import numpy as np

N_NODES = 10000
E_EDGES = 320000
HIDDEN = 128
EDGE_DIM = 16
N_HEADS = 4
HEAD_DIM = HIDDEN // N_HEADS
FFN_MID = 2 * HIDDEN


def layer_norm(x, g, b, eps=1e-5):
    mu = jnp.mean(x, axis=-1, keepdims=True)
    var = jnp.mean((x - mu) ** 2, axis=-1, keepdims=True)
    return (x - mu) / jnp.sqrt(var + eps) * g + b


def setup_inputs(seed: int = 0) -> dict:
    key = jax.random.key(seed)
    ks = jax.random.split(key, 20)
    h = jax.random.normal(ks[0], (N_NODES, HIDDEN), dtype=jnp.float32)
    edge_index = jax.random.randint(ks[1], (2, E_EDGES), 0, N_NODES, dtype=jnp.int64)
    edge_attr = jax.random.normal(ks[2], (E_EDGES, EDGE_DIM), dtype=jnp.float32)
    s = 1.0 / np.sqrt(HIDDEN)
    se = 1.0 / np.sqrt(EDGE_DIM)
    params = {
        'Wq': jax.random.normal(ks[3], (HIDDEN, HIDDEN), dtype=jnp.float32) * s,
        'Wk': jax.random.normal(ks[4], (HIDDEN, HIDDEN), dtype=jnp.float32) * s,
        'Wv': jax.random.normal(ks[5], (HIDDEN, HIDDEN), dtype=jnp.float32) * s,
        'Wke': jax.random.normal(ks[6], (EDGE_DIM, HIDDEN), dtype=jnp.float32) * se,
        'Wve': jax.random.normal(ks[7], (EDGE_DIM, HIDDEN), dtype=jnp.float32) * se,
        'Web': jax.random.normal(ks[8], (EDGE_DIM, N_HEADS), dtype=jnp.float32) * se,
        'Wout': jax.random.normal(ks[9], (HIDDEN, HIDDEN), dtype=jnp.float32) * s,
        'g_attn': jnp.ones((HIDDEN,), dtype=jnp.float32),
        'b_attn': jnp.zeros((HIDDEN,), dtype=jnp.float32),
        'g_ffn': jnp.ones((HIDDEN,), dtype=jnp.float32),
        'b_ffn': jnp.zeros((HIDDEN,), dtype=jnp.float32),
        'g_e': jnp.ones((HIDDEN,), dtype=jnp.float32),
        'b_e': jnp.zeros((HIDDEN,), dtype=jnp.float32),
        'W1': jax.random.normal(ks[10], (HIDDEN, FFN_MID), dtype=jnp.float32) * s,
        'b1': jnp.zeros((FFN_MID,), dtype=jnp.float32),
        'W2': jax.random.normal(ks[11], (FFN_MID, HIDDEN), dtype=jnp.float32) * (1.0 / np.sqrt(FFN_MID)),
        'b2': jnp.zeros((HIDDEN,), dtype=jnp.float32),
    }
    out = {'h': h, 'edge_index': edge_index, 'edge_attr': edge_attr}
    out.update(params)
    return out


def reference(h, edge_index, edge_attr, Wq, Wk, Wv, Wke, Wve, Web, Wout,
              g_attn, b_attn, g_ffn, b_ffn, g_e, b_e, W1, b1, W2, b2):
    N = h.shape[0]
    cur = edge_index[0]
    nbr = edge_index[1]
    E = cur.shape[0]
    q = (h[cur] @ Wq).reshape(E, N_HEADS, HEAD_DIM)
    k = (h[nbr] @ Wk).reshape(E, N_HEADS, HEAD_DIM)
    v = (h[nbr] @ Wv).reshape(E, N_HEADS, HEAD_DIM)
    ke = (edge_attr @ Wke).reshape(E, N_HEADS, HEAD_DIM)
    ve = (edge_attr @ Wve).reshape(E, N_HEADS, HEAD_DIM)
    eb = edge_attr @ Web
    logits = jnp.sum(q * (k + ke), axis=-1) / jnp.sqrt(float(HEAD_DIM)) + eb
    seg_max = jax.ops.segment_max(logits, cur, num_segments=N)
    seg_max = jnp.where(jnp.isfinite(seg_max), seg_max, 0.0)
    ex = jnp.exp(logits - seg_max[cur])
    denom = jax.ops.segment_sum(ex, cur, num_segments=N)
    alpha = ex / (denom[cur] + 1e-16)
    msg = ((v + ve) * alpha[..., None]).reshape(E, HIDDEN)
    agg = jax.ops.segment_sum(msg, cur, num_segments=N)
    out = agg @ Wout
    h1 = layer_norm(h + out, g_attn, b_attn)
    ffn_out = jax.nn.silu(h1 @ W1 + b1) @ W2 + b2
    h2 = layer_norm(h1 + ffn_out, g_ffn, b_ffn)
    e_out = layer_norm(jax.nn.silu((ke + ve).reshape(E, HIDDEN)), g_e, b_e)
    return (h2, e_out)

if __name__ == "__main__":
    import jax
    _d = setup_inputs()
    print(jax.jit(kernel)(*tuple(_d.values())))

</pallas_src>

<mosaic_0001>
#map = affine_map<(d0, d1) -> (0, 0)>
#map1 = affine_map<(d0, d1) -> (0)>
#map2 = affine_map<(d0, d1) -> (0, 0, 0)>
module attributes {stable_mosaic.version = 14 : i64} {
  func.func @k(%arg0: i32, %arg1: i32, %arg2: memref<320000x128xf32, #tpu.memory_space<hbm>>, %arg3: memref<320000x128xf32, #tpu.memory_space<hbm>>, %arg4: memref<320000xi32, #tpu.memory_space<hbm>>, %arg5: memref<320000xi32, #tpu.memory_space<hbm>>, %arg6: memref<2x10240x128xf32, #tpu.memory_space<hbm>>, %arg7: memref<2x1280x128xf32, #tpu.memory_space<hbm>>, %arg8: memref<128xi32, #tpu.memory_space<vmem>>, %arg9: memref<128xi32, #tpu.memory_space<vmem>>, %arg10: memref<128x128xf32, #tpu.memory_space<vmem>>, %arg11: memref<128x128xf32, #tpu.memory_space<vmem>>, %arg12: memref<10240x128xf32, #tpu.memory_space<vmem_shared>>, %arg13: memref<1280x128xf32, #tpu.memory_space<vmem_shared>>) attributes {dimension_semantics = [#tpu.dimension_semantics<core_parallel>, #tpu.dimension_semantics<subcore_parallel>], iteration_bounds = array<i64: 2, 16>, scalar_prefetch = 0 : i64, scratch_operands = 6 : i64, tpu.core_type = #tpu.core_type<sc_vector_subcore>, window_params = [{transform_indices = #map}, {transform_indices = #map}, {transform_indices = #map1}, {transform_indices = #map1}, {transform_indices = #map2}, {transform_indices = #map2}]} {
    %mul3A = arith.constant 2 : i32
    %mul3A_0 = arith.muli %arg1, %mul3A : i32
    %add3A = arith.addi %mul3A_0, %arg0 : i32
    %lt3A = arith.constant 4 : i32
    %lt3A_1 = arith.cmpi slt, %add3A, %lt3A : i32
    %jit3A = arith.constant 1 : i32
    %jit3A_2 = arith.constant 0 : i32
    %select_n3A = arith.select %lt3A_1, %jit3A, %jit3A_2 : i32
    %add3A_3 = arith.constant 78 : i32
    %add3A_4 = arith.addi %add3A_3, %select_n3A : i32
    %scan3A = arith.constant 0 : i32
    %scan3A_5 = arith.constant 0 : i32
    %scan3A_6 = arith.constant 128 : i32
    %scan3A_7 = arith.addi %scan3A_5, %scan3A_6 : i32
    %scan3A_8 = arith.constant 1 : i32
    scf.for %scan3A_45 = %scan3A_5 to %scan3A_7 step %scan3A_8  : i32 {
      %broadcast_in_dim3A = arith.constant 0.000000e+00 : f32
      %broadcast_in_dim3A_46 = vector.broadcast %broadcast_in_dim3A : f32 to vector<16xf32>
      %swap3A = arith.index_cast %scan3A_45 : i32 to index
      %swap3A_47 = arith.constant 0 : index
      %swap3A_48 = tpu.vector_load %arg10[%swap3A, %swap3A_47] {strides = array<i32>} : memref<128x128xf32, #tpu.memory_space<vmem>>, vector<1x16xf32>,
      %swap3A_49 = vector.shape_cast %swap3A_48 : vector<1x16xf32> to vector<16xf32>
      %swap3A_50 = vector.shape_cast %broadcast_in_dim3A_46 : vector<16xf32> to vector<1x16xf32>
      tpu.vector_store %arg10[%swap3A, %swap3A_47], %swap3A_50 {strides = array<i32>} : memref<128x128xf32, #tpu.memory_space<vmem>>, vector<1x16xf32>,
      %broadcast_in_dim3A_51 = arith.constant 0.000000e+00 : f32
      %broadcast_in_dim3A_52 = vector.broadcast %broadcast_in_dim3A_51 : f32 to vector<16xf32>
      %swap3A_53 = arith.index_cast %scan3A_45 : i32 to index
      %swap3A_54 = arith.constant 16 : index
      %swap3A_55 = tpu.vector_load %arg10[%swap3A_53, %swap3A_54] {strides = array<i32>} : memref<128x128xf32, #tpu.memory_space<vmem>>, vector<1x16xf32>,
      %swap3A_56 = vector.shape_cast %swap3A_55 : vector<1x16xf32> to vector<16xf32>
      %swap3A_57 = vector.shape_cast %broadcast_in_dim3A_52 : vector<16xf32> to vector<1x16xf32>
      tpu.vector_store %arg10[%swap3A_53, %swap3A_54], %swap3A_57 {strides = array<i32>} : memref<128x128xf32, #tpu.memory_space<vmem>>, vector<1x16xf32>,
      %broadcast_in_dim3A_58 = arith.constant 0.000000e+00 : f32
      %broadcast_in_dim3A_59 = vector.broadcast %broadcast_in_dim3A_58 : f32 to vector<16xf32>
      %swap3A_60 = arith.index_cast %scan3A_45 : i32 to index
      %swap3A_61 = arith.constant 32 : index
      %swap3A_62 = tpu.vector_load %arg10[%swap3A_60, %swap3A_61] {strides = array<i32>} : memref<128x128xf32, #tpu.memory_space<vmem>>, vector<1x16xf32>,
      %swap3A_63 = vector.shape_cast %swap3A_62 : vector<1x16xf32> to vector<16xf32>
      %swap3A_64 = vector.shape_cast %broadcast_in_dim3A_59 : vector<16xf32> to vector<1x16xf32>
      tpu.vector_store %arg10[%swap3A_60, %swap3A_61], %swap3A_64 {strides = array<i32>} : memref<128x128xf32, #tpu.memory_space<vmem>>, vector<1x16xf32>,
      %broadcast_in_dim3A_65 = arith.constant 0.000000e+00 : f32
      %broadcast_in_dim3A_66 = vector.broadcast %broadcast_in_dim3A_65 : f32 to vector<16xf32>
      %swap3A_67 = arith.index_cast %scan3A_45 : i32 to index
      %swap3A_68 = arith.constant 48 : index
      %swap3A_69 = tpu.vector_load %arg10[%swap3A_67, %swap3A_68] {strides = array<i32>} : memref<128x128xf32, #tpu.memory_space<vmem>>, vector<1x16xf32>,
      %swap3A_70 = vector.shape_cast %swap3A_69 : vector<1x16xf32> to vector<16xf32>
      %swap3A_71 = vector.shape_cast %broadcast_in_dim3A_66 : vector<16xf32> to vector<1x16xf32>
      tpu.vector_store %arg10[%swap3A_67, %swap3A_68], %swap3A_71 {strides = array<i32>} : memref<128x128xf32, #tpu.memory_space<vmem>>, vector<1x16xf32>,
      %broadcast_in_dim3A_72 = arith.constant 0.000000e+00 : f32
      %broadcast_in_dim3A_73 = vector.broadcast %broadcast_in_dim3A_72 : f32 to vector<16xf32>
      %swap3A_74 = arith.index_cast %scan3A_45 : i32 to index
      %swap3A_75 = arith.constant 64 : index
      %swap3A_76 = tpu.vector_load %arg10[%swap3A_74, %swap3A_75] {strides = array<i32>} : memref<128x128xf32, #tpu.memory_space<vmem>>, vector<1x16xf32>,
      %swap3A_77 = vector.shape_cast %swap3A_76 : vector<1x16xf32> to vector<16xf32>
      %swap3A_78 = vector.shape_cast %broadcast_in_dim3A_73 : vector<16xf32> to vector<1x16xf32>
      tpu.vector_store %arg10[%swap3A_74, %swap3A_75], %swap3A_78 {strides = array<i32>} : memref<128x128xf32, #tpu.memory_space<vmem>>, vector<1x16xf32>,
      %broadcast_in_dim3A_79 = arith.constant 0.000000e+00 : f32
      %broadcast_in_dim3A_80 = vector.broadcast %broadcast_in_dim3A_79 : f32 to vector<16xf32>
      %swap3A_81 = arith.index_cast %scan3A_45 : i32 to index
      %swap3A_82 = arith.constant 80 : index
      %swap3A_83 = tpu.vector_load %arg10[%swap3A_81, %swap3A_82] {strides = array<i32>} : memref<128x128xf32, #tpu.memory_space<vmem>>, vector<1x16xf32>,
      %swap3A_84 = vector.shape_cast %swap3A_83 : vector<1x16xf32> to vector<16xf32>
      %swap3A_85 = vector.shape_cast %broadcast_in_dim3A_80 : vector<16xf32> to vector<1x16xf32>
      tpu.vector_store %arg10[%swap3A_81, %swap3A_82], %swap3A_85 {strides = array<i32>} : memref<128x128xf32, #tpu.memory_space<vmem>>, vector<1x16xf32>,
      %broadcast_in_dim3A_86 = arith.constant 0.000000e+00 : f32
      %broadcast_in_dim3A_87 = vector.broadcast %broadcast_in_dim3A_86 : f32 to vector<16xf32>
      %swap3A_88 = arith.index_cast %scan3A_45 : i32 to index
      %swap3A_89 = arith.constant 96 : index
      %swap3A_90 = tpu.vector_load %arg10[%swap3A_88, %swap3A_89] {strides = array<i32>} : memref<128x128xf32, #tpu.memory_space<vmem>>, vector<1x16xf32>,
      %swap3A_91 = vector.shape_cast %swap3A_90 : vector<1x16xf32> to vector<16xf32>
      %swap3A_92 = vector.shape_cast %broadcast_in_dim3A_87 : vector<16xf32> to vector<1x16xf32>
      tpu.vector_store %arg10[%swap3A_88, %swap3A_89], %swap3A_92 {strides = array<i32>} : memref<128x128xf32, #tpu.memory_space<vmem>>, vector<1x16xf32>,
      %broadcast_in_dim3A_93 = arith.constant 0.000000e+00 : f32
      %broadcast_in_dim3A_94 = vector.broadcast %broadcast_in_dim3A_93 : f32 to vector<16xf32>
      %swap3A_95 = arith.index_cast %scan3A_45 : i32 to index
      %swap3A_96 = arith.constant 112 : index
      %swap3A_97 = tpu.vector_load %arg10[%swap3A_95, %swap3A_96] {strides = array<i32>} : memref<128x128xf32, #tpu.memory_space<vmem>>, vector<1x16xf32>,
      %swap3A_98 = vector.shape_cast %swap3A_97 : vector<1x16xf32> to vector<16xf32>
      %swap3A_99 = vector.shape_cast %broadcast_in_dim3A_94 : vector<16xf32> to vector<1x16xf32>
      tpu.vector_store %arg10[%swap3A_95, %swap3A_96], %swap3A_99 {strides = array<i32>} : memref<128x128xf32, #tpu.memory_space<vmem>>, vector<1x16xf32>,
    }
    %scan3A_9 = arith.constant 128 : i32
    %mul3A_10 = arith.constant 640 : i32
    %mul3A_11 = arith.muli %arg1, %mul3A_10 : i32
    %multiple_of3A = tpu.assume_multiple %mul3A_11, 640 : i32
    %add3A_12 = arith.constant 0 : i32
    %add3A_13 = arith.addi %multiple_of3A, %add3A_12 : i32
    "tpu.region"() ({
      %run_scoped3A = tpu.sem_alloc : memref<!tpu.dma_semaphore, #tpu.memory_space<semaphore_mem>>
      %dma_start3A = arith.constant 0 : i32
      %dma_start3A_45 = tpu.memref_slice %arg12[%add3A_13, %dma_start3A] : memref<10240x128xf32, #tpu.memory_space<vmem_shared>> -> memref<128x128xf32, #tpu.memory_space<vmem_shared>>
      %dma_start3A_46 = arith.constant 0 : i32
      %dma_start3A_47 = tpu.memref_slice %arg12[%add3A_13, %dma_start3A_46] : memref<10240x128xf32, #tpu.memory_space<vmem_shared>> -> memref<128x128xf32, #tpu.memory_space<vmem_shared>>
      tpu.enqueue_dma source(%arg10 : memref<128x128xf32, #tpu.memory_space<vmem>>) target(%dma_start3A_47 : memref<128x128xf32, #tpu.memory_space<vmem_shared>>) target_semaphore(%run_scoped3A : memref<!tpu.dma_semaphore, #tpu.memory_space<semaphore_mem>>)
      %dma_wait3A = arith.constant 0 : i32
      %dma_wait3A_48 = tpu.memref_slice %arg12[%add3A_13, %dma_wait3A] : memref<10240x128xf32, #tpu.memory_space<vmem_shared>> -> memref<128x128xf32, #tpu.memory_space<vmem_shared>>
      %dma_wait3A_49 = arith.constant 0 : i32
      %dma_wait3A_50 = tpu.memref_slice %arg12[%add3A_13, %dma_wait3A_49] : memref<10240x128xf32, #tpu.memory_space<vmem_shared>> -> memref<128x128xf32, #tpu.memory_space<vmem_shared>>
      tpu.wait_dma2 semaphore(%run_scoped3A : memref<!tpu.dma_semaphore, #tpu.memory_space<semaphore_mem>>) src(%arg10 : memref<128x128xf32, #tpu.memory_space<vmem>>) dst(%dma_wait3A_50 : memref<128x128xf32, #tpu.memory_space<vmem_shared>>)
      tpu.yield
    }) : () -> ()
    %add3A_14 = arith.constant 128 : i32
    %add3A_15 = arith.addi %multiple_of3A, %add3A_14 : i32
    "tpu.region"() ({
      %run_scoped3A = tpu.sem_alloc : memref<!tpu.dma_semaphore, #tpu.memory_space<semaphore_mem>>
      %dma_start3A = arith.constant 0 : i32
      %dma_start3A_45 = tpu.memref_slice %arg12[%add3A_15, %dma_start3A] : memref<10240x128xf32, #tpu.memory_space<vmem_shared>> -> memref<128x128xf32, #tpu.memory_space<vmem_shared>>
      %dma_start3A_46 = arith.constant 0 : i32
      %dma_start3A_47 = tpu.memref_slice %arg12[%add3A_15, %dma_start3A_46] : memref<10240x128xf32, #tpu.memory_space<vmem_shared>> -> memref<128x128xf32, #tpu.memory_space<vmem_shared>>
      tpu.enqueue_dma source(%arg10 : memref<128x128xf32, #tpu.memory_space<vmem>>) target(%dma_start3A_47 : memref<128x128xf32, #tpu.memory_space<vmem_shared>>) target_semaphore(%run_scoped3A : memref<!tpu.dma_semaphore, #tpu.memory_space<semaphore_mem>>)
      %dma_wait3A = arith.constant 0 : i32
      %dma_wait3A_48 = tpu.memref_slice %arg12[%add3A_15, %dma_wait3A] : memref<10240x128xf32, #tpu.memory_space<vmem_shared>> -> memref<128x128xf32, #tpu.memory_space<vmem_shared>>
      %dma_wait3A_49 = arith.constant 0 : i32
      %dma_wait3A_50 = tpu.memref_slice %arg12[%add3A_15, %dma_wait3A_49] : memref<10240x128xf32, #tpu.memory_space<vmem_shared>> -> memref<128x128xf32, #tpu.memory_space<vmem_shared>>
      tpu.wait_dma2 semaphore(%run_scoped3A : memref<!tpu.dma_semaphore, #tpu.memory_space<semaphore_mem>>) src(%arg10 : memref<128x128xf32, #tpu.memory_space<vmem>>) dst(%dma_wait3A_50 : memref<128x128xf32, #tpu.memory_space<vmem_shared>>)
      tpu.yield
    }) : () -> ()
    %add3A_16 = arith.constant 256 : i32
    %add3A_17 = arith.addi %multiple_of3A, %add3A_16 : i32
    "tpu.region"() ({
      %run_scoped3A = tpu.sem_alloc : memref<!tpu.dma_semaphore, #tpu.memory_space<semaphore_mem>>
      %dma_start3A = arith.constant 0 : i32
      %dma_start3A_45 = tpu.memref_slice %arg12[%add3A_17, %dma_start3A] : memref<10240x128xf32, #tpu.memory_space<vmem_shared>> -> memref<128x128xf32, #tpu.memory_space<vmem_shared>>
      %dma_start3A_46 = arith.constant 0 : i32
      %dma_start3A_47 = tpu.memref_slice %arg12[%add3A_17, %dma_start3A_46] : memref<10240x128xf32, #tpu.memory_space<vmem_shared>> -> memref<128x128xf32, #tpu.memory_space<vmem_shared>>
      tpu.enqueue_dma source(%arg10 : memref<128x128xf32, #tpu.memory_space<vmem>>) target(%dma_start3A_47 : memref<128x128xf32, #tpu.memory_space<vmem_shared>>) target_semaphore(%run_scoped3A : memref<!tpu.dma_semaphore, #tpu.memory_space<semaphore_mem>>)
      %dma_wait3A = arith.constant 0 : i32
      %dma_wait3A_48 = tpu.memref_slice %arg12[%add3A_17, %dma_wait3A] : memref<10240x128xf32, #tpu.memory_space<vmem_shared>> -> memref<128x128xf32, #tpu.memory_space<vmem_shared>>
      %dma_wait3A_49 = arith.constant 0 : i32
      %dma_wait3A_50 = tpu.memref_slice %arg12[%add3A_17, %dma_wait3A_49] : memref<10240x128xf32, #tpu.memory_space<vmem_shared>> -> memref<128x128xf32, #tpu.memory_space<vmem_shared>>
      tpu.wait_dma2 semaphore(%run_scoped3A : memref<!tpu.dma_semaphore, #tpu.memory_space<semaphore_mem>>) src(%arg10 : memref<128x128xf32, #tpu.memory_space<vmem>>) dst(%dma_wait3A_50 : memref<128x128xf32, #tpu.memory_space<vmem_shared>>)
      tpu.yield
    }) : () -> ()
    %add3A_18 = arith.constant 384 : i32
    %add3A_19 = arith.addi %multiple_of3A, %add3A_18 : i32
    "tpu.region"() ({
      %run_scoped3A = tpu.sem_alloc : memref<!tpu.dma_semaphore, #tpu.memory_space<semaphore_mem>>
      %dma_start3A = arith.constant 0 : i32
      %dma_start3A_45 = tpu.memref_slice %arg12[%add3A_19, %dma_start3A] : memref<10240x128xf32, #tpu.memory_space<vmem_shared>> -> memref<128x128xf32, #tpu.memory_space<vmem_shared>>
      %dma_start3A_46 = arith.constant 0 : i32
      %dma_start3A_47 = tpu.memref_slice %arg12[%add3A_19, %dma_start3A_46] : memref<10240x128xf32, #tpu.memory_space<vmem_shared>> -> memref<128x128xf32, #tpu.memory_space<vmem_shared>>
      tpu.enqueue_dma source(%arg10 : memref<128x128xf32, #tpu.memory_space<vmem>>) target(%dma_start3A_47 : memref<128x128xf32, #tpu.memory_space<vmem_shared>>) target_semaphore(%run_scoped3A : memref<!tpu.dma_semaphore, #tpu.memory_space<semaphore_mem>>)
      %dma_wait3A = arith.constant 0 : i32
      %dma_wait3A_48 = tpu.memref_slice %arg12[%add3A_19, %dma_wait3A] : memref<10240x128xf32, #tpu.memory_space<vmem_shared>> -> memref<128x128xf32, #tpu.memory_space<vmem_shared>>
      %dma_wait3A_49 = arith.constant 0 : i32
      %dma_wait3A_50 = tpu.memref_slice %arg12[%add3A_19, %dma_wait3A_49] : memref<10240x128xf32, #tpu.memory_space<vmem_shared>> -> memref<128x128xf32, #tpu.memory_space<vmem_shared>>
      tpu.wait_dma2 semaphore(%run_scoped3A : memref<!tpu.dma_semaphore, #tpu.memory_space<semaphore_mem>>) src(%arg10 : memref<128x128xf32, #tpu.memory_space<vmem>>) dst(%dma_wait3A_50 : memref<128x128xf32, #tpu.memory_space<vmem_shared>>)
      tpu.yield
    }) : () -> ()
    %add3A_20 = arith.constant 512 : i32
    %add3A_21 = arith.addi %multiple_of3A, %add3A_20 : i32
    "tpu.region"() ({
      %run_scoped3A = tpu.sem_alloc : memref<!tpu.dma_semaphore, #tpu.memory_space<semaphore_mem>>
      %dma_start3A = arith.constant 0 : i32
      %dma_start3A_45 = tpu.memref_slice %arg12[%add3A_21, %dma_start3A] : memref<10240x128xf32, #tpu.memory_space<vmem_shared>> -> memref<128x128xf32, #tpu.memory_space<vmem_shared>>
      %dma_start3A_46 = arith.constant 0 : i32
      %dma_start3A_47 = tpu.memref_slice %arg12[%add3A_21, %dma_start3A_46] : memref<10240x128xf32, #tpu.memory_space<vmem_shared>> -> memref<128x128xf32, #tpu.memory_space<vmem_shared>>
      tpu.enqueue_dma source(%arg10 : memref<128x128xf32, #tpu.memory_space<vmem>>) target(%dma_start3A_47 : memref<128x128xf32, #tpu.memory_space<vmem_shared>>) target_semaphore(%run_scoped3A : memref<!tpu.dma_semaphore, #tpu.memory_space<semaphore_mem>>)
      %dma_wait3A = arith.constant 0 : i32
      %dma_wait3A_48 = tpu.memref_slice %arg12[%add3A_21, %dma_wait3A] : memref<10240x128xf32, #tpu.memory_space<vmem_shared>> -> memref<128x128xf32, #tpu.memory_space<vmem_shared>>
      %dma_wait3A_49 = arith.constant 0 : i32
      %dma_wait3A_50 = tpu.memref_slice %arg12[%add3A_21, %dma_wait3A_49] : memref<10240x128xf32, #tpu.memory_space<vmem_shared>> -> memref<128x128xf32, #tpu.memory_space<vmem_shared>>
      tpu.wait_dma2 semaphore(%run_scoped3A : memref<!tpu.dma_semaphore, #tpu.memory_space<semaphore_mem>>) src(%arg10 : memref<128x128xf32, #tpu.memory_space<vmem>>) dst(%dma_wait3A_50 : memref<128x128xf32, #tpu.memory_space<vmem_shared>>)
      tpu.yield
    }) : () -> ()
    %mul3A_22 = arith.constant 80 : i32
    %mul3A_23 = arith.muli %arg1, %mul3A_22 : i32
    %multiple_of3A_24 = tpu.assume_multiple %mul3A_23, 80 : i32
    "tpu.region"() ({
      %run_scoped3A = tpu.sem_alloc : memref<!tpu.dma_semaphore, #tpu.memory_space<semaphore_mem>>
      %dma_start3A = arith.constant 0 : i32
      %dma_start3A_45 = arith.constant 0 : i32
      %dma_start3A_46 = tpu.memref_slice %arg10[%dma_start3A, %dma_start3A_45] : memref<128x128xf32, #tpu.memory_space<vmem>> -> memref<80x128xf32, #tpu.memory_space<vmem>>
      %dma_start3A_47 = arith.constant 0 : i32
      %dma_start3A_48 = tpu.memref_slice %arg13[%multiple_of3A_24, %dma_start3A_47] : memref<1280x128xf32, #tpu.memory_space<vmem_shared>> -> memref<80x128xf32, #tpu.memory_space<vmem_shared>>
      %dma_start3A_49 = arith.constant 0 : i32
      %dma_start3A_50 = tpu.memref_slice %arg13[%multiple_of3A_24, %dma_start3A_49] : memref<1280x128xf32, #tpu.memory_space<vmem_shared>> -> memref<80x128xf32, #tpu.memory_space<vmem_shared>>
      %dma_start3A_51 = arith.constant 0 : i32
      %dma_start3A_52 = arith.constant 0 : i32
      %dma_start3A_53 = tpu.memref_slice %arg10[%dma_start3A_51, %dma_start3A_52] : memref<128x128xf32, #tpu.memory_space<vmem>> -> memref<80x128xf32, #tpu.memory_space<vmem>>
      tpu.enqueue_dma source(%dma_start3A_53 : memref<80x128xf32, #tpu.memory_space<vmem>>) target(%dma_start3A_50 : memref<80x128xf32, #tpu.memory_space<vmem_shared>>) target_semaphore(%run_scoped3A : memref<!tpu.dma_semaphore, #tpu.memory_space<semaphore_mem>>)
      %dma_wait3A = arith.constant 0 : i32
      %dma_wait3A_54 = arith.constant 0 : i32
      %dma_wait3A_55 = tpu.memref_slice %arg10[%dma_wait3A, %dma_wait3A_54] : memref<128x128xf32, #tpu.memory_space<vmem>> -> memref<80x128xf32, #tpu.memory_space<vmem>>
      %dma_wait3A_56 = arith.constant 0 : i32
      %dma_wait3A_57 = tpu.memref_slice %arg13[%multiple_of3A_24, %dma_wait3A_56] : memref<1280x128xf32, #tpu.memory_space<vmem_shared>> -> memref<80x128xf32, #tpu.memory_space<vmem_shared>>
      %dma_wait3A_58 = arith.constant 0 : i32
      %dma_wait3A_59 = tpu.memref_slice %arg13[%multiple_of3A_24, %dma_wait3A_58] : memref<1280x128xf32, #tpu.memory_space<vmem_shared>> -> memref<80x128xf32, #tpu.memory_space<vmem_shared>>
      %dma_wait3A_60 = arith.constant 0 : i32
      %dma_wait3A_61 = arith.constant 0 : i32
      %dma_wait3A_62 = tpu.memref_slice %arg10[%dma_wait3A_60, %dma_wait3A_61] : memref<128x128xf32, #tpu.memory_space<vmem>> -> memref<80x128xf32, #tpu.memory_space<vmem>>
      tpu.wait_dma2 semaphore(%run_scoped3A : memref<!tpu.dma_semaphore, #tpu.memory_space<semaphore_mem>>) src(%dma_wait3A_62 : memref<80x128xf32, #tpu.memory_space<vmem>>) dst(%dma_wait3A_59 : memref<80x128xf32, #tpu.memory_space<vmem_shared>>)
      tpu.yield
    }) : () -> ()
    %barrier3A = arith.constant 0 : index
    tpu.barrier barrier_id(%barrier3A)
    %while3A = arith.constant 0 : i32
    %while3A_25 = arith.constant 0 : i32
    %while3A_26 = arith.subi %add3A_4, %while3A_25 : i32
    %while3A_27 = arith.addi %while3A_25, %while3A_26 : i32
    %while3A_28 = arith.constant 1 : i32
    %while3A_29 = arith.divsi %while3A_26, %while3A_28 : i32
    %while3A_30 = arith.muli %while3A_29, %while3A_28 : i32
    %while3A_31 = arith.addi %while3A_25, %while3A_30 : i32
    %while3A_32 = arith.constant 1 : i32
    scf.for %while3A_45 = %while3A_25 to %while3A_31 step %while3A_32  : i32 {
      %mul3A_46 = arith.constant 32 : i32
      %mul3A_47 = arith.muli %while3A_45, %mul3A_46 : i32
      %add3A_48 = arith.addi %add3A, %mul3A_47 : i32
      %mul3A_49 = arith.constant 128 : i32
      %mul3A_50 = arith.muli %add3A_48, %mul3A_49 : i32
      %multiple_of3A_51 = tpu.assume_multiple %mul3A_50, 128 : i32
      "tpu.region"() ({
        %run_scoped3A = tpu.sem_alloc : memref<!tpu.dma_semaphore, #tpu.memory_space<semaphore_mem>>
        %dma_start3A = tpu.memref_slice %arg4[%multiple_of3A_51] : memref<320000xi32, #tpu.memory_space<hbm>> -> memref<128xi32, #tpu.memory_space<hbm>>
        %dma_start3A_52 = tpu.memref_slice %arg4[%multiple_of3A_51] : memref<320000xi32, #tpu.memory_space<hbm>> -> memref<128xi32, #tpu.memory_space<hbm>>
        tpu.enqueue_dma source(%dma_start3A_52 : memref<128xi32, #tpu.memory_space<hbm>>) target(%arg8 : memref<128xi32, #tpu.memory_space<vmem>>) target_semaphore(%run_scoped3A : memref<!tpu.dma_semaphore, #tpu.memory_space<semaphore_mem>>)
        %dma_wait3A = tpu.memref_slice %arg4[%multiple_of3A_51] : memref<320000xi32, #tpu.memory_space<hbm>> -> memref<128xi32, #tpu.memory_space<hbm>>
        %dma_wait3A_53 = tpu.memref_slice %arg4[%multiple_of3A_51] : memref<320000xi32, #tpu.memory_space<hbm>> -> memref<128xi32, #tpu.memory_space<hbm>>
        tpu.wait_dma2 semaphore(%run_scoped3A : memref<!tpu.dma_semaphore, #tpu.memory_space<semaphore_mem>>) src(%dma_wait3A_53 : memref<128xi32, #tpu.memory_space<hbm>>) dst(%arg8 : memref<128xi32, #tpu.memory_space<vmem>>)
        tpu.yield
      }) : () -> ()
      "tpu.region"() ({
        %run_scoped3A = tpu.sem_alloc : memref<!tpu.dma_semaphore, #tpu.memory_space<semaphore_mem>>
        %dma_start3A = tpu.memref_slice %arg5[%multiple_of3A_51] : memref<320000xi32, #tpu.memory_space<hbm>> -> memref<128xi32, #tpu.memory_space<hbm>>
        %dma_start3A_52 = tpu.memref_slice %arg5[%multiple_of3A_51] : memref<320000xi32, #tpu.memory_space<hbm>> -> memref<128xi32, #tpu.memory_space<hbm>>
        tpu.enqueue_dma source(%dma_start3A_52 : memref<128xi32, #tpu.memory_space<hbm>>) target(%arg9 : memref<128xi32, #tpu.memory_space<vmem>>) target_semaphore(%run_scoped3A : memref<!tpu.dma_semaphore, #tpu.memory_space<semaphore_mem>>)
        %dma_wait3A = tpu.memref_slice %arg5[%multiple_of3A_51] : memref<320000xi32, #tpu.memory_space<hbm>> -> memref<128xi32, #tpu.memory_space<hbm>>
        %dma_wait3A_53 = tpu.memref_slice %arg5[%multiple_of3A_51] : memref<320000xi32, #tpu.memory_space<hbm>> -> memref<128xi32, #tpu.memory_space<hbm>>
        tpu.wait_dma2 semaphore(%run_scoped3A : memref<!tpu.dma_semaphore, #tpu.memory_space<semaphore_mem>>) src(%dma_wait3A_53 : memref<128xi32, #tpu.memory_space<hbm>>) dst(%arg9 : memref<128xi32, #tpu.memory_space<vmem>>)
        tpu.yield
      }) : () -> ()
      "tpu.region"() ({
        %run_scoped3A = tpu.sem_alloc : memref<!tpu.dma_semaphore, #tpu.memory_space<semaphore_mem>>
        %dma_start3A = arith.constant 0 : i32
        %dma_start3A_52 = tpu.memref_slice %arg2[%multiple_of3A_51, %dma_start3A] : memref<320000x128xf32, #tpu.memory_space<hbm>> -> memref<128x128xf32, #tpu.memory_space<hbm>>
        %dma_start3A_53 = arith.constant 0 : i32
        %dma_start3A_54 = tpu.memref_slice %arg2[%multiple_of3A_51, %dma_start3A_53] : memref<320000x128xf32, #tpu.memory_space<hbm>> -> memref<128x128xf32, #tpu.memory_space<hbm>>
        tpu.enqueue_dma source(%dma_start3A_54 : memref<128x128xf32, #tpu.memory_space<hbm>>) target(%arg10 : memref<128x128xf32, #tpu.memory_space<vmem>>) target_semaphore(%run_scoped3A : memref<!tpu.dma_semaphore, #tpu.memory_space<semaphore_mem>>)
        %dma_wait3A = arith.constant 0 : i32
        %dma_wait3A_55 = tpu.memref_slice %arg2[%multiple_of3A_51, %dma_wait3A] : memref<320000x128xf32, #tpu.memory_space<hbm>> -> memref<128x128xf32, #tpu.memory_space<hbm>>
        %dma_wait3A_56 = arith.constant 0 : i32
        %dma_wait3A_57 = tpu.memref_slice %arg2[%multiple_of3A_51, %dma_wait3A_56] : memref<320000x128xf32, #tpu.memory_space<hbm>> -> memref<128x128xf32, #tpu.memory_space<hbm>>
        tpu.wait_dma2 semaphore(%run_scoped3A : memref<!tpu.dma_semaphore, #tpu.memory_space<semaphore_mem>>) src(%dma_wait3A_57 : memref<128x128xf32, #tpu.memory_space<hbm>>) dst(%arg10 : memref<128x128xf32, #tpu.memory_space<vmem>>)
        tpu.yield
      }) : () -> ()
      "tpu.region"() ({
        %run_scoped3A = tpu.sem_alloc : memref<!tpu.dma_semaphore, #tpu.memory_space<semaphore_mem>>
        %dma_start3A = arith.constant 0 : i32
        %dma_start3A_52 = tpu.memref_slice %arg3[%multiple_of3A_51, %dma_start3A] : memref<320000x128xf32, #tpu.memory_space<hbm>> -> memref<128x128xf32, #tpu.memory_space<hbm>>
        %dma_start3A_53 = arith.constant 0 : i32
        %dma_start3A_54 = tpu.memref_slice %arg3[%multiple_of3A_51, %dma_start3A_53] : memref<320000x128xf32, #tpu.memory_space<hbm>> -> memref<128x128xf32, #tpu.memory_space<hbm>>
        tpu.enqueue_dma source(%dma_start3A_54 : memref<128x128xf32, #tpu.memory_space<hbm>>) target(%arg11 : memref<128x128xf32, #tpu.memory_space<vmem>>) target_semaphore(%run_scoped3A : memref<!tpu.dma_semaphore, #tpu.memory_space<semaphore_mem>>)
        %dma_wait3A = arith.constant 0 : i32
        %dma_wait3A_55 = tpu.memref_slice %arg3[%multiple_of3A_51, %dma_wait3A] : memref<320000x128xf32, #tpu.memory_space<hbm>> -> memref<128x128xf32, #tpu.memory_space<hbm>>
        %dma_wait3A_56 = arith.constant 0 : i32
        %dma_wait3A_57 = tpu.memref_slice %arg3[%multiple_of3A_51, %dma_wait3A_56] : memref<320000x128xf32, #tpu.memory_space<hbm>> -> memref<128x128xf32, #tpu.memory_space<hbm>>
        tpu.wait_dma2 semaphore(%run_scoped3A : memref<!tpu.dma_semaphore, #tpu.memory_space<semaphore_mem>>) src(%dma_wait3A_57 : memref<128x128xf32, #tpu.memory_space<hbm>>) dst(%arg11 : memref<128x128xf32, #tpu.memory_space<vmem>>)
        tpu.yield
      }) : () -> ()
      "tpu.region"() ({
        %run_scoped3A = tpu.sem_alloc : memref<!tpu.dma_semaphore, #tpu.memory_space<semaphore_mem>>
        %dma_start3A = arith.constant 0 : i32
        %dma_start3A_52 = arith.constant 0 : i32
        %dma_start3A_53 = tpu.memref_slice %arg12[%dma_start3A, %dma_start3A_52] : memref<10240x128xf32, #tpu.memory_space<vmem_shared>> -> memref<10240x128xf32, #tpu.memory_space<vmem_shared>>
        tpu.enqueue_indirect_dma source(%arg10 : memref<128x128xf32, #tpu.memory_space<vmem>>) target(%dma_start3A_53 : memref<10240x128xf32, #tpu.memory_space<vmem_shared>>) offsets(%arg8 : memref<128xi32, #tpu.memory_space<vmem>>) semaphore(%run_scoped3A : memref<!tpu.dma_semaphore, #tpu.memory_space<semaphore_mem>>) {add = true}
        %dma_wait3A = arith.constant 0 : i32
        %dma_wait3A_54 = arith.constant 0 : i32
        %dma_wait3A_55 = tpu.memref_slice %arg12[%dma_wait3A, %dma_wait3A_54] : memref<10240x128xf32, #tpu.memory_space<vmem_shared>> -> memref<10240x128xf32, #tpu.memory_space<vmem_shared>>
        tpu.wait_indirect_dma semaphore(%run_scoped3A : memref<!tpu.dma_semaphore, #tpu.memory_space<semaphore_mem>>) src(%arg10 : memref<128x128xf32, #tpu.memory_space<vmem>>) dst(%dma_wait3A_55 : memref<10240x128xf32, #tpu.memory_space<vmem_shared>>)
        tpu.yield
      }) : () -> ()
      "tpu.region"() ({
        %run_scoped3A = tpu.sem_alloc : memref<!tpu.dma_semaphore, #tpu.memory_space<semaphore_mem>>
        %dma_start3A = arith.constant 0 : i32
        %dma_start3A_52 = arith.constant 0 : i32
        %dma_start3A_53 = tpu.memref_slice %arg13[%dma_start3A, %dma_start3A_52] : memref<1280x128xf32, #tpu.memory_space<vmem_shared>> -> memref<1280x128xf32, #tpu.memory_space<vmem_shared>>
        tpu.enqueue_indirect_dma source(%arg11 : memref<128x128xf32, #tpu.memory_space<vmem>>) target(%dma_start3A_53 : memref<1280x128xf32, #tpu.memory_space<vmem_shared>>) offsets(%arg9 : memref<128xi32, #tpu.memory_space<vmem>>) semaphore(%run_scoped3A : memref<!tpu.dma_semaphore, #tpu.memory_space<semaphore_mem>>) {add = true}
        %dma_wait3A = arith.constant 0 : i32
        %dma_wait3A_54 = arith.constant 0 : i32
        %dma_wait3A_55 = tpu.memref_slice %arg13[%dma_wait3A, %dma_wait3A_54] : memref<1280x128xf32, #tpu.memory_space<vmem_shared>> -> memref<1280x128xf32, #tpu.memory_space<vmem_shared>>
        tpu.wait_indirect_dma semaphore(%run_scoped3A : memref<!tpu.dma_semaphore, #tpu.memory_space<semaphore_mem>>) src(%arg11 : memref<128x128xf32, #tpu.memory_space<vmem>>) dst(%dma_wait3A_55 : memref<1280x128xf32, #tpu.memory_space<vmem_shared>>)
        tpu.yield
      }) : () -> ()
    }
    %while3A_33 = arith.constant 1 : i32
    scf.for %while3A_45 = %while3A_31 to %while3A_27 step %while3A_33  : i32 {
      %mul3A_46 = arith.constant 32 : i32
      %mul3A_47 = arith.muli %while3A_45, %mul3A_46 : i32
      %add3A_48 = arith.addi %add3A, %mul3A_47 : i32
      %mul3A_49 = arith.constant 128 : i32
      %mul3A_50 = arith.muli %add3A_48, %mul3A_49 : i32
      %multiple_of3A_51 = tpu.assume_multiple %mul3A_50, 128 : i32
      "tpu.region"() ({
        %run_scoped3A = tpu.sem_alloc : memref<!tpu.dma_semaphore, #tpu.memory_space<semaphore_mem>>
        %dma_start3A = tpu.memref_slice %arg4[%multiple_of3A_51] : memref<320000xi32, #tpu.memory_space<hbm>> -> memref<128xi32, #tpu.memory_space<hbm>>
        %dma_start3A_52 = tpu.memref_slice %arg4[%multiple_of3A_51] : memref<320000xi32, #tpu.memory_space<hbm>> -> memref<128xi32, #tpu.memory_space<hbm>>
        tpu.enqueue_dma source(%dma_start3A_52 : memref<128xi32, #tpu.memory_space<hbm>>) target(%arg8 : memref<128xi32, #tpu.memory_space<vmem>>) target_semaphore(%run_scoped3A : memref<!tpu.dma_semaphore, #tpu.memory_space<semaphore_mem>>)
        %dma_wait3A = tpu.memref_slice %arg4[%multiple_of3A_51] : memref<320000xi32, #tpu.memory_space<hbm>> -> memref<128xi32, #tpu.memory_space<hbm>>
        %dma_wait3A_53 = tpu.memref_slice %arg4[%multiple_of3A_51] : memref<320000xi32, #tpu.memory_space<hbm>> -> memref<128xi32, #tpu.memory_space<hbm>>
        tpu.wait_dma2 semaphore(%run_scoped3A : memref<!tpu.dma_semaphore, #tpu.memory_space<semaphore_mem>>) src(%dma_wait3A_53 : memref<128xi32, #tpu.memory_space<hbm>>) dst(%arg8 : memref<128xi32, #tpu.memory_space<vmem>>)
        tpu.yield
      }) : () -> ()
      "tpu.region"() ({
        %run_scoped3A = tpu.sem_alloc : memref<!tpu.dma_semaphore, #tpu.memory_space<semaphore_mem>>
        %dma_start3A = tpu.memref_slice %arg5[%multiple_of3A_51] : memref<320000xi32, #tpu.memory_space<hbm>> -> memref<128xi32, #tpu.memory_space<hbm>>
        %dma_start3A_52 = tpu.memref_slice %arg5[%multiple_of3A_51] : memref<320000xi32, #tpu.memory_space<hbm>> -> memref<128xi32, #tpu.memory_space<hbm>>
        tpu.enqueue_dma source(%dma_start3A_52 : memref<128xi32, #tpu.memory_space<hbm>>) target(%arg9 : memref<128xi32, #tpu.memory_space<vmem>>) target_semaphore(%run_scoped3A : memref<!tpu.dma_semaphore, #tpu.memory_space<semaphore_mem>>)
        %dma_wait3A = tpu.memref_slice %arg5[%multiple_of3A_51] : memref<320000xi32, #tpu.memory_space<hbm>> -> memref<128xi32, #tpu.memory_space<hbm>>
        %dma_wait3A_53 = tpu.memref_slice %arg5[%multiple_of3A_51] : memref<320000xi32, #tpu.memory_space<hbm>> -> memref<128xi32, #tpu.memory_space<hbm>>
        tpu.wait_dma2 semaphore(%run_scoped3A : memref<!tpu.dma_semaphore, #tpu.memory_space<semaphore_mem>>) src(%dma_wait3A_53 : memref<128xi32, #tpu.memory_space<hbm>>) dst(%arg9 : memref<128xi32, #tpu.memory_space<vmem>>)
        tpu.yield
      }) : () -> ()
      "tpu.region"() ({
        %run_scoped3A = tpu.sem_alloc : memref<!tpu.dma_semaphore, #tpu.memory_space<semaphore_mem>>
        %dma_start3A = arith.constant 0 : i32
        %dma_start3A_52 = tpu.memref_slice %arg2[%multiple_of3A_51, %dma_start3A] : memref<320000x128xf32, #tpu.memory_space<hbm>> -> memref<128x128xf32, #tpu.memory_space<hbm>>
        %dma_start3A_53 = arith.constant 0 : i32
        %dma_start3A_54 = tpu.memref_slice %arg2[%multiple_of3A_51, %dma_start3A_53] : memref<320000x128xf32, #tpu.memory_space<hbm>> -> memref<128x128xf32, #tpu.memory_space<hbm>>
        tpu.enqueue_dma source(%dma_start3A_54 : memref<128x128xf32, #tpu.memory_space<hbm>>) target(%arg10 : memref<128x128xf32, #tpu.memory_space<vmem>>) target_semaphore(%run_scoped3A : memref<!tpu.dma_semaphore, #tpu.memory_space<semaphore_mem>>)
        %dma_wait3A = arith.constant 0 : i32
        %dma_wait3A_55 = tpu.memref_slice %arg2[%multiple_of3A_51, %dma_wait3A] : memref<320000x128xf32, #tpu.memory_space<hbm>> -> memref<128x128xf32, #tpu.memory_space<hbm>>
        %dma_wait3A_56 = arith.constant 0 : i32
        %dma_wait3A_57 = tpu.memref_slice %arg2[%multiple_of3A_51, %dma_wait3A_56] : memref<320000x128xf32, #tpu.memory_space<hbm>> -> memref<128x128xf32, #tpu.memory_space<hbm>>
        tpu.wait_dma2 semaphore(%run_scoped3A : memref<!tpu.dma_semaphore, #tpu.memory_space<semaphore_mem>>) src(%dma_wait3A_57 : memref<128x128xf32, #tpu.memory_space<hbm>>) dst(%arg10 : memref<128x128xf32, #tpu.memory_space<vmem>>)
        tpu.yield
      }) : () -> ()
      "tpu.region"() ({
        %run_scoped3A = tpu.sem_alloc : memref<!tpu.dma_semaphore, #tpu.memory_space<semaphore_mem>>
        %dma_start3A = arith.constant 0 : i32
        %dma_start3A_52 = tpu.memref_slice %arg3[%multiple_of3A_51, %dma_start3A] : memref<320000x128xf32, #tpu.memory_space<hbm>> -> memref<128x128xf32, #tpu.memory_space<hbm>>
        %dma_start3A_53 = arith.constant 0 : i32
        %dma_start3A_54 = tpu.memref_slice %arg3[%multiple_of3A_51, %dma_start3A_53] : memref<320000x128xf32, #tpu.memory_space<hbm>> -> memref<128x128xf32, #tpu.memory_space<hbm>>
        tpu.enqueue_dma source(%dma_start3A_54 : memref<128x128xf32, #tpu.memory_space<hbm>>) target(%arg11 : memref<128x128xf32, #tpu.memory_space<vmem>>) target_semaphore(%run_scoped3A : memref<!tpu.dma_semaphore, #tpu.memory_space<semaphore_mem>>)
        %dma_wait3A = arith.constant 0 : i32
        %dma_wait3A_55 = tpu.memref_slice %arg3[%multiple_of3A_51, %dma_wait3A] : memref<320000x128xf32, #tpu.memory_space<hbm>> -> memref<128x128xf32, #tpu.memory_space<hbm>>
        %dma_wait3A_56 = arith.constant 0 : i32
        %dma_wait3A_57 = tpu.memref_slice %arg3[%multiple_of3A_51, %dma_wait3A_56] : memref<320000x128xf32, #tpu.memory_space<hbm>> -> memref<128x128xf32, #tpu.memory_space<hbm>>
        tpu.wait_dma2 semaphore(%run_scoped3A : memref<!tpu.dma_semaphore, #tpu.memory_space<semaphore_mem>>) src(%dma_wait3A_57 : memref<128x128xf32, #tpu.memory_space<hbm>>) dst(%arg11 : memref<128x128xf32, #tpu.memory_space<vmem>>)
        tpu.yield
      }) : () -> ()
      "tpu.region"() ({
        %run_scoped3A = tpu.sem_alloc : memref<!tpu.dma_semaphore, #tpu.memory_space<semaphore_mem>>
        %dma_start3A = arith.constant 0 : i32
        %dma_start3A_52 = arith.constant 0 : i32
        %dma_start3A_53 = tpu.memref_slice %arg12[%dma_start3A, %dma_start3A_52] : memref<10240x128xf32, #tpu.memory_space<vmem_shared>> -> memref<10240x128xf32, #tpu.memory_space<vmem_shared>>
        tpu.enqueue_indirect_dma source(%arg10 : memref<128x128xf32, #tpu.memory_space<vmem>>) target(%dma_start3A_53 : memref<10240x128xf32, #tpu.memory_space<vmem_shared>>) offsets(%arg8 : memref<128xi32, #tpu.memory_space<vmem>>) semaphore(%run_scoped3A : memref<!tpu.dma_semaphore, #tpu.memory_space<semaphore_mem>>) {add = true}
        %dma_wait3A = arith.constant 0 : i32
        %dma_wait3A_54 = arith.constant 0 : i32
        %dma_wait3A_55 = tpu.memref_slice %arg12[%dma_wait3A, %dma_wait3A_54] : memref<10240x128xf32, #tpu.memory_space<vmem_shared>> -> memref<10240x128xf32, #tpu.memory_space<vmem_shared>>
        tpu.wait_indirect_dma semaphore(%run_scoped3A : memref<!tpu.dma_semaphore, #tpu.memory_space<semaphore_mem>>) src(%arg10 : memref<128x128xf32, #tpu.memory_space<vmem>>) dst(%dma_wait3A_55 : memref<10240x128xf32, #tpu.memory_space<vmem_shared>>)
        tpu.yield
      }) : () -> ()
      "tpu.region"() ({
        %run_scoped3A = tpu.sem_alloc : memref<!tpu.dma_semaphore, #tpu.memory_space<semaphore_mem>>
        %dma_start3A = arith.constant 0 : i32
        %dma_start3A_52 = arith.constant 0 : i32
        %dma_start3A_53 = tpu.memref_slice %arg13[%dma_start3A, %dma_start3A_52] : memref<1280x128xf32, #tpu.memory_space<vmem_shared>> -> memref<1280x128xf32, #tpu.memory_space<vmem_shared>>
        tpu.enqueue_indirect_dma source(%arg11 : memref<128x128xf32, #tpu.memory_space<vmem>>) target(%dma_start3A_53 : memref<1280x128xf32, #tpu.memory_space<vmem_shared>>) offsets(%arg9 : memref<128xi32, #tpu.memory_space<vmem>>) semaphore(%run_scoped3A : memref<!tpu.dma_semaphore, #tpu.memory_space<semaphore_mem>>) {add = true}
        %dma_wait3A = arith.constant 0 : i32
        %dma_wait3A_54 = arith.constant 0 : i32
        %dma_wait3A_55 = tpu.memref_slice %arg13[%dma_wait3A, %dma_wait3A_54] : memref<1280x128xf32, #tpu.memory_space<vmem_shared>> -> memref<1280x128xf32, #tpu.memory_space<vmem_shared>>
        tpu.wait_indirect_dma semaphore(%run_scoped3A : memref<!tpu.dma_semaphore, #tpu.memory_space<semaphore_mem>>) src(%arg11 : memref<128x128xf32, #tpu.memory_space<vmem>>) dst(%dma_wait3A_55 : memref<1280x128xf32, #tpu.memory_space<vmem_shared>>)
        tpu.yield
      }) : () -> ()
    }
    %barrier3A_34 = arith.constant 0 : index
    tpu.barrier barrier_id(%barrier3A_34)
    %add3A_35 = arith.constant 0 : i32
    %add3A_36 = arith.addi %multiple_of3A, %add3A_35 : i32
    "tpu.region"() ({
      %run_scoped3A = tpu.sem_alloc : memref<!tpu.dma_semaphore, #tpu.memory_space<semaphore_mem>>
      %dma_start3A = arith.constant 0 : i32
      %dma_start3A_45 = tpu.memref_slice %arg12[%add3A_36, %dma_start3A] : memref<10240x128xf32, #tpu.memory_space<vmem_shared>> -> memref<128x128xf32, #tpu.memory_space<vmem_shared>>
      %dma_start3A_46 = arith.constant 0 : i32
      %dma_start3A_47 = tpu.memref_slice %arg12[%add3A_36, %dma_start3A_46] : memref<10240x128xf32, #tpu.memory_space<vmem_shared>> -> memref<128x128xf32, #tpu.memory_space<vmem_shared>>
      tpu.enqueue_dma source(%dma_start3A_47 : memref<128x128xf32, #tpu.memory_space<vmem_shared>>) target(%arg10 : memref<128x128xf32, #tpu.memory_space<vmem>>) target_semaphore(%run_scoped3A : memref<!tpu.dma_semaphore, #tpu.memory_space<semaphore_mem>>)
      %dma_wait3A = arith.constant 0 : i32
      %dma_wait3A_48 = tpu.memref_slice %arg12[%add3A_36, %dma_wait3A] : memref<10240x128xf32, #tpu.memory_space<vmem_shared>> -> memref<128x128xf32, #tpu.memory_space<vmem_shared>>
      %dma_wait3A_49 = arith.constant 0 : i32
      %dma_wait3A_50 = tpu.memref_slice %arg12[%add3A_36, %dma_wait3A_49] : memref<10240x128xf32, #tpu.memory_space<vmem_shared>> -> memref<128x128xf32, #tpu.memory_space<vmem_shared>>
      tpu.wait_dma2 semaphore(%run_scoped3A : memref<!tpu.dma_semaphore, #tpu.memory_space<semaphore_mem>>) src(%dma_wait3A_50 : memref<128x128xf32, #tpu.memory_space<vmem_shared>>) dst(%arg10 : memref<128x128xf32, #tpu.memory_space<vmem>>)
      tpu.yield
    }) : () -> ()
    "tpu.region"() ({
      %run_scoped3A = tpu.sem_alloc : memref<!tpu.dma_semaphore, #tpu.memory_space<semaphore_mem>>
      %dma_start3A = arith.constant 0 : i32
      %dma_start3A_45 = tpu.memref_slice %arg6[%arg0, %add3A_36, %dma_start3A] : memref<2x10240x128xf32, #tpu.memory_space<hbm>> -> memref<1x128x128xf32, #tpu.memory_space<hbm>>
      %dma_start3A_46 = tpu.memref_squeeze %dma_start3A_45 : memref<1x128x128xf32, #tpu.memory_space<hbm>> -> memref<128x128xf32, #tpu.memory_space<hbm>>
      %dma_start3A_47 = arith.constant 0 : i32
      %dma_start3A_48 = tpu.memref_slice %arg6[%arg0, %add3A_36, %dma_start3A_47] : memref<2x10240x128xf32, #tpu.memory_space<hbm>> -> memref<1x128x128xf32, #tpu.memory_space<hbm>>
      %dma_start3A_49 = tpu.memref_squeeze %dma_start3A_48 : memref<1x128x128xf32, #tpu.memory_space<hbm>> -> memref<128x128xf32, #tpu.memory_space<hbm>>
      tpu.enqueue_dma source(%arg10 : memref<128x128xf32, #tpu.memory_space<vmem>>) target(%dma_start3A_49 : memref<128x128xf32, #tpu.memory_space<hbm>>) target_semaphore(%run_scoped3A : memref<!tpu.dma_semaphore, #tpu.memory_space<semaphore_mem>>)
      %dma_wait3A = arith.constant 0 : i32
      %dma_wait3A_50 = tpu.memref_slice %arg6[%arg0, %add3A_36, %dma_wait3A] : memref<2x10240x128xf32, #tpu.memory_space<hbm>> -> memref<1x128x128xf32, #tpu.memory_space<hbm>>
      %dma_wait3A_51 = tpu.memref_squeeze %dma_wait3A_50 : memref<1x128x128xf32, #tpu.memory_space<hbm>> -> memref<128x128xf32, #tpu.memory_space<hbm>>
      %dma_wait3A_52 = arith.constant 0 : i32
      %dma_wait3A_53 = tpu.memref_slice %arg6[%arg0, %add3A_36, %dma_wait3A_52] : memref<2x10240x128xf32, #tpu.memory_space<hbm>> -> memref<1x128x128xf32, #tpu.memory_space<hbm>>
      %dma_wait3A_54 = tpu.memref_squeeze %dma_wait3A_53 : memref<1x128x128xf32, #tpu.memory_space<hbm>> -> memref<128x128xf32, #tpu.memory_space<hbm>>
      tpu.wait_dma2 semaphore(%run_scoped3A : memref<!tpu.dma_semaphore, #tpu.memory_space<semaphore_mem>>) src(%arg10 : memref<128x128xf32, #tpu.memory_space<vmem>>) dst(%dma_wait3A_54 : memref<128x128xf32, #tpu.memory_space<hbm>>)
      tpu.yield
    }) : () -> ()
    %add3A_37 = arith.constant 128 : i32
    %add3A_38 = arith.addi %multiple_of3A, %add3A_37 : i32
    "tpu.region"() ({
      %run_scoped3A = tpu.sem_alloc : memref<!tpu.dma_semaphore, #tpu.memory_space<semaphore_mem>>
      %dma_start3A = arith.constant 0 : i32
      %dma_start3A_45 = tpu.memref_slice %arg12[%add3A_38, %dma_start3A] : memref<10240x128xf32, #tpu.memory_space<vmem_shared>> -> memref<128x128xf32, #tpu.memory_space<vmem_shared>>
      %dma_start3A_46 = arith.constant 0 : i32
      %dma_start3A_47 = tpu.memref_slice %arg12[%add3A_38, %dma_start3A_46] : memref<10240x128xf32, #tpu.memory_space<vmem_shared>> -> memref<128x128xf32, #tpu.memory_space<vmem_shared>>
      tpu.enqueue_dma source(%dma_start3A_47 : memref<128x128xf32, #tpu.memory_space<vmem_shared>>) target(%arg10 : memref<128x128xf32, #tpu.memory_space<vmem>>) target_semaphore(%run_scoped3A : memref<!tpu.dma_semaphore, #tpu.memory_space<semaphore_mem>>)
      %dma_wait3A = arith.constant 0 : i32
      %dma_wait3A_48 = tpu.memref_slice %arg12[%add3A_38, %dma_wait3A] : memref<10240x128xf32, #tpu.memory_space<vmem_shared>> -> memref<128x128xf32, #tpu.memory_space<vmem_shared>>
      %dma_wait3A_49 = arith.constant 0 : i32
      %dma_wait3A_50 = tpu.memref_slice %arg12[%add3A_38, %dma_wait3A_49] : memref<10240x128xf32, #tpu.memory_space<vmem_shared>> -> memref<128x128xf32, #tpu.memory_space<vmem_shared>>
      tpu.wait_dma2 semaphore(%run_scoped3A : memref<!tpu.dma_semaphore, #tpu.memory_space<semaphore_mem>>) src(%dma_wait3A_50 : memref<128x128xf32, #tpu.memory_space<vmem_shared>>) dst(%arg10 : memref<128x128xf32, #tpu.memory_space<vmem>>)
      tpu.yield
    }) : () -> ()
    "tpu.region"() ({
      %run_scoped3A = tpu.sem_alloc : memref<!tpu.dma_semaphore, #tpu.memory_space<semaphore_mem>>
      %dma_start3A = arith.constant 0 : i32
      %dma_start3A_45 = tpu.memref_slice %arg6[%arg0, %add3A_38, %dma_start3A] : memref<2x10240x128xf32, #tpu.memory_space<hbm>> -> memref<1x128x128xf32, #tpu.memory_space<hbm>>
      %dma_start3A_46 = tpu.memref_squeeze %dma_start3A_45 : memref<1x128x128xf32, #tpu.memory_space<hbm>> -> memref<128x128xf32, #tpu.memory_space<hbm>>
      %dma_start3A_47 = arith.constant 0 : i32
      %dma_start3A_48 = tpu.memref_slice %arg6[%arg0, %add3A_38, %dma_start3A_47] : memref<2x10240x128xf32, #tpu.memory_space<hbm>> -> memref<1x128x128xf32, #tpu.memory_space<hbm>>
      %dma_start3A_49 = tpu.memref_squeeze %dma_start3A_48 : memref<1x128x128xf32, #tpu.memory_space<hbm>> -> memref<128x128xf32, #tpu.memory_space<hbm>>
      tpu.enqueue_dma source(%arg10 : memref<128x128xf32, #tpu.memory_space<vmem>>) target(%dma_start3A_49 : memref<128x128xf32, #tpu.memory_space<hbm>>) target_semaphore(%run_scoped3A : memref<!tpu.dma_semaphore, #tpu.memory_space<semaphore_mem>>)
      %dma_wait3A = arith.constant 0 : i32
      %dma_wait3A_50 = tpu.memref_slice %arg6[%arg0, %add3A_38, %dma_wait3A] : memref<2x10240x128xf32, #tpu.memory_space<hbm>> -> memref<1x128x128xf32, #tpu.memory_space<hbm>>
      %dma_wait3A_51 = tpu.memref_squeeze %dma_wait3A_50 : memref<1x128x128xf32, #tpu.memory_space<hbm>> -> memref<128x128xf32, #tpu.memory_space<hbm>>
      %dma_wait3A_52 = arith.constant 0 : i32
      %dma_wait3A_53 = tpu.memref_slice %arg6[%arg0, %add3A_38, %dma_wait3A_52] : memref<2x10240x128xf32, #tpu.memory_space<hbm>> -> memref<1x128x128xf32, #tpu.memory_space<hbm>>
      %dma_wait3A_54 = tpu.memref_squeeze %dma_wait3A_53 : memref<1x128x128xf32, #tpu.memory_space<hbm>> -> memref<128x128xf32, #tpu.memory_space<hbm>>
      tpu.wait_dma2 semaphore(%run_scoped3A : memref<!tpu.dma_semaphore, #tpu.memory_space<semaphore_mem>>) src(%arg10 : memref<128x128xf32, #tpu.memory_space<vmem>>) dst(%dma_wait3A_54 : memref<128x128xf32, #tpu.memory_space<hbm>>)
      tpu.yield
    }) : () -> ()
    %add3A_39 = arith.constant 256 : i32
    %add3A_40 = arith.addi %multiple_of3A, %add3A_39 : i32
    "tpu.region"() ({
      %run_scoped3A = tpu.sem_alloc : memref<!tpu.dma_semaphore, #tpu.memory_space<semaphore_mem>>
      %dma_start3A = arith.constant 0 : i32
      %dma_start3A_45 = tpu.memref_slice %arg12[%add3A_40, %dma_start3A] : memref<10240x128xf32, #tpu.memory_space<vmem_shared>> -> memref<128x128xf32, #tpu.memory_space<vmem_shared>>
      %dma_start3A_46 = arith.constant 0 : i32
      %dma_start3A_47 = tpu.memref_slice %arg12[%add3A_40, %dma_start3A_46] : memref<10240x128xf32, #tpu.memory_space<vmem_shared>> -> memref<128x128xf32, #tpu.memory_space<vmem_shared>>
      tpu.enqueue_dma source(%dma_start3A_47 : memref<128x128xf32, #tpu.memory_space<vmem_shared>>) target(%arg10 : memref<128x128xf32, #tpu.memory_space<vmem>>) target_semaphore(%run_scoped3A : memref<!tpu.dma_semaphore, #tpu.memory_space<semaphore_mem>>)
      %dma_wait3A = arith.constant 0 : i32
      %dma_wait3A_48 = tpu.memref_slice %arg12[%add3A_40, %dma_wait3A] : memref<10240x128xf32, #tpu.memory_space<vmem_shared>> -> memref<128x128xf32, #tpu.memory_space<vmem_shared>>
      %dma_wait3A_49 = arith.constant 0 : i32
      %dma_wait3A_50 = tpu.memref_slice %arg12[%add3A_40, %dma_wait3A_49] : memref<10240x128xf32, #tpu.memory_space<vmem_shared>> -> memref<128x128xf32, #tpu.memory_space<vmem_shared>>
      tpu.wait_dma2 semaphore(%run_scoped3A : memref<!tpu.dma_semaphore, #tpu.memory_space<semaphore_mem>>) src(%dma_wait3A_50 : memref<128x128xf32, #tpu.memory_space<vmem_shared>>) dst(%arg10 : memref<128x128xf32, #tpu.memory_space<vmem>>)
      tpu.yield
    }) : () -> ()
    "tpu.region"() ({
      %run_scoped3A = tpu.sem_alloc : memref<!tpu.dma_semaphore, #tpu.memory_space<semaphore_mem>>
      %dma_start3A = arith.constant 0 : i32
      %dma_start3A_45 = tpu.memref_slice %arg6[%arg0, %add3A_40, %dma_start3A] : memref<2x10240x128xf32, #tpu.memory_space<hbm>> -> memref<1x128x128xf32, #tpu.memory_space<hbm>>
      %dma_start3A_46 = tpu.memref_squeeze %dma_start3A_45 : memref<1x128x128xf32, #tpu.memory_space<hbm>> -> memref<128x128xf32, #tpu.memory_space<hbm>>
      %dma_start3A_47 = arith.constant 0 : i32
      %dma_start3A_48 = tpu.memref_slice %arg6[%arg0, %add3A_40, %dma_start3A_47] : memref<2x10240x128xf32, #tpu.memory_space<hbm>> -> memref<1x128x128xf32, #tpu.memory_space<hbm>>
      %dma_start3A_49 = tpu.memref_squeeze %dma_start3A_48 : memref<1x128x128xf32, #tpu.memory_space<hbm>> -> memref<128x128xf32, #tpu.memory_space<hbm>>
      tpu.enqueue_dma source(%arg10 : memref<128x128xf32, #tpu.memory_space<vmem>>) target(%dma_start3A_49 : memref<128x128xf32, #tpu.memory_space<hbm>>) target_semaphore(%run_scoped3A : memref<!tpu.dma_semaphore, #tpu.memory_space<semaphore_mem>>)
      %dma_wait3A = arith.constant 0 : i32
      %dma_wait3A_50 = tpu.memref_slice %arg6[%arg0, %add3A_40, %dma_wait3A] : memref<2x10240x128xf32, #tpu.memory_space<hbm>> -> memref<1x128x128xf32, #tpu.memory_space<hbm>>
      %dma_wait3A_51 = tpu.memref_squeeze %dma_wait3A_50 : memref<1x128x128xf32, #tpu.memory_space<hbm>> -> memref<128x128xf32, #tpu.memory_space<hbm>>
      %dma_wait3A_52 = arith.constant 0 : i32
      %dma_wait3A_53 = tpu.memref_slice %arg6[%arg0, %add3A_40, %dma_wait3A_52] : memref<2x10240x128xf32, #tpu.memory_space<hbm>> -> memref<1x128x128xf32, #tpu.memory_space<hbm>>
      %dma_wait3A_54 = tpu.memref_squeeze %dma_wait3A_53 : memref<1x128x128xf32, #tpu.memory_space<hbm>> -> memref<128x128xf32, #tpu.memory_space<hbm>>
      tpu.wait_dma2 semaphore(%run_scoped3A : memref<!tpu.dma_semaphore, #tpu.memory_space<semaphore_mem>>) src(%arg10 : memref<128x128xf32, #tpu.memory_space<vmem>>) dst(%dma_wait3A_54 : memref<128x128xf32, #tpu.memory_space<hbm>>)
      tpu.yield
    }) : () -> ()
    %add3A_41 = arith.constant 384 : i32
    %add3A_42 = arith.addi %multiple_of3A, %add3A_41 : i32
    "tpu.region"() ({
      %run_scoped3A = tpu.sem_alloc : memref<!tpu.dma_semaphore, #tpu.memory_space<semaphore_mem>>
      %dma_start3A = arith.constant 0 : i32
      %dma_start3A_45 = tpu.memref_slice %arg12[%add3A_42, %dma_start3A] : memref<10240x128xf32, #tpu.memory_space<vmem_shared>> -> memref<128x128xf32, #tpu.memory_space<vmem_shared>>
      %dma_start3A_46 = arith.constant 0 : i32
      %dma_start3A_47 = tpu.memref_slice %arg12[%add3A_42, %dma_start3A_46] : memref<10240x128xf32, #tpu.memory_space<vmem_shared>> -> memref<128x128xf32, #tpu.memory_space<vmem_shared>>
      tpu.enqueue_dma source(%dma_start3A_47 : memref<128x128xf32, #tpu.memory_space<vmem_shared>>) target(%arg10 : memref<128x128xf32, #tpu.memory_space<vmem>>) target_semaphore(%run_scoped3A : memref<!tpu.dma_semaphore, #tpu.memory_space<semaphore_mem>>)
      %dma_wait3A = arith.constant 0 : i32
      %dma_wait3A_48 = tpu.memref_slice %arg12[%add3A_42, %dma_wait3A] : memref<10240x128xf32, #tpu.memory_space<vmem_shared>> -> memref<128x128xf32, #tpu.memory_space<vmem_shared>>
      %dma_wait3A_49 = arith.constant 0 : i32
      %dma_wait3A_50 = tpu.memref_slice %arg12[%add3A_42, %dma_wait3A_49] : memref<10240x128xf32, #tpu.memory_space<vmem_shared>> -> memref<128x128xf32, #tpu.memory_space<vmem_shared>>
      tpu.wait_dma2 semaphore(%run_scoped3A : memref<!tpu.dma_semaphore, #tpu.memory_space<semaphore_mem>>) src(%dma_wait3A_50 : memref<128x128xf32, #tpu.memory_space<vmem_shared>>) dst(%arg10 : memref<128x128xf32, #tpu.memory_space<vmem>>)
      tpu.yield
    }) : () -> ()
    "tpu.region"() ({
      %run_scoped3A = tpu.sem_alloc : memref<!tpu.dma_semaphore, #tpu.memory_space<semaphore_mem>>
      %dma_start3A = arith.constant 0 : i32
      %dma_start3A_45 = tpu.memref_slice %arg6[%arg0, %add3A_42, %dma_start3A] : memref<2x10240x128xf32, #tpu.memory_space<hbm>> -> memref<1x128x128xf32, #tpu.memory_space<hbm>>
      %dma_start3A_46 = tpu.memref_squeeze %dma_start3A_45 : memref<1x128x128xf32, #tpu.memory_space<hbm>> -> memref<128x128xf32, #tpu.memory_space<hbm>>
      %dma_start3A_47 = arith.constant 0 : i32
      %dma_start3A_48 = tpu.memref_slice %arg6[%arg0, %add3A_42, %dma_start3A_47] : memref<2x10240x128xf32, #tpu.memory_space<hbm>> -> memref<1x128x128xf32, #tpu.memory_space<hbm>>
      %dma_start3A_49 = tpu.memref_squeeze %dma_start3A_48 : memref<1x128x128xf32, #tpu.memory_space<hbm>> -> memref<128x128xf32, #tpu.memory_space<hbm>>
      tpu.enqueue_dma source(%arg10 : memref<128x128xf32, #tpu.memory_space<vmem>>) target(%dma_start3A_49 : memref<128x128xf32, #tpu.memory_space<hbm>>) target_semaphore(%run_scoped3A : memref<!tpu.dma_semaphore, #tpu.memory_space<semaphore_mem>>)
      %dma_wait3A = arith.constant 0 : i32
      %dma_wait3A_50 = tpu.memref_slice %arg6[%arg0, %add3A_42, %dma_wait3A] : memref<2x10240x128xf32, #tpu.memory_space<hbm>> -> memref<1x128x128xf32, #tpu.memory_space<hbm>>
      %dma_wait3A_51 = tpu.memref_squeeze %dma_wait3A_50 : memref<1x128x128xf32, #tpu.memory_space<hbm>> -> memref<128x128xf32, #tpu.memory_space<hbm>>
      %dma_wait3A_52 = arith.constant 0 : i32
      %dma_wait3A_53 = tpu.memref_slice %arg6[%arg0, %add3A_42, %dma_wait3A_52] : memref<2x10240x128xf32, #tpu.memory_space<hbm>> -> memref<1x128x128xf32, #tpu.memory_space<hbm>>
      %dma_wait3A_54 = tpu.memref_squeeze %dma_wait3A_53 : memref<1x128x128xf32, #tpu.memory_space<hbm>> -> memref<128x128xf32, #tpu.memory_space<hbm>>
      tpu.wait_dma2 semaphore(%run_scoped3A : memref<!tpu.dma_semaphore, #tpu.memory_space<semaphore_mem>>) src(%arg10 : memref<128x128xf32, #tpu.memory_space<vmem>>) dst(%dma_wait3A_54 : memref<128x128xf32, #tpu.memory_space<hbm>>)
      tpu.yield
    }) : () -> ()
    %add3A_43 = arith.constant 512 : i32
    %add3A_44 = arith.addi %multiple_of3A, %add3A_43 : i32
    "tpu.region"() ({
      %run_scoped3A = tpu.sem_alloc : memref<!tpu.dma_semaphore, #tpu.memory_space<semaphore_mem>>
      %dma_start3A = arith.constant 0 : i32
      %dma_start3A_45 = tpu.memref_slice %arg12[%add3A_44, %dma_start3A] : memref<10240x128xf32, #tpu.memory_space<vmem_shared>> -> memref<128x128xf32, #tpu.memory_space<vmem_shared>>
      %dma_start3A_46 = arith.constant 0 : i32
      %dma_start3A_47 = tpu.memref_slice %arg12[%add3A_44, %dma_start3A_46] : memref<10240x128xf32, #tpu.memory_space<vmem_shared>> -> memref<128x128xf32, #tpu.memory_space<vmem_shared>>
      tpu.enqueue_dma source(%dma_start3A_47 : memref<128x128xf32, #tpu.memory_space<vmem_shared>>) target(%arg10 : memref<128x128xf32, #tpu.memory_space<vmem>>) target_semaphore(%run_scoped3A : memref<!tpu.dma_semaphore, #tpu.memory_space<semaphore_mem>>)
      %dma_wait3A = arith.constant 0 : i32
      %dma_wait3A_48 = tpu.memref_slice %arg12[%add3A_44, %dma_wait3A] : memref<10240x128xf32, #tpu.memory_space<vmem_shared>> -> memref<128x128xf32, #tpu.memory_space<vmem_shared>>
      %dma_wait3A_49 = arith.constant 0 : i32
      %dma_wait3A_50 = tpu.memref_slice %arg12[%add3A_44, %dma_wait3A_49] : memref<10240x128xf32, #tpu.memory_space<vmem_shared>> -> memref<128x128xf32, #tpu.memory_space<vmem_shared>>
      tpu.wait_dma2 semaphore(%run_scoped3A : memref<!tpu.dma_semaphore, #tpu.memory_space<semaphore_mem>>) src(%dma_wait3A_50 : memref<128x128xf32, #tpu.memory_space<vmem_shared>>) dst(%arg10 : memref<128x128xf32, #tpu.memory_space<vmem>>)
      tpu.yield
    }) : () -> ()
    "tpu.region"() ({
      %run_scoped3A = tpu.sem_alloc : memref<!tpu.dma_semaphore, #tpu.memory_space<semaphore_mem>>
      %dma_start3A = arith.constant 0 : i32
      %dma_start3A_45 = tpu.memref_slice %arg6[%arg0, %add3A_44, %dma_start3A] : memref<2x10240x128xf32, #tpu.memory_space<hbm>> -> memref<1x128x128xf32, #tpu.memory_space<hbm>>
      %dma_start3A_46 = tpu.memref_squeeze %dma_start3A_45 : memref<1x128x128xf32, #tpu.memory_space<hbm>> -> memref<128x128xf32, #tpu.memory_space<hbm>>
      %dma_start3A_47 = arith.constant 0 : i32
      %dma_start3A_48 = tpu.memref_slice %arg6[%arg0, %add3A_44, %dma_start3A_47] : memref<2x10240x128xf32, #tpu.memory_space<hbm>> -> memref<1x128x128xf32, #tpu.memory_space<hbm>>
      %dma_start3A_49 = tpu.memref_squeeze %dma_start3A_48 : memref<1x128x128xf32, #tpu.memory_space<hbm>> -> memref<128x128xf32, #tpu.memory_space<hbm>>
      tpu.enqueue_dma source(%arg10 : memref<128x128xf32, #tpu.memory_space<vmem>>) target(%dma_start3A_49 : memref<128x128xf32, #tpu.memory_space<hbm>>) target_semaphore(%run_scoped3A : memref<!tpu.dma_semaphore, #tpu.memory_space<semaphore_mem>>)
      %dma_wait3A = arith.constant 0 : i32
      %dma_wait3A_50 = tpu.memref_slice %arg6[%arg0, %add3A_44, %dma_wait3A] : memref<2x10240x128xf32, #tpu.memory_space<hbm>> -> memref<1x128x128xf32, #tpu.memory_space<hbm>>
      %dma_wait3A_51 = tpu.memref_squeeze %dma_wait3A_50 : memref<1x128x128xf32, #tpu.memory_space<hbm>> -> memref<128x128xf32, #tpu.memory_space<hbm>>
      %dma_wait3A_52 = arith.constant 0 : i32
      %dma_wait3A_53 = tpu.memref_slice %arg6[%arg0, %add3A_44, %dma_wait3A_52] : memref<2x10240x128xf32, #tpu.memory_space<hbm>> -> memref<1x128x128xf32, #tpu.memory_space<hbm>>
      %dma_wait3A_54 = tpu.memref_squeeze %dma_wait3A_53 : memref<1x128x128xf32, #tpu.memory_space<hbm>> -> memref<128x128xf32, #tpu.memory_space<hbm>>
      tpu.wait_dma2 semaphore(%run_scoped3A : memref<!tpu.dma_semaphore, #tpu.memory_space<semaphore_mem>>) src(%arg10 : memref<128x128xf32, #tpu.memory_space<vmem>>) dst(%dma_wait3A_54 : memref<128x128xf32, #tpu.memory_space<hbm>>)
      tpu.yield
    }) : () -> ()
    "tpu.region"() ({
      %run_scoped3A = tpu.sem_alloc : memref<!tpu.dma_semaphore, #tpu.memory_space<semaphore_mem>>
      %dma_start3A = arith.constant 0 : i32
      %dma_start3A_45 = arith.constant 0 : i32
      %dma_start3A_46 = tpu.memref_slice %arg11[%dma_start3A, %dma_start3A_45] : memref<128x128xf32, #tpu.memory_space<vmem>> -> memref<80x128xf32, #tpu.memory_space<vmem>>
      %dma_start3A_47 = arith.constant 0 : i32
      %dma_start3A_48 = tpu.memref_slice %arg13[%multiple_of3A_24, %dma_start3A_47] : memref<1280x128xf32, #tpu.memory_space<vmem_shared>> -> memref<80x128xf32, #tpu.memory_space<vmem_shared>>
      %dma_start3A_49 = arith.constant 0 : i32
      %dma_start3A_50 = arith.constant 0 : i32
      %dma_start3A_51 = tpu.memref_slice %arg11[%dma_start3A_49, %dma_start3A_50] : memref<128x128xf32, #tpu.memory_space<vmem>> -> memref<80x128xf32, #tpu.memory_space<vmem>>
      %dma_start3A_52 = arith.constant 0 : i32
      %dma_start3A_53 = tpu.memref_slice %arg13[%multiple_of3A_24, %dma_start3A_52] : memref<1280x128xf32, #tpu.memory_space<vmem_shared>> -> memref<80x128xf32, #tpu.memory_space<vmem_shared>>
      tpu.enqueue_dma source(%dma_start3A_53 : memref<80x128xf32, #tpu.memory_space<vmem_shared>>) target(%dma_start3A_51 : memref<80x128xf32, #tpu.memory_space<vmem>>) target_semaphore(%run_scoped3A : memref<!tpu.dma_semaphore, #tpu.memory_space<semaphore_mem>>)
      %dma_wait3A = arith.constant 0 : i32
      %dma_wait3A_54 = arith.constant 0 : i32
      %dma_wait3A_55 = tpu.memref_slice %arg11[%dma_wait3A, %dma_wait3A_54] : memref<128x128xf32, #tpu.memory_space<vmem>> -> memref<80x128xf32, #tpu.memory_space<vmem>>
      %dma_wait3A_56 = arith.constant 0 : i32
      %dma_wait3A_57 = tpu.memref_slice %arg13[%multiple_of3A_24, %dma_wait3A_56] : memref<1280x128xf32, #tpu.memory_space<vmem_shared>> -> memref<80x128xf32, #tpu.memory_space<vmem_shared>>
      %dma_wait3A_58 = arith.constant 0 : i32
      %dma_wait3A_59 = arith.constant 0 : i32
      %dma_wait3A_60 = tpu.memref_slice %arg11[%dma_wait3A_58, %dma_wait3A_59] : memref<128x128xf32, #tpu.memory_space<vmem>> -> memref<80x128xf32, #tpu.memory_space<vmem>>
      %dma_wait3A_61 = arith.constant 0 : i32
      %dma_wait3A_62 = tpu.memref_slice %arg13[%multiple_of3A_24, %dma_wait3A_61] : memref<1280x128xf32, #tpu.memory_space<vmem_shared>> -> memref<80x128xf32, #tpu.memory_space<vmem_shared>>
      tpu.wait_dma2 semaphore(%run_scoped3A : memref<!tpu.dma_semaphore, #tpu.memory_space<semaphore_mem>>) src(%dma_wait3A_62 : memref<80x128xf32, #tpu.memory_space<vmem_shared>>) dst(%dma_wait3A_60 : memref<80x128xf32, #tpu.memory_space<vmem>>)
      tpu.yield
    }) : () -> ()
    "tpu.region"() ({
      %run_scoped3A = tpu.sem_alloc : memref<!tpu.dma_semaphore, #tpu.memory_space<semaphore_mem>>
      %dma_start3A = arith.constant 0 : i32
      %dma_start3A_45 = arith.constant 0 : i32
      %dma_start3A_46 = tpu.memref_slice %arg11[%dma_start3A, %dma_start3A_45] : memref<128x128xf32, #tpu.memory_space<vmem>> -> memref<80x128xf32, #tpu.memory_space<vmem>>
      %dma_start3A_47 = arith.constant 0 : i32
      %dma_start3A_48 = tpu.memref_slice %arg7[%arg0, %multiple_of3A_24, %dma_start3A_47] : memref<2x1280x128xf32, #tpu.memory_space<hbm>> -> memref<1x80x128xf32, #tpu.memory_space<hbm>>
      %dma_start3A_49 = tpu.memref_squeeze %dma_start3A_48 : memref<1x80x128xf32, #tpu.memory_space<hbm>> -> memref<80x128xf32, #tpu.memory_space<hbm>>
      %dma_start3A_50 = arith.constant 0 : i32
      %dma_start3A_51 = tpu.memref_slice %arg7[%arg0, %multiple_of3A_24, %dma_start3A_50] : memref<2x1280x128xf32, #tpu.memory_space<hbm>> -> memref<1x80x128xf32, #tpu.memory_space<hbm>>
      %dma_start3A_52 = tpu.memref_squeeze %dma_start3A_51 : memref<1x80x128xf32, #tpu.memory_space<hbm>> -> memref<80x128xf32, #tpu.memory_space<hbm>>
      %dma_start3A_53 = arith.constant 0 : i32
      %dma_start3A_54 = arith.constant 0 : i32
      %dma_start3A_55 = tpu.memref_slice %arg11[%dma_start3A_53, %dma_start3A_54] : memref<128x128xf32, #tpu.memory_space<vmem>> -> memref<80x128xf32, #tpu.memory_space<vmem>>
      tpu.enqueue_dma source(%dma_start3A_55 : memref<80x128xf32, #tpu.memory_space<vmem>>) target(%dma_start3A_52 : memref<80x128xf32, #tpu.memory_space<hbm>>) target_semaphore(%run_scoped3A : memref<!tpu.dma_semaphore, #tpu.memory_space<semaphore_mem>>)
      %dma_wait3A = arith.constant 0 : i32
      %dma_wait3A_56 = arith.constant 0 : i32
      %dma_wait3A_57 = tpu.memref_slice %arg11[%dma_wait3A, %dma_wait3A_56] : memref<128x128xf32, #tpu.memory_space<vmem>> -> memref<80x128xf32, #tpu.memory_space<vmem>>
      %dma_wait3A_58 = arith.constant 0 : i32
      %dma_wait3A_59 = tpu.memref_slice %arg7[%arg0, %multiple_of3A_24, %dma_wait3A_58] : memref<2x1280x128xf32, #tpu.memory_space<hbm>> -> memref<1x80x128xf32, #tpu.memory_space<hbm>>
      %dma_wait3A_60 = tpu.memref_squeeze %dma_wait3A_59 : memref<1x80x128xf32, #tpu.memory_space<hbm>> -> memref<80x128xf32, #tpu.memory_space<hbm>>
      %dma_wait3A_61 = arith.constant 0 : i32
      %dma_wait3A_62 = tpu.memref_slice %arg7[%arg0, %multiple_of3A_24, %dma_wait3A_61] : memref<2x1280x128xf32, #tpu.memory_space<hbm>> -> memref<1x80x128xf32, #tpu.memory_space<hbm>>
      %dma_wait3A_63 = tpu.memref_squeeze %dma_wait3A_62 : memref<1x80x128xf32, #tpu.memory_space<hbm>> -> memref<80x128xf32, #tpu.memory_space<hbm>>
      %dma_wait3A_64 = arith.constant 0 : i32
      %dma_wait3A_65 = arith.constant 0 : i32
      %dma_wait3A_66 = tpu.memref_slice %arg11[%dma_wait3A_64, %dma_wait3A_65] : memref<128x128xf32, #tpu.memory_space<vmem>> -> memref<80x128xf32, #tpu.memory_space<vmem>>
      tpu.wait_dma2 semaphore(%run_scoped3A : memref<!tpu.dma_semaphore, #tpu.memory_space<semaphore_mem>>) src(%dma_wait3A_66 : memref<80x128xf32, #tpu.memory_space<vmem>>) dst(%dma_wait3A_63 : memref<80x128xf32, #tpu.memory_space<hbm>>)
      tpu.yield
    }) : () -> ()
    return
  }
}

#map = affine_map<(d0, d1) -> (0, 0)>
#map1 = affine_map<(d0, d1) -> (0)>
module attributes {stable_mosaic.version = 14 : i64} {
  func.func @k(%arg0: i32, %arg1: i32, %arg2: memref<10000x128xf32, #tpu.memory_space<hbm>>, %arg3: memref<10000x256xf32, #tpu.memory_space<hbm>>, %arg4: memref<320000xi32, #tpu.memory_space<hbm>>, %arg5: memref<320000xi32, #tpu.memory_space<hbm>>, %arg6: memref<320000x128xf32, #tpu.memory_space<hbm>>, %arg7: memref<320000x256xf32, #tpu.memory_space<hbm>>, %arg8: memref<128xi32, #tpu.memory_space<vmem>>, %arg9: memref<128xi32, #tpu.memory_space<vmem>>, %arg10: memref<128x128xf32, #tpu.memory_space<vmem>>, %arg11: memref<128x256xf32, #tpu.memory_space<vmem>>, %arg12: memref<128xi32, #tpu.memory_space<vmem>>, %arg13: memref<128xi32, #tpu.memory_space<vmem>>, %arg14: memref<128x128xf32, #tpu.memory_space<vmem>>, %arg15: memref<128x256xf32, #tpu.memory_space<vmem>>, %arg16: memref<!tpu.dma_semaphore, #tpu.memory_space<semaphore_mem>>, %arg17: memref<!tpu.dma_semaphore, #tpu.memory_space<semaphore_mem>>, %arg18: memref<!tpu.dma_semaphore, #tpu.memory_space<semaphore_mem>>, %arg19: memref<!tpu.dma_semaphore, #tpu.memory_space<semaphore_mem>>) attributes {dimension_semantics = [#tpu.dimension_semantics<core_parallel>, #tpu.dimension_semantics<subcore_parallel>], iteration_bounds = array<i64: 2, 16>, scalar_prefetch = 0 : i64, scratch_operands = 12 : i64, tpu.core_type = #tpu.core_type<sc_vector_subcore>, window_params = [{transform_indices = #map}, {transform_indices = #map}, {transform_indices = #map1}, {transform_indices = #map1}, {transform_indices = #map}, {transform_indices = #map}]} {
    %mul3A = arith.constant 2 : i32
    %mul3A_0 = arith.muli %arg1, %mul3A : i32
    %add3A = arith.addi %mul3A_0, %arg0 : i32
    %scan3A = arith.constant 0 : i32
    %scan3A_1 = arith.constant 0 : i32
    %scan3A_2 = arith.constant 39 : i32
    %scan3A_3 = arith.addi %scan3A_1, %scan3A_2 : i32
    %scan3A_4 = arith.constant 1 : i32
    scf.for %scan3A_8 = %scan3A_1 to %scan3A_3 step %scan3A_4  : i32 {
      %mul3A_9 = arith.constant 2 : i32
      %mul3A_10 = arith.muli %mul3A_9, %scan3A_8 : i32
      %mul3A_11 = arith.constant 32 : i32
      %mul3A_12 = arith.muli %mul3A_10, %mul3A_11 : i32
      %add3A_13 = arith.addi %add3A, %mul3A_12 : i32
      %mul3A_14 = arith.constant 128 : i32
      %mul3A_15 = arith.muli %add3A_13, %mul3A_14 : i32
      %multiple_of3A = tpu.assume_multiple %mul3A_15, 128 : i32
      %mul3A_16 = arith.constant 2 : i32
      %mul3A_17 = arith.muli %mul3A_16, %scan3A_8 : i32
      %add3A_18 = arith.constant 1 : i32
      %add3A_19 = arith.addi %mul3A_17, %add3A_18 : i32
      %mul3A_20 = arith.constant 32 : i32
      %mul3A_21 = arith.muli %add3A_19, %mul3A_20 : i32
      %add3A_22 = arith.addi %add3A, %mul3A_21 : i32
      %mul3A_23 = arith.constant 128 : i32
      %mul3A_24 = arith.muli %add3A_22, %mul3A_23 : i32
      %multiple_of3A_25 = tpu.assume_multiple %mul3A_24, 128 : i32
      "tpu.region"() ({
        %run_scoped3A = tpu.sem_alloc : memref<!tpu.dma_semaphore, #tpu.memory_space<semaphore_mem>>
        %dma_start3A_48 = tpu.memref_slice %arg4[%multiple_of3A] : memref<320000xi32, #tpu.memory_space<hbm>> -> memref<128xi32, #tpu.memory_space<hbm>>
        %dma_start3A_49 = tpu.memref_slice %arg4[%multiple_of3A] : memref<320000xi32, #tpu.memory_space<hbm>> -> memref<128xi32, #tpu.memory_space<hbm>>
        tpu.enqueue_dma source(%dma_start3A_49 : memref<128xi32, #tpu.memory_space<hbm>>) target(%arg8 : memref<128xi32, #tpu.memory_space<vmem>>) target_semaphore(%run_scoped3A : memref<!tpu.dma_semaphore, #tpu.memory_space<semaphore_mem>>)
        %dma_wait3A_50 = tpu.memref_slice %arg4[%multiple_of3A] : memref<320000xi32, #tpu.memory_space<hbm>> -> memref<128xi32, #tpu.memory_space<hbm>>
        %dma_wait3A_51 = tpu.memref_slice %arg4[%multiple_of3A] : memref<320000xi32, #tpu.memory_space<hbm>> -> memref<128xi32, #tpu.memory_space<hbm>>
        tpu.wait_dma2 semaphore(%run_scoped3A : memref<!tpu.dma_semaphore, #tpu.memory_space<semaphore_mem>>) src(%dma_wait3A_51 : memref<128xi32, #tpu.memory_space<hbm>>) dst(%arg8 : memref<128xi32, #tpu.memory_space<vmem>>)
        tpu.yield
      }) : () -> ()
      "tpu.region"() ({
        %run_scoped3A = tpu.sem_alloc : memref<!tpu.dma_semaphore, #tpu.memory_space<semaphore_mem>>
        %dma_start3A_48 = tpu.memref_slice %arg5[%multiple_of3A] : memref<320000xi32, #tpu.memory_space<hbm>> -> memref<128xi32, #tpu.memory_space<hbm>>
        %dma_start3A_49 = tpu.memref_slice %arg5[%multiple_of3A] : memref<320000xi32, #tpu.memory_space<hbm>> -> memref<128xi32, #tpu.memory_space<hbm>>
        tpu.enqueue_dma source(%dma_start3A_49 : memref<128xi32, #tpu.memory_space<hbm>>) target(%arg9 : memref<128xi32, #tpu.memory_space<vmem>>) target_semaphore(%run_scoped3A : memref<!tpu.dma_semaphore, #tpu.memory_space<semaphore_mem>>)
        %dma_wait3A_50 = tpu.memref_slice %arg5[%multiple_of3A] : memref<320000xi32, #tpu.memory_space<hbm>> -> memref<128xi32, #tpu.memory_space<hbm>>
        %dma_wait3A_51 = tpu.memref_slice %arg5[%multiple_of3A] : memref<320000xi32, #tpu.memory_space<hbm>> -> memref<128xi32, #tpu.memory_space<hbm>>
        tpu.wait_dma2 semaphore(%run_scoped3A : memref<!tpu.dma_semaphore, #tpu.memory_space<semaphore_mem>>) src(%dma_wait3A_51 : memref<128xi32, #tpu.memory_space<hbm>>) dst(%arg9 : memref<128xi32, #tpu.memory_space<vmem>>)
        tpu.yield
      }) : () -> ()
      %dma_start3A = arith.constant 0 : i32
      %dma_start3A_26 = arith.constant 0 : i32
      %dma_start3A_27 = tpu.memref_slice %arg2[%dma_start3A, %dma_start3A_26] : memref<10000x128xf32, #tpu.memory_space<hbm>> -> memref<10000x128xf32, #tpu.memory_space<hbm>>
      tpu.enqueue_indirect_dma source(%dma_start3A_27 : memref<10000x128xf32, #tpu.memory_space<hbm>>) target(%arg10 : memref<128x128xf32, #tpu.memory_space<vmem>>) offsets(%arg8 : memref<128xi32, #tpu.memory_space<vmem>>) semaphore(%arg16 : memref<!tpu.dma_semaphore, #tpu.memory_space<semaphore_mem>>)
      %dma_start3A_28 = arith.constant 0 : i32
      %dma_start3A_29 = arith.constant 0 : i32
      %dma_start3A_30 = tpu.memref_slice %arg3[%dma_start3A_28, %dma_start3A_29] : memref<10000x256xf32, #tpu.memory_space<hbm>> -> memref<10000x256xf32, #tpu.memory_space<hbm>>
      tpu.enqueue_indirect_dma source(%dma_start3A_30 : memref<10000x256xf32, #tpu.memory_space<hbm>>) target(%arg11 : memref<128x256xf32, #tpu.memory_space<vmem>>) offsets(%arg9 : memref<128xi32, #tpu.memory_space<vmem>>) semaphore(%arg17 : memref<!tpu.dma_semaphore, #tpu.memory_space<semaphore_mem>>)
      "tpu.region"() ({
        %run_scoped3A = tpu.sem_alloc : memref<!tpu.dma_semaphore, #tpu.memory_space<semaphore_mem>>
        %dma_start3A_48 = tpu.memref_slice %arg4[%multiple_of3A_25] : memref<320000xi32, #tpu.memory_space<hbm>> -> memref<128xi32, #tpu.memory_space<hbm>>
        %dma_start3A_49 = tpu.memref_slice %arg4[%multiple_of3A_25] : memref<320000xi32, #tpu.memory_space<hbm>> -> memref<128xi32, #tpu.memory_space<hbm>>
        tpu.enqueue_dma source(%dma_start3A_49 : memref<128xi32, #tpu.memory_space<hbm>>) target(%arg12 : memref<128xi32, #tpu.memory_space<vmem>>) target_semaphore(%run_scoped3A : memref<!tpu.dma_semaphore, #tpu.memory_space<semaphore_mem>>)
        %dma_wait3A_50 = tpu.memref_slice %arg4[%multiple_of3A_25] : memref<320000xi32, #tpu.memory_space<hbm>> -> memref<128xi32, #tpu.memory_space<hbm>>
        %dma_wait3A_51 = tpu.memref_slice %arg4[%multiple_of3A_25] : memref<320000xi32, #tpu.memory_space<hbm>> -> memref<128xi32, #tpu.memory_space<hbm>>
        tpu.wait_dma2 semaphore(%run_scoped3A : memref<!tpu.dma_semaphore, #tpu.memory_space<semaphore_mem>>) src(%dma_wait3A_51 : memref<128xi32, #tpu.memory_space<hbm>>) dst(%arg12 : memref<128xi32, #tpu.memory_space<vmem>>)
        tpu.yield
      }) : () -> ()
      "tpu.region"() ({
        %run_scoped3A = tpu.sem_alloc : memref<!tpu.dma_semaphore, #tpu.memory_space<semaphore_mem>>
        %dma_start3A_48 = tpu.memref_slice %arg5[%multiple_of3A_25] : memref<320000xi32, #tpu.memory_space<hbm>> -> memref<128xi32, #tpu.memory_space<hbm>>
        %dma_start3A_49 = tpu.memref_slice %arg5[%multiple_of3A_25] : memref<320000xi32, #tpu.memory_space<hbm>> -> memref<128xi32, #tpu.memory_space<hbm>>
        tpu.enqueue_dma source(%dma_start3A_49 : memref<128xi32, #tpu.memory_space<hbm>>) target(%arg13 : memref<128xi32, #tpu.memory_space<vmem>>) target_semaphore(%run_scoped3A : memref<!tpu.dma_semaphore, #tpu.memory_space<semaphore_mem>>)
        %dma_wait3A_50 = tpu.memref_slice %arg5[%multiple_of3A_25] : memref<320000xi32, #tpu.memory_space<hbm>> -> memref<128xi32, #tpu.memory_space<hbm>>
        %dma_wait3A_51 = tpu.memref_slice %arg5[%multiple_of3A_25] : memref<320000xi32, #tpu.memory_space<hbm>> -> memref<128xi32, #tpu.memory_space<hbm>>
        tpu.wait_dma2 semaphore(%run_scoped3A : memref<!tpu.dma_semaphore, #tpu.memory_space<semaphore_mem>>) src(%dma_wait3A_51 : memref<128xi32, #tpu.memory_space<hbm>>) dst(%arg13 : memref<128xi32, #tpu.memory_space<vmem>>)
        tpu.yield
      }) : () -> ()
      %dma_start3A_31 = arith.constant 0 : i32
      %dma_start3A_32 = arith.constant 0 : i32
      %dma_start3A_33 = tpu.memref_slice %arg2[%dma_start3A_31, %dma_start3A_32] : memref<10000x128xf32, #tpu.memory_space<hbm>> -> memref<10000x128xf32, #tpu.memory_space<hbm>>
      tpu.enqueue_indirect_dma source(%dma_start3A_33 : memref<10000x128xf32, #tpu.memory_space<hbm>>) target(%arg14 : memref<128x128xf32, #tpu.memory_space<vmem>>) offsets(%arg12 : memref<128xi32, #tpu.memory_space<vmem>>) semaphore(%arg18 : memref<!tpu.dma_semaphore, #tpu.memory_space<semaphore_mem>>)
      %dma_start3A_34 = arith.constant 0 : i32
      %dma_start3A_35 = arith.constant 0 : i32
      %dma_start3A_36 = tpu.memref_slice %arg3[%dma_start3A_34, %dma_start3A_35] : memref<10000x256xf32, #tpu.memory_space<hbm>> -> memref<10000x256xf32, #tpu.memory_space<hbm>>
      tpu.enqueue_indirect_dma source(%dma_start3A_36 : memref<10000x256xf32, #tpu.memory_space<hbm>>) target(%arg15 : memref<128x256xf32, #tpu.memory_space<vmem>>) offsets(%arg13 : memref<128xi32, #tpu.memory_space<vmem>>) semaphore(%arg19 : memref<!tpu.dma_semaphore, #tpu.memory_space<semaphore_mem>>)
      %dma_wait3A = arith.constant 0 : i32
      %dma_wait3A_37 = arith.constant 0 : i32
      %dma_wait3A_38 = tpu.memref_slice %arg2[%dma_wait3A, %dma_wait3A_37] : memref<10000x128xf32, #tpu.memory_space<hbm>> -> memref<10000x128xf32, #tpu.memory_space<hbm>>
      tpu.wait_indirect_dma semaphore(%arg16 : memref<!tpu.dma_semaphore, #tpu.memory_space<semaphore_mem>>) src(%dma_wait3A_38 : memref<10000x128xf32, #tpu.memory_space<hbm>>) dst(%arg10 : memref<128x128xf32, #tpu.memory_space<vmem>>)
      %dma_wait3A_39 = arith.constant 0 : i32
      %dma_wait3A_40 = arith.constant 0 : i32
      %dma_wait3A_41 = tpu.memref_slice %arg3[%dma_wait3A_39, %dma_wait3A_40] : memref<10000x256xf32, #tpu.memory_space<hbm>> -> memref<10000x256xf32, #tpu.memory_space<hbm>>
      tpu.wait_indirect_dma semaphore(%arg17 : memref<!tpu.dma_semaphore, #tpu.memory_space<semaphore_mem>>) src(%dma_wait3A_41 : memref<10000x256xf32, #tpu.memory_space<hbm>>) dst(%arg11 : memref<128x256xf32, #tpu.memory_space<vmem>>)
      "tpu.region"() ({
        %run_scoped3A = tpu.sem_alloc : memref<!tpu.dma_semaphore, #tpu.memory_space<semaphore_mem>>
        %dma_start3A_48 = arith.constant 0 : i32
        %dma_start3A_49 = tpu.memref_slice %arg6[%multiple_of3A, %dma_start3A_48] : memref<320000x128xf32, #tpu.memory_space<hbm>> -> memref<128x128xf32, #tpu.memory_space<hbm>>
        %dma_start3A_50 = arith.constant 0 : i32
        %dma_start3A_51 = tpu.memref_slice %arg6[%multiple_of3A, %dma_start3A_50] : memref<320000x128xf32, #tpu.memory_space<hbm>> -> memref<128x128xf32, #tpu.memory_space<hbm>>
        tpu.enqueue_dma source(%arg10 : memref<128x128xf32, #tpu.memory_space<vmem>>) target(%dma_start3A_51 : memref<128x128xf32, #tpu.memory_space<hbm>>) target_semaphore(%run_scoped3A : memref<!tpu.dma_semaphore, #tpu.memory_space<semaphore_mem>>)
        %dma_wait3A_52 = arith.constant 0 : i32
        %dma_wait3A_53 = tpu.memref_slice %arg6[%multiple_of3A, %dma_wait3A_52] : memref<320000x128xf32, #tpu.memory_space<hbm>> -> memref<128x128xf32, #tpu.memory_space<hbm>>
        %dma_wait3A_54 = arith.constant 0 : i32
        %dma_wait3A_55 = tpu.memref_slice %arg6[%multiple_of3A, %dma_wait3A_54] : memref<320000x128xf32, #tpu.memory_space<hbm>> -> memref<128x128xf32, #tpu.memory_space<hbm>>
        tpu.wait_dma2 semaphore(%run_scoped3A : memref<!tpu.dma_semaphore, #tpu.memory_space<semaphore_mem>>) src(%arg10 : memref<128x128xf32, #tpu.memory_space<vmem>>) dst(%dma_wait3A_55 : memref<128x128xf32, #tpu.memory_space<hbm>>)
        tpu.yield
      }) : () -> ()
      "tpu.region"() ({
        %run_scoped3A = tpu.sem_alloc : memref<!tpu.dma_semaphore, #tpu.memory_space<semaphore_mem>>
        %dma_start3A_48 = arith.constant 0 : i32
        %dma_start3A_49 = tpu.memref_slice %arg7[%multiple_of3A, %dma_start3A_48] : memref<320000x256xf32, #tpu.memory_space<hbm>> -> memref<128x256xf32, #tpu.memory_space<hbm>>
        %dma_start3A_50 = arith.constant 0 : i32
        %dma_start3A_51 = tpu.memref_slice %arg7[%multiple_of3A, %dma_start3A_50] : memref<320000x256xf32, #tpu.memory_space<hbm>> -> memref<128x256xf32, #tpu.memory_space<hbm>>
        tpu.enqueue_dma source(%arg11 : memref<128x256xf32, #tpu.memory_space<vmem>>) target(%dma_start3A_51 : memref<128x256xf32, #tpu.memory_space<hbm>>) target_semaphore(%run_scoped3A : memref<!tpu.dma_semaphore, #tpu.memory_space<semaphore_mem>>)
        %dma_wait3A_52 = arith.constant 0 : i32
        %dma_wait3A_53 = tpu.memref_slice %arg7[%multiple_of3A, %dma_wait3A_52] : memref<320000x256xf32, #tpu.memory_space<hbm>> -> memref<128x256xf32, #tpu.memory_space<hbm>>
        %dma_wait3A_54 = arith.constant 0 : i32
        %dma_wait3A_55 = tpu.memref_slice %arg7[%multiple_of3A, %dma_wait3A_54] : memref<320000x256xf32, #tpu.memory_space<hbm>> -> memref<128x256xf32, #tpu.memory_space<hbm>>
        tpu.wait_dma2 semaphore(%run_scoped3A : memref<!tpu.dma_semaphore, #tpu.memory_space<semaphore_mem>>) src(%arg11 : memref<128x256xf32, #tpu.memory_space<vmem>>) dst(%dma_wait3A_55 : memref<128x256xf32, #tpu.memory_space<hbm>>)
        tpu.yield
      }) : () -> ()
      %dma_wait3A_42 = arith.constant 0 : i32
      %dma_wait3A_43 = arith.constant 0 : i32
      %dma_wait3A_44 = tpu.memref_slice %arg2[%dma_wait3A_42, %dma_wait3A_43] : memref<10000x128xf32, #tpu.memory_space<hbm>> -> memref<10000x128xf32, #tpu.memory_space<hbm>>
      tpu.wait_indirect_dma semaphore(%arg18 : memref<!tpu.dma_semaphore, #tpu.memory_space<semaphore_mem>>) src(%dma_wait3A_44 : memref<10000x128xf32, #tpu.memory_space<hbm>>) dst(%arg14 : memref<128x128xf32, #tpu.memory_space<vmem>>)
      %dma_wait3A_45 = arith.constant 0 : i32
      %dma_wait3A_46 = arith.constant 0 : i32
      %dma_wait3A_47 = tpu.memref_slice %arg3[%dma_wait3A_45, %dma_wait3A_46] : memref<10000x256xf32, #tpu.memory_space<hbm>> -> memref<10000x256xf32, #tpu.memory_space<hbm>>
      tpu.wait_indirect_dma semaphore(%arg19 : memref<!tpu.dma_semaphore, #tpu.memory_space<semaphore_mem>>) src(%dma_wait3A_47 : memref<10000x256xf32, #tpu.memory_space<hbm>>) dst(%arg15 : memref<128x256xf32, #tpu.memory_space<vmem>>)
      "tpu.region"() ({
        %run_scoped3A = tpu.sem_alloc : memref<!tpu.dma_semaphore, #tpu.memory_space<semaphore_mem>>
        %dma_start3A_48 = arith.constant 0 : i32
        %dma_start3A_49 = tpu.memref_slice %arg6[%multiple_of3A_25, %dma_start3A_48] : memref<320000x128xf32, #tpu.memory_space<hbm>> -> memref<128x128xf32, #tpu.memory_space<hbm>>
        %dma_start3A_50 = arith.constant 0 : i32
        %dma_start3A_51 = tpu.memref_slice %arg6[%multiple_of3A_25, %dma_start3A_50] : memref<320000x128xf32, #tpu.memory_space<hbm>> -> memref<128x128xf32, #tpu.memory_space<hbm>>
        tpu.enqueue_dma source(%arg14 : memref<128x128xf32, #tpu.memory_space<vmem>>) target(%dma_start3A_51 : memref<128x128xf32, #tpu.memory_space<hbm>>) target_semaphore(%run_scoped3A : memref<!tpu.dma_semaphore, #tpu.memory_space<semaphore_mem>>)
        %dma_wait3A_52 = arith.constant 0 : i32
        %dma_wait3A_53 = tpu.memref_slice %arg6[%multiple_of3A_25, %dma_wait3A_52] : memref<320000x128xf32, #tpu.memory_space<hbm>> -> memref<128x128xf32, #tpu.memory_space<hbm>>
        %dma_wait3A_54 = arith.constant 0 : i32
        %dma_wait3A_55 = tpu.memref_slice %arg6[%multiple_of3A_25, %dma_wait3A_54] : memref<320000x128xf32, #tpu.memory_space<hbm>> -> memref<128x128xf32, #tpu.memory_space<hbm>>
        tpu.wait_dma2 semaphore(%run_scoped3A : memref<!tpu.dma_semaphore, #tpu.memory_space<semaphore_mem>>) src(%arg14 : memref<128x128xf32, #tpu.memory_space<vmem>>) dst(%dma_wait3A_55 : memref<128x128xf32, #tpu.memory_space<hbm>>)
        tpu.yield
      }) : () -> ()
      "tpu.region"() ({
        %run_scoped3A = tpu.sem_alloc : memref<!tpu.dma_semaphore, #tpu.memory_space<semaphore_mem>>
        %dma_start3A_48 = arith.constant 0 : i32
        %dma_start3A_49 = tpu.memref_slice %arg7[%multiple_of3A_25, %dma_start3A_48] : memref<320000x256xf32, #tpu.memory_space<hbm>> -> memref<128x256xf32, #tpu.memory_space<hbm>>
        %dma_start3A_50 = arith.constant 0 : i32
        %dma_start3A_51 = tpu.memref_slice %arg7[%multiple_of3A_25, %dma_start3A_50] : memref<320000x256xf32, #tpu.memory_space<hbm>> -> memref<128x256xf32, #tpu.memory_space<hbm>>
        tpu.enqueue_dma source(%arg15 : memref<128x256xf32, #tpu.memory_space<vmem>>) target(%dma_start3A_51 : memref<128x256xf32, #tpu.memory_space<hbm>>) target_semaphore(%run_scoped3A : memref<!tpu.dma_semaphore, #tpu.memory_space<semaphore_mem>>)
        %dma_wait3A_52 = arith.constant 0 : i32
        %dma_wait3A_53 = tpu.memref_slice %arg7[%multiple_of3A_25, %dma_wait3A_52] : memref<320000x256xf32, #tpu.memory_space<hbm>> -> memref<128x256xf32, #tpu.memory_space<hbm>>
        %dma_wait3A_54 = arith.constant 0 : i32
        %dma_wait3A_55 = tpu.memref_slice %arg7[%multiple_of3A_25, %dma_wait3A_54] : memref<320000x256xf32, #tpu.memory_space<hbm>> -> memref<128x256xf32, #tpu.memory_space<hbm>>
        tpu.wait_dma2 semaphore(%run_scoped3A : memref<!tpu.dma_semaphore, #tpu.memory_space<semaphore_mem>>) src(%arg15 : memref<128x256xf32, #tpu.memory_space<vmem>>) dst(%dma_wait3A_55 : memref<128x256xf32, #tpu.memory_space<hbm>>)
        tpu.yield
      }) : () -> ()
    }
    %scan3A_5 = arith.constant 39 : i32
    %lt3A = arith.constant 4 : i32
    %lt3A_6 = arith.cmpi slt, %add3A, %lt3A : i32
    %convert_element_type3A = arith.extui %lt3A_6 : i1 to i32
    %cond3A = arith.constant 0 : i32
    %cond3A_7 = arith.cmpi ne, %convert_element_type3A, %cond3A : i32
    scf.if %cond3A_7 {
      %add3A_8 = arith.constant 2496 : i32
      %add3A_9 = arith.addi %add3A, %add3A_8 : i32
      %mul3A_10 = arith.constant 128 : i32
      %mul3A_11 = arith.muli %add3A_9, %mul3A_10 : i32
      %multiple_of3A = tpu.assume_multiple %mul3A_11, 128 : i32
      "tpu.region"() ({
        %run_scoped3A = tpu.sem_alloc : memref<!tpu.dma_semaphore, #tpu.memory_space<semaphore_mem>>
        %dma_start3A_22 = tpu.memref_slice %arg4[%multiple_of3A] : memref<320000xi32, #tpu.memory_space<hbm>> -> memref<128xi32, #tpu.memory_space<hbm>>
        %dma_start3A_23 = tpu.memref_slice %arg4[%multiple_of3A] : memref<320000xi32, #tpu.memory_space<hbm>> -> memref<128xi32, #tpu.memory_space<hbm>>
        tpu.enqueue_dma source(%dma_start3A_23 : memref<128xi32, #tpu.memory_space<hbm>>) target(%arg8 : memref<128xi32, #tpu.memory_space<vmem>>) target_semaphore(%run_scoped3A : memref<!tpu.dma_semaphore, #tpu.memory_space<semaphore_mem>>)
        %dma_wait3A_24 = tpu.memref_slice %arg4[%multiple_of3A] : memref<320000xi32, #tpu.memory_space<hbm>> -> memref<128xi32, #tpu.memory_space<hbm>>
        %dma_wait3A_25 = tpu.memref_slice %arg4[%multiple_of3A] : memref<320000xi32, #tpu.memory_space<hbm>> -> memref<128xi32, #tpu.memory_space<hbm>>
        tpu.wait_dma2 semaphore(%run_scoped3A : memref<!tpu.dma_semaphore, #tpu.memory_space<semaphore_mem>>) src(%dma_wait3A_25 : memref<128xi32, #tpu.memory_space<hbm>>) dst(%arg8 : memref<128xi32, #tpu.memory_space<vmem>>)
        tpu.yield
      }) : () -> ()
      "tpu.region"() ({
        %run_scoped3A = tpu.sem_alloc : memref<!tpu.dma_semaphore, #tpu.memory_space<semaphore_mem>>
        %dma_start3A_22 = tpu.memref_slice %arg5[%multiple_of3A] : memref<320000xi32, #tpu.memory_space<hbm>> -> memref<128xi32, #tpu.memory_space<hbm>>
        %dma_start3A_23 = tpu.memref_slice %arg5[%multiple_of3A] : memref<320000xi32, #tpu.memory_space<hbm>> -> memref<128xi32, #tpu.memory_space<hbm>>
        tpu.enqueue_dma source(%dma_start3A_23 : memref<128xi32, #tpu.memory_space<hbm>>) target(%arg9 : memref<128xi32, #tpu.memory_space<vmem>>) target_semaphore(%run_scoped3A : memref<!tpu.dma_semaphore, #tpu.memory_space<semaphore_mem>>)
        %dma_wait3A_24 = tpu.memref_slice %arg5[%multiple_of3A] : memref<320000xi32, #tpu.memory_space<hbm>> -> memref<128xi32, #tpu.memory_space<hbm>>
        %dma_wait3A_25 = tpu.memref_slice %arg5[%multiple_of3A] : memref<320000xi32, #tpu.memory_space<hbm>> -> memref<128xi32, #tpu.memory_space<hbm>>
        tpu.wait_dma2 semaphore(%run_scoped3A : memref<!tpu.dma_semaphore, #tpu.memory_space<semaphore_mem>>) src(%dma_wait3A_25 : memref<128xi32, #tpu.memory_space<hbm>>) dst(%arg9 : memref<128xi32, #tpu.memory_space<vmem>>)
        tpu.yield
      }) : () -> ()
      %dma_start3A = arith.constant 0 : i32
      %dma_start3A_12 = arith.constant 0 : i32
      %dma_start3A_13 = tpu.memref_slice %arg2[%dma_start3A, %dma_start3A_12] : memref<10000x128xf32, #tpu.memory_space<hbm>> -> memref<10000x128xf32, #tpu.memory_space<hbm>>
      tpu.enqueue_indirect_dma source(%dma_start3A_13 : memref<10000x128xf32, #tpu.memory_space<hbm>>) target(%arg10 : memref<128x128xf32, #tpu.memory_space<vmem>>) offsets(%arg8 : memref<128xi32, #tpu.memory_space<vmem>>) semaphore(%arg16 : memref<!tpu.dma_semaphore, #tpu.memory_space<semaphore_mem>>)
      %dma_start3A_14 = arith.constant 0 : i32
      %dma_start3A_15 = arith.constant 0 : i32
      %dma_start3A_16 = tpu.memref_slice %arg3[%dma_start3A_14, %dma_start3A_15] : memref<10000x256xf32, #tpu.memory_space<hbm>> -> memref<10000x256xf32, #tpu.memory_space<hbm>>
      tpu.enqueue_indirect_dma source(%dma_start3A_16 : memref<10000x256xf32, #tpu.memory_space<hbm>>) target(%arg11 : memref<128x256xf32, #tpu.memory_space<vmem>>) offsets(%arg9 : memref<128xi32, #tpu.memory_space<vmem>>) semaphore(%arg17 : memref<!tpu.dma_semaphore, #tpu.memory_space<semaphore_mem>>)
      %dma_wait3A = arith.constant 0 : i32
      %dma_wait3A_17 = arith.constant 0 : i32
      %dma_wait3A_18 = tpu.memref_slice %arg2[%dma_wait3A, %dma_wait3A_17] : memref<10000x128xf32, #tpu.memory_space<hbm>> -> memref<10000x128xf32, #tpu.memory_space<hbm>>
      tpu.wait_indirect_dma semaphore(%arg16 : memref<!tpu.dma_semaphore, #tpu.memory_space<semaphore_mem>>) src(%dma_wait3A_18 : memref<10000x128xf32, #tpu.memory_space<hbm>>) dst(%arg10 : memref<128x128xf32, #tpu.memory_space<vmem>>)
      %dma_wait3A_19 = arith.constant 0 : i32
      %dma_wait3A_20 = arith.constant 0 : i32
      %dma_wait3A_21 = tpu.memref_slice %arg3[%dma_wait3A_19, %dma_wait3A_20] : memref<10000x256xf32, #tpu.memory_space<hbm>> -> memref<10000x256xf32, #tpu.memory_space<hbm>>
      tpu.wait_indirect_dma semaphore(%arg17 : memref<!tpu.dma_semaphore, #tpu.memory_space<semaphore_mem>>) src(%dma_wait3A_21 : memref<10000x256xf32, #tpu.memory_space<hbm>>) dst(%arg11 : memref<128x256xf32, #tpu.memory_space<vmem>>)
      "tpu.region"() ({
        %run_scoped3A = tpu.sem_alloc : memref<!tpu.dma_semaphore, #tpu.memory_space<semaphore_mem>>
        %dma_start3A_22 = arith.constant 0 : i32
        %dma_start3A_23 = tpu.memref_slice %arg6[%multiple_of3A, %dma_start3A_22] : memref<320000x128xf32, #tpu.memory_space<hbm>> -> memref<128x128xf32, #tpu.memory_space<hbm>>
        %dma_start3A_24 = arith.constant 0 : i32
        %dma_start3A_25 = tpu.memref_slice %arg6[%multiple_of3A, %dma_start3A_24] : memref<320000x128xf32, #tpu.memory_space<hbm>> -> memref<128x128xf32, #tpu.memory_space<hbm>>
        tpu.enqueue_dma source(%arg10 : memref<128x128xf32, #tpu.memory_space<vmem>>) target(%dma_start3A_25 : memref<128x128xf32, #tpu.memory_space<hbm>>) target_semaphore(%run_scoped3A : memref<!tpu.dma_semaphore, #tpu.memory_space<semaphore_mem>>)
        %dma_wait3A_26 = arith.constant 0 : i32
        %dma_wait3A_27 = tpu.memref_slice %arg6[%multiple_of3A, %dma_wait3A_26] : memref<320000x128xf32, #tpu.memory_space<hbm>> -> memref<128x128xf32, #tpu.memory_space<hbm>>
        %dma_wait3A_28 = arith.constant 0 : i32
        %dma_wait3A_29 = tpu.memref_slice %arg6[%multiple_of3A, %dma_wait3A_28] : memref<320000x128xf32, #tpu.memory_space<hbm>> -> memref<128x128xf32, #tpu.memory_space<hbm>>
        tpu.wait_dma2 semaphore(%run_scoped3A : memref<!tpu.dma_semaphore, #tpu.memory_space<semaphore_mem>>) src(%arg10 : memref<128x128xf32, #tpu.memory_space<vmem>>) dst(%dma_wait3A_29 : memref<128x128xf32, #tpu.memory_space<hbm>>)
        tpu.yield
      }) : () -> ()
      "tpu.region"() ({
        %run_scoped3A = tpu.sem_alloc : memref<!tpu.dma_semaphore, #tpu.memory_space<semaphore_mem>>
        %dma_start3A_22 = arith.constant 0 : i32
        %dma_start3A_23 = tpu.memref_slice %arg7[%multiple_of3A, %dma_start3A_22] : memref<320000x256xf32, #tpu.memory_space<hbm>> -> memref<128x256xf32, #tpu.memory_space<hbm>>
        %dma_start3A_24 = arith.constant 0 : i32
        %dma_start3A_25 = tpu.memref_slice %arg7[%multiple_of3A, %dma_start3A_24] : memref<320000x256xf32, #tpu.memory_space<hbm>> -> memref<128x256xf32, #tpu.memory_space<hbm>>
        tpu.enqueue_dma source(%arg11 : memref<128x256xf32, #tpu.memory_space<vmem>>) target(%dma_start3A_25 : memref<128x256xf32, #tpu.memory_space<hbm>>) target_semaphore(%run_scoped3A : memref<!tpu.dma_semaphore, #tpu.memory_space<semaphore_mem>>)
        %dma_wait3A_26 = arith.constant 0 : i32
        %dma_wait3A_27 = tpu.memref_slice %arg7[%multiple_of3A, %dma_wait3A_26] : memref<320000x256xf32, #tpu.memory_space<hbm>> -> memref<128x256xf32, #tpu.memory_space<hbm>>
        %dma_wait3A_28 = arith.constant 0 : i32
        %dma_wait3A_29 = tpu.memref_slice %arg7[%multiple_of3A, %dma_wait3A_28] : memref<320000x256xf32, #tpu.memory_space<hbm>> -> memref<128x256xf32, #tpu.memory_space<hbm>>
        tpu.wait_dma2 semaphore(%run_scoped3A : memref<!tpu.dma_semaphore, #tpu.memory_space<semaphore_mem>>) src(%arg11 : memref<128x256xf32, #tpu.memory_space<vmem>>) dst(%dma_wait3A_29 : memref<128x256xf32, #tpu.memory_space<hbm>>)
        tpu.yield
      }) : () -> ()
    } else {
    }
    return
  }
}

module attributes {stable_mosaic.version = 14 : i64} {
  func.func @_nodeproj_body(%arg0: i32, %arg1: memref<2000x128xf32, #tpu.memory_space<vmem>>, %arg2: memref<128x128xf32, #tpu.memory_space<vmem>>, %arg3: memref<128x256xf32, #tpu.memory_space<vmem>>, %arg4: memref<2000x128xf32, #tpu.memory_space<vmem>>, %arg5: memref<2000x256xf32, #tpu.memory_space<vmem>>) attributes {dimension_semantics = [#tpu.dimension_semantics<arbitrary>], iteration_bounds = array<i64: 5>, scalar_prefetch = 0 : i64, scratch_operands = 0 : i64, tpu.core_type = #tpu.core_type<tc>, window_params = [{transform_indices = @transform_0, window_bounds = array<i64: 2000, 128>}, {pipeline_mode = #tpu.pipeline_mode<synchronous>, transform_indices = @transform_1, window_bounds = array<i64: 128, 128>}, {pipeline_mode = #tpu.pipeline_mode<synchronous>, transform_indices = @transform_2, window_bounds = array<i64: 128, 256>}, {transform_indices = @transform_3, window_bounds = array<i64: 2000, 128>}, {transform_indices = @transform_4, window_bounds = array<i64: 2000, 256>}]} {
    %get3A = arith.constant 0 : index
    %get3A_0 = arith.constant 0 : index
    %get3A_1 = vector.load %arg1[%get3A, %get3A_0] : memref<2000x128xf32, #tpu.memory_space<vmem>>, vector<2000x128xf32>
    %get3A_2 = arith.constant 0 : index
    %get3A_3 = arith.constant 0 : index
    %get3A_4 = vector.load %arg2[%get3A_2, %get3A_3] : memref<128x128xf32, #tpu.memory_space<vmem>>, vector<128x128xf32>
    %dot_general3A = arith.constant dense<0.000000e+00> : vector<2000x128xf32>
    %dot_general3A_5 = tpu.matmul %get3A_1, %get3A_4, %dot_general3A {dimension_numbers = #tpu.dot_dimension_numbers<[1], [0], [0], [1], [0, 0, 1, 1], [], []>, transpose_lhs_hint = false} : vector<2000x128xf32>, vector<128x128xf32>, vector<2000x128xf32> -> vector<2000x128xf32>
    %swap3A = arith.constant 0 : index
    %swap3A_6 = arith.constant 0 : index
    %swap3A_7 = vector.load %arg4[%swap3A, %swap3A_6] : memref<2000x128xf32, #tpu.memory_space<vmem>>, vector<2000x128xf32>
    tpu.vector_store %arg4[%swap3A, %swap3A_6], %dot_general3A_5 {strides = array<i32>} : memref<2000x128xf32, #tpu.memory_space<vmem>>, vector<2000x128xf32>,
    %get3A_8 = arith.constant 0 : index
    %get3A_9 = arith.constant 0 : index
    %get3A_10 = vector.load %arg3[%get3A_8, %get3A_9] : memref<128x256xf32, #tpu.memory_space<vmem>>, vector<128x256xf32>
    %dot_general3A_11 = arith.constant dense<0.000000e+00> : vector<2000x256xf32>
    %dot_general3A_12 = tpu.matmul %get3A_1, %get3A_10, %dot_general3A_11 {dimension_numbers = #tpu.dot_dimension_numbers<[1], [0], [0], [1], [0, 0, 1, 1], [], []>, transpose_lhs_hint = false} : vector<2000x128xf32>, vector<128x256xf32>, vector<2000x256xf32> -> vector<2000x256xf32>
    %swap3A_13 = arith.constant 0 : index
    %swap3A_14 = arith.constant 0 : index
    %swap3A_15 = vector.load %arg5[%swap3A_13, %swap3A_14] : memref<2000x256xf32, #tpu.memory_space<vmem>>, vector<2000x256xf32>
    tpu.vector_store %arg5[%swap3A_13, %swap3A_14], %dot_general3A_12 {strides = array<i32>} : memref<2000x256xf32, #tpu.memory_space<vmem>>, vector<2000x256xf32>,
    return
  }
  func.func @transform_0(%arg0: i32) -> (i32, i32) {
    %c0_i32 = arith.constant 0 : i32
    %c0_i32_0 = arith.constant 0 : i32
    return %arg0, %c0_i32 : i32, i32
  }
  func.func @transform_1(%arg0: i32) -> (i32, i32) {
    %c0_i32 = arith.constant 0 : i32
    %c0_i32_0 = arith.constant 0 : i32
    %c0_i32_1 = arith.constant 0 : i32
    return %c0_i32, %c0_i32_0 : i32, i32
  }
  func.func @transform_2(%arg0: i32) -> (i32, i32) {
    %c0_i32 = arith.constant 0 : i32
    %c0_i32_0 = arith.constant 0 : i32
    %c0_i32_1 = arith.constant 0 : i32
    return %c0_i32, %c0_i32_0 : i32, i32
  }
  func.func @transform_3(%arg0: i32) -> (i32, i32) {
    %c0_i32 = arith.constant 0 : i32
    %c0_i32_0 = arith.constant 0 : i32
    return %arg0, %c0_i32 : i32, i32
  }
  func.func @transform_4(%arg0: i32) -> (i32, i32) {
    %c0_i32 = arith.constant 0 : i32
    %c0_i32_0 = arith.constant 0 : i32
    return %arg0, %c0_i32 : i32, i32
  }
}

module attributes {stable_mosaic.version = 14 : i64} {
  func.func @_edge_body(%arg0: i32, %arg1: memref<512x128xf32, #tpu.memory_space<vmem>>, %arg2: memref<512x256xf32, #tpu.memory_space<vmem>>, %arg3: memref<512x16xf32, #tpu.memory_space<vmem>>, %arg4: memref<8x512xf32, #tpu.memory_space<vmem>>, %arg5: memref<16x128xf32, #tpu.memory_space<vmem>>, %arg6: memref<16x128xf32, #tpu.memory_space<vmem>>, %arg7: memref<16x4xf32, #tpu.memory_space<vmem>>, %arg8: memref<1x128xf32, #tpu.memory_space<vmem>>, %arg9: memref<1x128xf32, #tpu.memory_space<vmem>>, %arg10: memref<512x128xf32, #tpu.memory_space<vmem>>, %arg11: memref<512x128xf32, #tpu.memory_space<vmem>>, %arg12: memref<512x128xf32, #tpu.memory_space<vmem>>) attributes {dimension_semantics = [#tpu.dimension_semantics<arbitrary>], iteration_bounds = array<i64: 625>, scalar_prefetch = 0 : i64, scratch_operands = 0 : i64, tpu.core_type = #tpu.core_type<tc>, window_params = [{transform_indices = @transform_0, window_bounds = array<i64: 512, 128>}, {transform_indices = @transform_1, window_bounds = array<i64: 512, 256>}, {transform_indices = @transform_2, window_bounds = array<i64: 512, 16>}, {transform_indices = @transform_3, window_bounds = array<i64: 8, 512>}, {pipeline_mode = #tpu.pipeline_mode<synchronous>, transform_indices = @transform_4, window_bounds = array<i64: 16, 128>}, {pipeline_mode = #tpu.pipeline_mode<synchronous>, transform_indices = @transform_5, window_bounds = array<i64: 16, 128>}, {pipeline_mode = #tpu.pipeline_mode<synchronous>, transform_indices = @transform_6, window_bounds = array<i64: 16, 4>}, {pipeline_mode = #tpu.pipeline_mode<synchronous>, transform_indices = @transform_7, window_bounds = array<i64: 1, 128>}, {pipeline_mode = #tpu.pipeline_mode<synchronous>, transform_indices = @transform_8, window_bounds = array<i64: 1, 128>}, {transform_indices = @transform_9, window_bounds = array<i64: 512, 128>}, {transform_indices = @transform_10, window_bounds = array<i64: 512, 128>}, {transform_indices = @transform_11, window_bounds = array<i64: 512, 128>}]} {
    %get3A = arith.constant 0 : index
    %get3A_0 = arith.constant 0 : index
    %get3A_1 = vector.load %arg3[%get3A, %get3A_0] : memref<512x16xf32, #tpu.memory_space<vmem>>, vector<512x16xf32>
    %get3A_2 = arith.constant 0 : index
    %get3A_3 = arith.constant 0 : index
    %get3A_4 = vector.load %arg5[%get3A_2, %get3A_3] : memref<16x128xf32, #tpu.memory_space<vmem>>, vector<16x128xf32>
    %dot_general3A = arith.constant dense<0.000000e+00> : vector<512x128xf32>
    %dot_general3A_5 = tpu.matmul %get3A_1, %get3A_4, %dot_general3A {dimension_numbers = #tpu.dot_dimension_numbers<[1], [0], [0], [1], [0, 0, 1, 1], [], []>, transpose_lhs_hint = false} : vector<512x16xf32>, vector<16x128xf32>, vector<512x128xf32> -> vector<512x128xf32>
    %get3A_6 = arith.constant 0 : index
    %get3A_7 = arith.constant 0 : index
    %get3A_8 = vector.load %arg6[%get3A_6, %get3A_7] : memref<16x128xf32, #tpu.memory_space<vmem>>, vector<16x128xf32>
    %dot_general3A_9 = arith.constant dense<0.000000e+00> : vector<512x128xf32>
    %dot_general3A_10 = tpu.matmul %get3A_1, %get3A_8, %dot_general3A_9 {dimension_numbers = #tpu.dot_dimension_numbers<[1], [0], [0], [1], [0, 0, 1, 1], [], []>, transpose_lhs_hint = false} : vector<512x16xf32>, vector<16x128xf32>, vector<512x128xf32> -> vector<512x128xf32>
    %add3A = arith.addf %dot_general3A_5, %dot_general3A_10 : vector<512x128xf32>
    %logistic3A = arith.negf %add3A : vector<512x128xf32>
    %logistic3A_11 = math.exp %logistic3A : vector<512x128xf32>
    %logistic3A_12 = arith.constant 1.000000e+00 : f32
    %logistic3A_13 = vector.broadcast %logistic3A_12 : f32 to vector<512x128xf32>
    %logistic3A_14 = arith.addf %logistic3A_13, %logistic3A_11 : vector<512x128xf32>
    %logistic3A_15 = arith.divf %logistic3A_13, %logistic3A_14 : vector<512x128xf32>
    %mul3A = arith.mulf %add3A, %logistic3A_15 : vector<512x128xf32>
    %reduce_sum3A = arith.constant dense<0.000000e+00> : vector<512xf32>
    %reduce_sum3A_16 = vector.multi_reduction <add>, %mul3A, %reduce_sum3A [1] : vector<512x128xf32> to vector<512xf32>
    %broadcast_in_dim3A = vector.shape_cast %reduce_sum3A_16 : vector<512xf32> to vector<512x1xf32>
    %div3A = arith.constant 1.280000e+02 : f32
    %div3A_17 = vector.broadcast %div3A : f32 to vector<512x1xf32>
    %div3A_18 = arith.divf %broadcast_in_dim3A, %div3A_17 : vector<512x1xf32>
    %sub3A = vector.broadcast %div3A_18 : vector<512x1xf32> to vector<512x128xf32>
    %sub3A_19 = arith.subf %mul3A, %sub3A : vector<512x128xf32>
    %integer_pow3A = arith.mulf %sub3A_19, %sub3A_19 : vector<512x128xf32>
    %reduce_sum3A_20 = arith.constant dense<0.000000e+00> : vector<512xf32>
    %reduce_sum3A_21 = vector.multi_reduction <add>, %integer_pow3A, %reduce_sum3A_20 [1] : vector<512x128xf32> to vector<512xf32>
    %broadcast_in_dim3A_22 = vector.shape_cast %reduce_sum3A_21 : vector<512xf32> to vector<512x1xf32>
    %div3A_23 = arith.constant 1.280000e+02 : f32
    %div3A_24 = vector.broadcast %div3A_23 : f32 to vector<512x1xf32>
    %div3A_25 = arith.divf %broadcast_in_dim3A_22, %div3A_24 : vector<512x1xf32>
    %sub3A_26 = vector.broadcast %div3A_18 : vector<512x1xf32> to vector<512x128xf32>
    %sub3A_27 = arith.subf %mul3A, %sub3A_26 : vector<512x128xf32>
    %add3A_28 = arith.constant 9.99999974E-6 : f32
    %add3A_29 = vector.broadcast %add3A_28 : f32 to vector<512x1xf32>
    %add3A_30 = arith.addf %div3A_25, %add3A_29 : vector<512x1xf32>
    %sqrt3A = math.sqrt %add3A_30 : vector<512x1xf32>
    %div3A_31 = vector.broadcast %sqrt3A : vector<512x1xf32> to vector<512x128xf32>
    %div3A_32 = arith.divf %sub3A_27, %div3A_31 : vector<512x128xf32>
    %get3A_33 = arith.constant 0 : index
    %get3A_34 = arith.constant 0 : index
    %get3A_35 = vector.load %arg8[%get3A_33, %get3A_34] : memref<1x128xf32, #tpu.memory_space<vmem>>, vector<1x128xf32>
    %mul3A_36 = vector.broadcast %get3A_35 : vector<1x128xf32> to vector<512x128xf32>
    %mul3A_37 = arith.mulf %div3A_32, %mul3A_36 : vector<512x128xf32>
    %get3A_38 = arith.constant 0 : index
    %get3A_39 = arith.constant 0 : index
    %get3A_40 = vector.load %arg9[%get3A_38, %get3A_39] : memref<1x128xf32, #tpu.memory_space<vmem>>, vector<1x128xf32>
    %add3A_41 = vector.broadcast %get3A_40 : vector<1x128xf32> to vector<512x128xf32>
    %add3A_42 = arith.addf %mul3A_37, %add3A_41 : vector<512x128xf32>
    %swap3A = arith.constant 0 : index
    %swap3A_43 = arith.constant 0 : index
    %swap3A_44 = vector.load %arg12[%swap3A, %swap3A_43] : memref<512x128xf32, #tpu.memory_space<vmem>>, vector<512x128xf32>
    tpu.vector_store %arg12[%swap3A, %swap3A_43], %add3A_42 {strides = array<i32>} : memref<512x128xf32, #tpu.memory_space<vmem>>, vector<512x128xf32>,
    %get3A_45 = arith.constant 0 : index
    %get3A_46 = arith.constant 0 : index
    %get3A_47 = vector.load %arg1[%get3A_45, %get3A_46] : memref<512x128xf32, #tpu.memory_space<vmem>>, vector<512x128xf32>
    %get3A_48 = arith.constant 0 : index
    %get3A_49 = arith.constant 0 : index
    %get3A_50 = vector.load %arg2[%get3A_48, %get3A_49] : memref<512x256xf32, #tpu.memory_space<vmem>>, vector<512x128xf32>
    %get3A_51 = arith.constant 0 : index
    %get3A_52 = arith.constant 128 : index
    %get3A_53 = vector.load %arg2[%get3A_51, %get3A_52] : memref<512x256xf32, #tpu.memory_space<vmem>>, vector<512x128xf32>
    %add3A_54 = arith.addf %get3A_50, %dot_general3A_5 : vector<512x128xf32>
    %mul3A_55 = arith.mulf %get3A_47, %add3A_54 : vector<512x128xf32>
    %iota3A = tpu.iota {dimensions = array<i32: 0>} : vector<128x4xi32>
    %iota3A_56 = tpu.iota {dimensions = array<i32: 1>} : vector<128x4xi32>
    %jit3A = arith.constant 32 : i32
    %div3A_57 = vector.broadcast %jit3A : i32 to vector<128x4xi32>
    %div3A_58 = arith.divsi %iota3A, %div3A_57 : vector<128x4xi32>
    %sign3A = arith.constant 0 : i32
    %sign3A_59 = vector.broadcast %sign3A : i32 to vector<128x4xi32>
    %sign3A_60 = arith.cmpi sgt, %iota3A, %sign3A_59 : vector<128x4xi32>
    %sign3A_61 = arith.extui %sign3A_60 : vector<128x4xi1> to vector<128x4xi32>
    %sign3A_62 = arith.constant 0 : i32
    %sign3A_63 = vector.broadcast %sign3A_62 : i32 to vector<128x4xi32>
    %sign3A_64 = arith.cmpi slt, %iota3A, %sign3A_63 : vector<128x4xi32>
    %sign3A_65 = arith.extui %sign3A_64 : vector<128x4xi1> to vector<128x4xi32>
    %sign3A_66 = arith.subi %sign3A_61, %sign3A_65 : vector<128x4xi32>
    %sign3A_67 = arith.constant 0 : i32
    %sign3A_68 = arith.cmpi sgt, %jit3A, %sign3A_67 : i32
    %sign3A_69 = arith.extui %sign3A_68 : i1 to i32
    %sign3A_70 = arith.constant 0 : i32
    %sign3A_71 = arith.cmpi slt, %jit3A, %sign3A_70 : i32
    %sign3A_72 = arith.extui %sign3A_71 : i1 to i32
    %sign3A_73 = arith.subi %sign3A_69, %sign3A_72 : i32
    %ne3A = vector.broadcast %sign3A_73 : i32 to vector<128x4xi32>
    %ne3A_74 = arith.cmpi ne, %sign3A_66, %ne3A : vector<128x4xi32>
    %rem3A = vector.broadcast %jit3A : i32 to vector<128x4xi32>
    %rem3A_75 = arith.remsi %iota3A, %rem3A : vector<128x4xi32>
    %ne3A_76 = arith.constant 0 : i32
    %ne3A_77 = vector.broadcast %ne3A_76 : i32 to vector<128x4xi32>
    %ne3A_78 = arith.cmpi ne, %rem3A_75, %ne3A_77 : vector<128x4xi32>
    %and3A = arith.andi %ne3A_74, %ne3A_78 : vector<128x4xi1>
    %sub3A_79 = arith.constant 1 : i32
    %sub3A_80 = vector.broadcast %sub3A_79 : i32 to vector<128x4xi32>
    %sub3A_81 = arith.subi %div3A_58, %sub3A_80 : vector<128x4xi32>
    %select_n3A = arith.select %and3A, %sub3A_81, %div3A_58 : vector<128x4xi1>, vector<128x4xi32>
    %eq3A = arith.cmpi eq, %select_n3A, %iota3A_56 : vector<128x4xi32>
    %jit3A_82 = arith.constant 1.000000e+00 : f32
    %jit3A_83 = arith.constant 0.000000e+00 : f32
    %broadcast_in_dim3A_84 = vector.broadcast %jit3A_82 : f32 to vector<128x4xf32>
    %broadcast_in_dim3A_85 = vector.broadcast %jit3A_83 : f32 to vector<128x4xf32>
    %select_n3A_86 = arith.select %eq3A, %broadcast_in_dim3A_84, %broadcast_in_dim3A_85 : vector<128x4xi1>, vector<128x4xf32>
    %get3A_87 = arith.constant 0 : index
    %get3A_88 = arith.constant 0 : index
    %get3A_89 = vector.load %arg7[%get3A_87, %get3A_88] : memref<16x4xf32, #tpu.memory_space<vmem>>, vector<16x4xf32>
    %dot_general3A_90 = arith.constant dense<0.000000e+00> : vector<512x4xf32>
    %dot_general3A_91 = tpu.matmul %get3A_1, %get3A_89, %dot_general3A_90 {dimension_numbers = #tpu.dot_dimension_numbers<[1], [0], [0], [1], [0, 0, 1, 1], [], []>, transpose_lhs_hint = false} : vector<512x16xf32>, vector<16x4xf32>, vector<512x4xf32> -> vector<512x4xf32>
    %dot_general3A_92 = arith.constant dense<0.000000e+00> : vector<512x4xf32>
    %dot_general3A_93 = tpu.matmul %mul3A_55, %select_n3A_86, %dot_general3A_92 {dimension_numbers = #tpu.dot_dimension_numbers<[1], [0], [0], [1], [0, 0, 1, 1], [], []>, transpose_lhs_hint = false} : vector<512x128xf32>, vector<128x4xf32>, vector<512x4xf32> -> vector<512x4xf32>
    %mul3A_94 = arith.constant 0.176776692 : f32
    %mul3A_95 = vector.broadcast %mul3A_94 : f32 to vector<512x4xf32>
    %mul3A_96 = arith.mulf %dot_general3A_93, %mul3A_95 : vector<512x4xf32>
    %add3A_97 = arith.addf %mul3A_96, %dot_general3A_91 : vector<512x4xf32>
    %exp3A = math.exp %add3A_97 : vector<512x4xf32>
    %iota3A_98 = tpu.iota {dimensions = array<i32: 0>} : vector<4x128xi32>
    %iota3A_99 = tpu.iota {dimensions = array<i32: 1>} : vector<4x128xi32>
    %jit3A_100 = arith.constant 32 : i32
    %div3A_101 = vector.broadcast %jit3A_100 : i32 to vector<4x128xi32>
    %div3A_102 = arith.divsi %iota3A_99, %div3A_101 : vector<4x128xi32>
    %sign3A_103 = arith.constant 0 : i32
    %sign3A_104 = vector.broadcast %sign3A_103 : i32 to vector<4x128xi32>
    %sign3A_105 = arith.cmpi sgt, %iota3A_99, %sign3A_104 : vector<4x128xi32>
    %sign3A_106 = arith.extui %sign3A_105 : vector<4x128xi1> to vector<4x128xi32>
    %sign3A_107 = arith.constant 0 : i32
    %sign3A_108 = vector.broadcast %sign3A_107 : i32 to vector<4x128xi32>
    %sign3A_109 = arith.cmpi slt, %iota3A_99, %sign3A_108 : vector<4x128xi32>
    %sign3A_110 = arith.extui %sign3A_109 : vector<4x128xi1> to vector<4x128xi32>
    %sign3A_111 = arith.subi %sign3A_106, %sign3A_110 : vector<4x128xi32>
    %sign3A_112 = arith.constant 0 : i32
    %sign3A_113 = arith.cmpi sgt, %jit3A_100, %sign3A_112 : i32
    %sign3A_114 = arith.extui %sign3A_113 : i1 to i32
    %sign3A_115 = arith.constant 0 : i32
    %sign3A_116 = arith.cmpi slt, %jit3A_100, %sign3A_115 : i32
    %sign3A_117 = arith.extui %sign3A_116 : i1 to i32
    %sign3A_118 = arith.subi %sign3A_114, %sign3A_117 : i32
    %ne3A_119 = vector.broadcast %sign3A_118 : i32 to vector<4x128xi32>
    %ne3A_120 = arith.cmpi ne, %sign3A_111, %ne3A_119 : vector<4x128xi32>
    %rem3A_121 = vector.broadcast %jit3A_100 : i32 to vector<4x128xi32>
    %rem3A_122 = arith.remsi %iota3A_99, %rem3A_121 : vector<4x128xi32>
    %ne3A_123 = arith.constant 0 : i32
    %ne3A_124 = vector.broadcast %ne3A_123 : i32 to vector<4x128xi32>
    %ne3A_125 = arith.cmpi ne, %rem3A_122, %ne3A_124 : vector<4x128xi32>
    %and3A_126 = arith.andi %ne3A_120, %ne3A_125 : vector<4x128xi1>
    %sub3A_127 = arith.constant 1 : i32
    %sub3A_128 = vector.broadcast %sub3A_127 : i32 to vector<4x128xi32>
    %sub3A_129 = arith.subi %div3A_102, %sub3A_128 : vector<4x128xi32>
    %select_n3A_130 = arith.select %and3A_126, %sub3A_129, %div3A_102 : vector<4x128xi1>, vector<4x128xi32>
    %eq3A_131 = arith.cmpi eq, %select_n3A_130, %iota3A_98 : vector<4x128xi32>
    %jit3A_132 = arith.constant 1.000000e+00 : f32
    %jit3A_133 = arith.constant 0.000000e+00 : f32
    %broadcast_in_dim3A_134 = vector.broadcast %jit3A_132 : f32 to vector<4x128xf32>
    %broadcast_in_dim3A_135 = vector.broadcast %jit3A_133 : f32 to vector<4x128xf32>
    %select_n3A_136 = arith.select %eq3A_131, %broadcast_in_dim3A_134, %broadcast_in_dim3A_135 : vector<4x128xi1>, vector<4x128xf32>
    %dot_general3A_137 = arith.constant dense<0.000000e+00> : vector<512x128xf32>
    %dot_general3A_138 = tpu.matmul %exp3A, %select_n3A_136, %dot_general3A_137 {dimension_numbers = #tpu.dot_dimension_numbers<[1], [0], [0], [1], [0, 0, 1, 1], [], []>, transpose_lhs_hint = false} : vector<512x4xf32>, vector<4x128xf32>, vector<512x128xf32> -> vector<512x128xf32>
    %add3A_139 = arith.addf %get3A_53, %dot_general3A_10 : vector<512x128xf32>
    %mul3A_140 = arith.mulf %add3A_139, %dot_general3A_138 : vector<512x128xf32>
    %swap3A_141 = arith.constant 0 : index
    %swap3A_142 = arith.constant 0 : index
    %swap3A_143 = vector.load %arg10[%swap3A_141, %swap3A_142] : memref<512x128xf32, #tpu.memory_space<vmem>>, vector<512x128xf32>
    tpu.vector_store %arg10[%swap3A_141, %swap3A_142], %mul3A_140 {strides = array<i32>} : memref<512x128xf32, #tpu.memory_space<vmem>>, vector<512x128xf32>,
    %get3A_144 = arith.constant 0 : index
    %get3A_145 = arith.constant 0 : index
    %get3A_146 = vector.load %arg4[%get3A_144, %get3A_145] : memref<8x512xf32, #tpu.memory_space<vmem>>, vector<8x512xf32>
    %transpose3A = tpu.transpose %get3A_146, [1, 0] : vector<8x512xf32> -> vector<512x8xf32>
    %broadcast_in_dim3A_147 = arith.constant 0.000000e+00 : f32
    %broadcast_in_dim3A_148 = vector.broadcast %broadcast_in_dim3A_147 : f32 to vector<512x128xf32>
    %iota3A_149 = tpu.iota {dimensions = array<i32: 0>} : vector<4x128xi32>
    %iota3A_150 = tpu.iota {dimensions = array<i32: 1>} : vector<4x128xi32>
    %add3A_151 = arith.constant 0 : i32
    %add3A_152 = vector.broadcast %add3A_151 : i32 to vector<4x128xi32>
    %add3A_153 = arith.addi %add3A_152, %iota3A_149 : vector<4x128xi32>
    %eq3A_154 = arith.cmpi eq, %iota3A_150, %add3A_153 : vector<4x128xi32>
    %jit3A_155 = arith.constant 1.000000e+00 : f32
    %jit3A_156 = arith.constant 0.000000e+00 : f32
    %broadcast_in_dim3A_157 = vector.broadcast %jit3A_155 : f32 to vector<4x128xf32>
    %broadcast_in_dim3A_158 = vector.broadcast %jit3A_156 : f32 to vector<4x128xf32>
    %select_n3A_159 = arith.select %eq3A_154, %broadcast_in_dim3A_157, %broadcast_in_dim3A_158 : vector<4x128xi1>, vector<4x128xf32>
    %slice3A = vector.extract_strided_slice %transpose3A {offsets = [0, 0], sizes = [512, 1], strides = [1, 1]} : vector<512x8xf32> to vector<512x1xf32>
    %dot_general3A_160 = arith.constant dense<0.000000e+00> : vector<512x128xf32>
    %dot_general3A_161 = tpu.matmul %exp3A, %select_n3A_159, %dot_general3A_160 {dimension_numbers = #tpu.dot_dimension_numbers<[1], [0], [0], [1], [0, 0, 1, 1], [], []>, transpose_lhs_hint = false} : vector<512x4xf32>, vector<4x128xf32>, vector<512x128xf32> -> vector<512x128xf32>
    %mul3A_162 = vector.broadcast %slice3A : vector<512x1xf32> to vector<512x128xf32>
    %mul3A_163 = arith.mulf %mul3A_162, %dot_general3A_161 : vector<512x128xf32>
    %add3A_164 = arith.addf %broadcast_in_dim3A_148, %mul3A_163 : vector<512x128xf32>
    %add3A_165 = arith.constant 16 : i32
    %add3A_166 = vector.broadcast %add3A_165 : i32 to vector<4x128xi32>
    %add3A_167 = arith.addi %add3A_166, %iota3A_149 : vector<4x128xi32>
    %eq3A_168 = arith.cmpi eq, %iota3A_150, %add3A_167 : vector<4x128xi32>
    %jit3A_169 = arith.constant 1.000000e+00 : f32
    %jit3A_170 = arith.constant 0.000000e+00 : f32
    %broadcast_in_dim3A_171 = vector.broadcast %jit3A_169 : f32 to vector<4x128xf32>
    %broadcast_in_dim3A_172 = vector.broadcast %jit3A_170 : f32 to vector<4x128xf32>
    %select_n3A_173 = arith.select %eq3A_168, %broadcast_in_dim3A_171, %broadcast_in_dim3A_172 : vector<4x128xi1>, vector<4x128xf32>
    %slice3A_174 = vector.extract_strided_slice %transpose3A {offsets = [0, 1], sizes = [512, 1], strides = [1, 1]} : vector<512x8xf32> to vector<512x1xf32>
    %dot_general3A_175 = arith.constant dense<0.000000e+00> : vector<512x128xf32>
    %dot_general3A_176 = tpu.matmul %exp3A, %select_n3A_173, %dot_general3A_175 {dimension_numbers = #tpu.dot_dimension_numbers<[1], [0], [0], [1], [0, 0, 1, 1], [], []>, transpose_lhs_hint = false} : vector<512x4xf32>, vector<4x128xf32>, vector<512x128xf32> -> vector<512x128xf32>
    %mul3A_177 = vector.broadcast %slice3A_174 : vector<512x1xf32> to vector<512x128xf32>
    %mul3A_178 = arith.mulf %mul3A_177, %dot_general3A_176 : vector<512x128xf32>
    %add3A_179 = arith.addf %add3A_164, %mul3A_178 : vector<512x128xf32>
    %add3A_180 = arith.constant 32 : i32
    %add3A_181 = vector.broadcast %add3A_180 : i32 to vector<4x128xi32>
    %add3A_182 = arith.addi %add3A_181, %iota3A_149 : vector<4x128xi32>
    %eq3A_183 = arith.cmpi eq, %iota3A_150, %add3A_182 : vector<4x128xi32>
    %jit3A_184 = arith.constant 1.000000e+00 : f32
    %jit3A_185 = arith.constant 0.000000e+00 : f32
    %broadcast_in_dim3A_186 = vector.broadcast %jit3A_184 : f32 to vector<4x128xf32>
    %broadcast_in_dim3A_187 = vector.broadcast %jit3A_185 : f32 to vector<4x128xf32>
    %select_n3A_188 = arith.select %eq3A_183, %broadcast_in_dim3A_186, %broadcast_in_dim3A_187 : vector<4x128xi1>, vector<4x128xf32>
    %slice3A_189 = vector.extract_strided_slice %transpose3A {offsets = [0, 2], sizes = [512, 1], strides = [1, 1]} : vector<512x8xf32> to vector<512x1xf32>
    %dot_general3A_190 = arith.constant dense<0.000000e+00> : vector<512x128xf32>
    %dot_general3A_191 = tpu.matmul %exp3A, %select_n3A_188, %dot_general3A_190 {dimension_numbers = #tpu.dot_dimension_numbers<[1], [0], [0], [1], [0, 0, 1, 1], [], []>, transpose_lhs_hint = false} : vector<512x4xf32>, vector<4x128xf32>, vector<512x128xf32> -> vector<512x128xf32>
    %mul3A_192 = vector.broadcast %slice3A_189 : vector<512x1xf32> to vector<512x128xf32>
    %mul3A_193 = arith.mulf %mul3A_192, %dot_general3A_191 : vector<512x128xf32>
    %add3A_194 = arith.addf %add3A_179, %mul3A_193 : vector<512x128xf32>
    %add3A_195 = arith.constant 48 : i32
    %add3A_196 = vector.broadcast %add3A_195 : i32 to vector<4x128xi32>
    %add3A_197 = arith.addi %add3A_196, %iota3A_149 : vector<4x128xi32>
    %eq3A_198 = arith.cmpi eq, %iota3A_150, %add3A_197 : vector<4x128xi32>
    %jit3A_199 = arith.constant 1.000000e+00 : f32
    %jit3A_200 = arith.constant 0.000000e+00 : f32
    %broadcast_in_dim3A_201 = vector.broadcast %jit3A_199 : f32 to vector<4x128xf32>
    %broadcast_in_dim3A_202 = vector.broadcast %jit3A_200 : f32 to vector<4x128xf32>
    %select_n3A_203 = arith.select %eq3A_198, %broadcast_in_dim3A_201, %broadcast_in_dim3A_202 : vector<4x128xi1>, vector<4x128xf32>
    %slice3A_204 = vector.extract_strided_slice %transpose3A {offsets = [0, 3], sizes = [512, 1], strides = [1, 1]} : vector<512x8xf32> to vector<512x1xf32>
    %dot_general3A_205 = arith.constant dense<0.000000e+00> : vector<512x128xf32>
    %dot_general3A_206 = tpu.matmul %exp3A, %select_n3A_203, %dot_general3A_205 {dimension_numbers = #tpu.dot_dimension_numbers<[1], [0], [0], [1], [0, 0, 1, 1], [], []>, transpose_lhs_hint = false} : vector<512x4xf32>, vector<4x128xf32>, vector<512x128xf32> -> vector<512x128xf32>
    %mul3A_207 = vector.broadcast %slice3A_204 : vector<512x1xf32> to vector<512x128xf32>
    %mul3A_208 = arith.mulf %mul3A_207, %dot_general3A_206 : vector<512x128xf32>
    %add3A_209 = arith.addf %add3A_194, %mul3A_208 : vector<512x128xf32>
    %add3A_210 = arith.constant 64 : i32
    %add3A_211 = vector.broadcast %add3A_210 : i32 to vector<4x128xi32>
    %add3A_212 = arith.addi %add3A_211, %iota3A_149 : vector<4x128xi32>
    %eq3A_213 = arith.cmpi eq, %iota3A_150, %add3A_212 : vector<4x128xi32>
    %jit3A_214 = arith.constant 1.000000e+00 : f32
    %jit3A_215 = arith.constant 0.000000e+00 : f32
    %broadcast_in_dim3A_216 = vector.broadcast %jit3A_214 : f32 to vector<4x128xf32>
    %broadcast_in_dim3A_217 = vector.broadcast %jit3A_215 : f32 to vector<4x128xf32>
    %select_n3A_218 = arith.select %eq3A_213, %broadcast_in_dim3A_216, %broadcast_in_dim3A_217 : vector<4x128xi1>, vector<4x128xf32>
    %slice3A_219 = vector.extract_strided_slice %transpose3A {offsets = [0, 4], sizes = [512, 1], strides = [1, 1]} : vector<512x8xf32> to vector<512x1xf32>
    %dot_general3A_220 = arith.constant dense<0.000000e+00> : vector<512x128xf32>
    %dot_general3A_221 = tpu.matmul %exp3A, %select_n3A_218, %dot_general3A_220 {dimension_numbers = #tpu.dot_dimension_numbers<[1], [0], [0], [1], [0, 0, 1, 1], [], []>, transpose_lhs_hint = false} : vector<512x4xf32>, vector<4x128xf32>, vector<512x128xf32> -> vector<512x128xf32>
    %mul3A_222 = vector.broadcast %slice3A_219 : vector<512x1xf32> to vector<512x128xf32>
    %mul3A_223 = arith.mulf %mul3A_222, %dot_general3A_221 : vector<512x128xf32>
    %add3A_224 = arith.addf %add3A_209, %mul3A_223 : vector<512x128xf32>
    %add3A_225 = arith.constant 80 : i32
    %add3A_226 = vector.broadcast %add3A_225 : i32 to vector<4x128xi32>
    %add3A_227 = arith.addi %add3A_226, %iota3A_149 : vector<4x128xi32>
    %eq3A_228 = arith.cmpi eq, %iota3A_150, %add3A_227 : vector<4x128xi32>
    %jit3A_229 = arith.constant 1.000000e+00 : f32
    %jit3A_230 = arith.constant 0.000000e+00 : f32
    %broadcast_in_dim3A_231 = vector.broadcast %jit3A_229 : f32 to vector<4x128xf32>
    %broadcast_in_dim3A_232 = vector.broadcast %jit3A_230 : f32 to vector<4x128xf32>
    %select_n3A_233 = arith.select %eq3A_228, %broadcast_in_dim3A_231, %broadcast_in_dim3A_232 : vector<4x128xi1>, vector<4x128xf32>
    %slice3A_234 = vector.extract_strided_slice %transpose3A {offsets = [0, 5], sizes = [512, 1], strides = [1, 1]} : vector<512x8xf32> to vector<512x1xf32>
    %dot_general3A_235 = arith.constant dense<0.000000e+00> : vector<512x128xf32>
    %dot_general3A_236 = tpu.matmul %exp3A, %select_n3A_233, %dot_general3A_235 {dimension_numbers = #tpu.dot_dimension_numbers<[1], [0], [0], [1], [0, 0, 1, 1], [], []>, transpose_lhs_hint = false} : vector<512x4xf32>, vector<4x128xf32>, vector<512x128xf32> -> vector<512x128xf32>
    %mul3A_237 = vector.broadcast %slice3A_234 : vector<512x1xf32> to vector<512x128xf32>
    %mul3A_238 = arith.mulf %mul3A_237, %dot_general3A_236 : vector<512x128xf32>
    %add3A_239 = arith.addf %add3A_224, %mul3A_238 : vector<512x128xf32>
    %add3A_240 = arith.constant 96 : i32
    %add3A_241 = vector.broadcast %add3A_240 : i32 to vector<4x128xi32>
    %add3A_242 = arith.addi %add3A_241, %iota3A_149 : vector<4x128xi32>
    %eq3A_243 = arith.cmpi eq, %iota3A_150, %add3A_242 : vector<4x128xi32>
    %jit3A_244 = arith.constant 1.000000e+00 : f32
    %jit3A_245 = arith.constant 0.000000e+00 : f32
    %broadcast_in_dim3A_246 = vector.broadcast %jit3A_244 : f32 to vector<4x128xf32>
    %broadcast_in_dim3A_247 = vector.broadcast %jit3A_245 : f32 to vector<4x128xf32>
    %select_n3A_248 = arith.select %eq3A_243, %broadcast_in_dim3A_246, %broadcast_in_dim3A_247 : vector<4x128xi1>, vector<4x128xf32>
    %slice3A_249 = vector.extract_strided_slice %transpose3A {offsets = [0, 6], sizes = [512, 1], strides = [1, 1]} : vector<512x8xf32> to vector<512x1xf32>
    %dot_general3A_250 = arith.constant dense<0.000000e+00> : vector<512x128xf32>
    %dot_general3A_251 = tpu.matmul %exp3A, %select_n3A_248, %dot_general3A_250 {dimension_numbers = #tpu.dot_dimension_numbers<[1], [0], [0], [1], [0, 0, 1, 1], [], []>, transpose_lhs_hint = false} : vector<512x4xf32>, vector<4x128xf32>, vector<512x128xf32> -> vector<512x128xf32>
    %mul3A_252 = vector.broadcast %slice3A_249 : vector<512x1xf32> to vector<512x128xf32>
    %mul3A_253 = arith.mulf %mul3A_252, %dot_general3A_251 : vector<512x128xf32>
    %add3A_254 = arith.addf %add3A_239, %mul3A_253 : vector<512x128xf32>
    %add3A_255 = arith.constant 112 : i32
    %add3A_256 = vector.broadcast %add3A_255 : i32 to vector<4x128xi32>
    %add3A_257 = arith.addi %add3A_256, %iota3A_149 : vector<4x128xi32>
    %eq3A_258 = arith.cmpi eq, %iota3A_150, %add3A_257 : vector<4x128xi32>
    %jit3A_259 = arith.constant 1.000000e+00 : f32
    %jit3A_260 = arith.constant 0.000000e+00 : f32
    %broadcast_in_dim3A_261 = vector.broadcast %jit3A_259 : f32 to vector<4x128xf32>
    %broadcast_in_dim3A_262 = vector.broadcast %jit3A_260 : f32 to vector<4x128xf32>
    %select_n3A_263 = arith.select %eq3A_258, %broadcast_in_dim3A_261, %broadcast_in_dim3A_262 : vector<4x128xi1>, vector<4x128xf32>
    %slice3A_264 = vector.extract_strided_slice %transpose3A {offsets = [0, 7], sizes = [512, 1], strides = [1, 1]} : vector<512x8xf32> to vector<512x1xf32>
    %dot_general3A_265 = arith.constant dense<0.000000e+00> : vector<512x128xf32>
    %dot_general3A_266 = tpu.matmul %exp3A, %select_n3A_263, %dot_general3A_265 {dimension_numbers = #tpu.dot_dimension_numbers<[1], [0], [0], [1], [0, 0, 1, 1], [], []>, transpose_lhs_hint = false} : vector<512x4xf32>, vector<4x128xf32>, vector<512x128xf32> -> vector<512x128xf32>
    %mul3A_267 = vector.broadcast %slice3A_264 : vector<512x1xf32> to vector<512x128xf32>
    %mul3A_268 = arith.mulf %mul3A_267, %dot_general3A_266 : vector<512x128xf32>
    %add3A_269 = arith.addf %add3A_254, %mul3A_268 : vector<512x128xf32>
    %swap3A_270 = arith.constant 0 : index
    %swap3A_271 = arith.constant 0 : index
    %swap3A_272 = vector.load %arg11[%swap3A_270, %swap3A_271] : memref<512x128xf32, #tpu.memory_space<vmem>>, vector<512x128xf32>
    tpu.vector_store %arg11[%swap3A_270, %swap3A_271], %add3A_269 {strides = array<i32>} : memref<512x128xf32, #tpu.memory_space<vmem>>, vector<512x128xf32>,
    return
  }
  func.func @transform_0(%arg0: i32) -> (i32, i32) {
    %c0_i32 = arith.constant 0 : i32
    %c0_i32_0 = arith.constant 0 : i32
    return %arg0, %c0_i32 : i32, i32
  }
  func.func @transform_1(%arg0: i32) -> (i32, i32) {
    %c0_i32 = arith.constant 0 : i32
    %c0_i32_0 = arith.constant 0 : i32
    return %arg0, %c0_i32 : i32, i32
  }
  func.func @transform_2(%arg0: i32) -> (i32, i32) {
    %c0_i32 = arith.constant 0 : i32
    %c0_i32_0 = arith.constant 0 : i32
    return %arg0, %c0_i32 : i32, i32
  }
  func.func @transform_3(%arg0: i32) -> (i32, i32) {
    %c0_i32 = arith.constant 0 : i32
    %c0_i32_0 = arith.constant 0 : i32
    return %c0_i32, %arg0 : i32, i32
  }
  func.func @transform_4(%arg0: i32) -> (i32, i32) {
    %c0_i32 = arith.constant 0 : i32
    %c0_i32_0 = arith.constant 0 : i32
    %c0_i32_1 = arith.constant 0 : i32
    return %c0_i32, %c0_i32_0 : i32, i32
  }
  func.func @transform_5(%arg0: i32) -> (i32, i32) {
    %c0_i32 = arith.constant 0 : i32
    %c0_i32_0 = arith.constant 0 : i32
    %c0_i32_1 = arith.constant 0 : i32
    return %c0_i32, %c0_i32_0 : i32, i32
  }
  func.func @transform_6(%arg0: i32) -> (i32, i32) {
    %c0_i32 = arith.constant 0 : i32
    %c0_i32_0 = arith.constant 0 : i32
    %c0_i32_1 = arith.constant 0 : i32
    return %c0_i32, %c0_i32_0 : i32, i32
  }
  func.func @transform_7(%arg0: i32) -> (i32, i32) {
    %c0_i32 = arith.constant 0 : i32
    %c0_i32_0 = arith.constant 0 : i32
    %c0_i32_1 = arith.constant 0 : i32
    return %c0_i32, %c0_i32_0 : i32, i32
  }
  func.func @transform_8(%arg0: i32) -> (i32, i32) {
    %c0_i32 = arith.constant 0 : i32
    %c0_i32_0 = arith.constant 0 : i32
    %c0_i32_1 = arith.constant 0 : i32
    return %c0_i32, %c0_i32_0 : i32, i32
  }
  func.func @transform_9(%arg0: i32) -> (i32, i32) {
    %c0_i32 = arith.constant 0 : i32
    %c0_i32_0 = arith.constant 0 : i32
    return %arg0, %c0_i32 : i32, i32
  }
  func.func @transform_10(%arg0: i32) -> (i32, i32) {
    %c0_i32 = arith.constant 0 : i32
    %c0_i32_0 = arith.constant 0 : i32
    return %arg0, %c0_i32 : i32, i32
  }
  func.func @transform_11(%arg0: i32) -> (i32, i32) {
    %c0_i32 = arith.constant 0 : i32
    %c0_i32_0 = arith.constant 0 : i32
    return %arg0, %c0_i32 : i32, i32
  }
}

module attributes {stable_mosaic.version = 14 : i64} {
  func.func @_final_body(%arg0: i32, %arg1: memref<1280x128xf32, #tpu.memory_space<vmem>>, %arg2: memref<2x1280x128xf32, #tpu.memory_space<vmem>>, %arg3: memref<2x160x128xf32, #tpu.memory_space<vmem>>, %arg4: memref<128x128xf32, #tpu.memory_space<vmem>>, %arg5: memref<1x128xf32, #tpu.memory_space<vmem>>, %arg6: memref<1x128xf32, #tpu.memory_space<vmem>>, %arg7: memref<1x128xf32, #tpu.memory_space<vmem>>, %arg8: memref<1x128xf32, #tpu.memory_space<vmem>>, %arg9: memref<128x256xf32, #tpu.memory_space<vmem>>, %arg10: memref<1x256xf32, #tpu.memory_space<vmem>>, %arg11: memref<256x128xf32, #tpu.memory_space<vmem>>, %arg12: memref<1x128xf32, #tpu.memory_space<vmem>>, %arg13: memref<1280x128xf32, #tpu.memory_space<vmem>>) attributes {dimension_semantics = [#tpu.dimension_semantics<arbitrary>], iteration_bounds = array<i64: 8>, scalar_prefetch = 0 : i64, scratch_operands = 0 : i64, tpu.core_type = #tpu.core_type<tc>, window_params = [{transform_indices = @transform_0, window_bounds = array<i64: 1280, 128>}, {transform_indices = @transform_1, window_bounds = array<i64: 2, 1280, 128>}, {transform_indices = @transform_2, window_bounds = array<i64: 2, 160, 128>}, {pipeline_mode = #tpu.pipeline_mode<synchronous>, transform_indices = @transform_3, window_bounds = array<i64: 128, 128>}, {pipeline_mode = #tpu.pipeline_mode<synchronous>, transform_indices = @transform_4, window_bounds = array<i64: 1, 128>}, {pipeline_mode = #tpu.pipeline_mode<synchronous>, transform_indices = @transform_5, window_bounds = array<i64: 1, 128>}, {pipeline_mode = #tpu.pipeline_mode<synchronous>, transform_indices = @transform_6, window_bounds = array<i64: 1, 128>}, {pipeline_mode = #tpu.pipeline_mode<synchronous>, transform_indices = @transform_7, window_bounds = array<i64: 1, 128>}, {pipeline_mode = #tpu.pipeline_mode<synchronous>, transform_indices = @transform_8, window_bounds = array<i64: 128, 256>}, {pipeline_mode = #tpu.pipeline_mode<synchronous>, transform_indices = @transform_9, window_bounds = array<i64: 1, 256>}, {pipeline_mode = #tpu.pipeline_mode<synchronous>, transform_indices = @transform_10, window_bounds = array<i64: 256, 128>}, {pipeline_mode = #tpu.pipeline_mode<synchronous>, transform_indices = @transform_11, window_bounds = array<i64: 1, 128>}, {transform_indices = @transform_12, window_bounds = array<i64: 1280, 128>}]} {
    %get3A = arith.constant 0 : index
    %get3A_0 = arith.constant 0 : index
    %get3A_1 = arith.constant 0 : index
    %get3A_2 = vector.load %arg2[%get3A, %get3A_0, %get3A_1] : memref<2x1280x128xf32, #tpu.memory_space<vmem>>, vector<1x1280x128xf32>
    %get3A_3 = vector.shape_cast %get3A_2 : vector<1x1280x128xf32> to vector<1280x128xf32>
    %get3A_4 = arith.constant 1 : index
    %get3A_5 = arith.constant 0 : index
    %get3A_6 = arith.constant 0 : index
    %get3A_7 = vector.load %arg2[%get3A_4, %get3A_5, %get3A_6] : memref<2x1280x128xf32, #tpu.memory_space<vmem>>, vector<1x1280x128xf32>
    %get3A_8 = vector.shape_cast %get3A_7 : vector<1x1280x128xf32> to vector<1280x128xf32>
    %add3A = arith.addf %get3A_3, %get3A_8 : vector<1280x128xf32>
    %get3A_9 = arith.constant 0 : index
    %get3A_10 = arith.constant 0 : index
    %get3A_11 = arith.constant 0 : index
    %get3A_12 = vector.load %arg3[%get3A_9, %get3A_10, %get3A_11] : memref<2x160x128xf32, #tpu.memory_space<vmem>>, vector<1x160x128xf32>
    %get3A_13 = vector.shape_cast %get3A_12 : vector<1x160x128xf32> to vector<160x128xf32>
    %get3A_14 = arith.constant 1 : index
    %get3A_15 = arith.constant 0 : index
    %get3A_16 = arith.constant 0 : index
    %get3A_17 = vector.load %arg3[%get3A_14, %get3A_15, %get3A_16] : memref<2x160x128xf32, #tpu.memory_space<vmem>>, vector<1x160x128xf32>
    %get3A_18 = vector.shape_cast %get3A_17 : vector<1x160x128xf32> to vector<160x128xf32>
    %add3A_19 = arith.addf %get3A_13, %get3A_18 : vector<160x128xf32>
    %broadcast_in_dim3A = arith.constant 0.000000e+00 : f32
    %broadcast_in_dim3A_20 = vector.broadcast %broadcast_in_dim3A : f32 to vector<1280x128xf32>
    %iota3A = tpu.iota {dimensions = array<i32: 0>} : vector<128x128xi32>
    %iota3A_21 = tpu.iota {dimensions = array<i32: 1>} : vector<128x128xi32>
    %iota3A_22 = tpu.iota {dimensions = array<i32: 0>} : vector<1280x160xi32>
    %iota3A_23 = tpu.iota {dimensions = array<i32: 1>} : vector<1280x160xi32>
    %ge3A = arith.constant 0 : i32
    %ge3A_24 = vector.broadcast %ge3A : i32 to vector<128x128xi32>
    %ge3A_25 = arith.cmpi sge, %iota3A, %ge3A_24 : vector<128x128xi32>
    %lt3A = arith.constant 4 : i32
    %lt3A_26 = vector.broadcast %lt3A : i32 to vector<128x128xi32>
    %lt3A_27 = arith.cmpi slt, %iota3A, %lt3A_26 : vector<128x128xi32>
    %and3A = arith.andi %ge3A_25, %lt3A_27 : vector<128x128xi1>
    %jit3A = arith.constant 32 : i32
    %div3A = vector.broadcast %jit3A : i32 to vector<128x128xi32>
    %div3A_28 = arith.divsi %iota3A_21, %div3A : vector<128x128xi32>
    %sign3A = arith.constant 0 : i32
    %sign3A_29 = vector.broadcast %sign3A : i32 to vector<128x128xi32>
    %sign3A_30 = arith.cmpi sgt, %iota3A_21, %sign3A_29 : vector<128x128xi32>
    %sign3A_31 = arith.extui %sign3A_30 : vector<128x128xi1> to vector<128x128xi32>
    %sign3A_32 = arith.constant 0 : i32
    %sign3A_33 = vector.broadcast %sign3A_32 : i32 to vector<128x128xi32>
    %sign3A_34 = arith.cmpi slt, %iota3A_21, %sign3A_33 : vector<128x128xi32>
    %sign3A_35 = arith.extui %sign3A_34 : vector<128x128xi1> to vector<128x128xi32>
    %sign3A_36 = arith.subi %sign3A_31, %sign3A_35 : vector<128x128xi32>
    %sign3A_37 = arith.constant 0 : i32
    %sign3A_38 = arith.cmpi sgt, %jit3A, %sign3A_37 : i32
    %sign3A_39 = arith.extui %sign3A_38 : i1 to i32
    %sign3A_40 = arith.constant 0 : i32
    %sign3A_41 = arith.cmpi slt, %jit3A, %sign3A_40 : i32
    %sign3A_42 = arith.extui %sign3A_41 : i1 to i32
    %sign3A_43 = arith.subi %sign3A_39, %sign3A_42 : i32
    %ne3A = vector.broadcast %sign3A_43 : i32 to vector<128x128xi32>
    %ne3A_44 = arith.cmpi ne, %sign3A_36, %ne3A : vector<128x128xi32>
    %rem3A = vector.broadcast %jit3A : i32 to vector<128x128xi32>
    %rem3A_45 = arith.remsi %iota3A_21, %rem3A : vector<128x128xi32>
    %ne3A_46 = arith.constant 0 : i32
    %ne3A_47 = vector.broadcast %ne3A_46 : i32 to vector<128x128xi32>
    %ne3A_48 = arith.cmpi ne, %rem3A_45, %ne3A_47 : vector<128x128xi32>
    %and3A_49 = arith.andi %ne3A_44, %ne3A_48 : vector<128x128xi1>
    %sub3A = arith.constant 1 : i32
    %sub3A_50 = vector.broadcast %sub3A : i32 to vector<128x128xi32>
    %sub3A_51 = arith.subi %div3A_28, %sub3A_50 : vector<128x128xi32>
    %select_n3A = arith.select %and3A_49, %sub3A_51, %div3A_28 : vector<128x128xi1>, vector<128x128xi32>
    %sub3A_52 = arith.constant 0 : i32
    %sub3A_53 = vector.broadcast %sub3A_52 : i32 to vector<128x128xi32>
    %sub3A_54 = arith.subi %iota3A, %sub3A_53 : vector<128x128xi32>
    %eq3A = arith.cmpi eq, %select_n3A, %sub3A_54 : vector<128x128xi32>
    %and3A_55 = arith.andi %and3A, %eq3A : vector<128x128xi1>
    %jit3A_56 = arith.constant 1.000000e+00 : f32
    %jit3A_57 = arith.constant 0.000000e+00 : f32
    %broadcast_in_dim3A_58 = vector.broadcast %jit3A_56 : f32 to vector<128x128xf32>
    %broadcast_in_dim3A_59 = vector.broadcast %jit3A_57 : f32 to vector<128x128xf32>
    %select_n3A_60 = arith.select %and3A_55, %broadcast_in_dim3A_58, %broadcast_in_dim3A_59 : vector<128x128xi1>, vector<128x128xf32>
    %dot_general3A = arith.constant dense<0.000000e+00> : vector<160x128xf32>
    %dot_general3A_61 = tpu.matmul %add3A_19, %select_n3A_60, %dot_general3A {dimension_numbers = #tpu.dot_dimension_numbers<[1], [0], [0], [1], [0, 0, 1, 1], [], []>, transpose_lhs_hint = false} : vector<160x128xf32>, vector<128x128xf32>, vector<160x128xf32> -> vector<160x128xf32>
    %jit3A_62 = arith.constant 8 : i32
    %div3A_63 = vector.broadcast %jit3A_62 : i32 to vector<1280x160xi32>
    %div3A_64 = arith.divsi %iota3A_22, %div3A_63 : vector<1280x160xi32>
    %sign3A_65 = arith.constant 0 : i32
    %sign3A_66 = vector.broadcast %sign3A_65 : i32 to vector<1280x160xi32>
    %sign3A_67 = arith.cmpi sgt, %iota3A_22, %sign3A_66 : vector<1280x160xi32>
    %sign3A_68 = arith.extui %sign3A_67 : vector<1280x160xi1> to vector<1280x160xi32>
    %sign3A_69 = arith.constant 0 : i32
    %sign3A_70 = vector.broadcast %sign3A_69 : i32 to vector<1280x160xi32>
    %sign3A_71 = arith.cmpi slt, %iota3A_22, %sign3A_70 : vector<1280x160xi32>
    %sign3A_72 = arith.extui %sign3A_71 : vector<1280x160xi1> to vector<1280x160xi32>
    %sign3A_73 = arith.subi %sign3A_68, %sign3A_72 : vector<1280x160xi32>
    %sign3A_74 = arith.constant 0 : i32
    %sign3A_75 = arith.cmpi sgt, %jit3A_62, %sign3A_74 : i32
    %sign3A_76 = arith.extui %sign3A_75 : i1 to i32
    %sign3A_77 = arith.constant 0 : i32
    %sign3A_78 = arith.cmpi slt, %jit3A_62, %sign3A_77 : i32
    %sign3A_79 = arith.extui %sign3A_78 : i1 to i32
    %sign3A_80 = arith.subi %sign3A_76, %sign3A_79 : i32
    %ne3A_81 = vector.broadcast %sign3A_80 : i32 to vector<1280x160xi32>
    %ne3A_82 = arith.cmpi ne, %sign3A_73, %ne3A_81 : vector<1280x160xi32>
    %rem3A_83 = vector.broadcast %jit3A_62 : i32 to vector<1280x160xi32>
    %rem3A_84 = arith.remsi %iota3A_22, %rem3A_83 : vector<1280x160xi32>
    %ne3A_85 = arith.constant 0 : i32
    %ne3A_86 = vector.broadcast %ne3A_85 : i32 to vector<1280x160xi32>
    %ne3A_87 = arith.cmpi ne, %rem3A_84, %ne3A_86 : vector<1280x160xi32>
    %and3A_88 = arith.andi %ne3A_82, %ne3A_87 : vector<1280x160xi1>
    %sub3A_89 = arith.constant 1 : i32
    %sub3A_90 = vector.broadcast %sub3A_89 : i32 to vector<1280x160xi32>
    %sub3A_91 = arith.subi %div3A_64, %sub3A_90 : vector<1280x160xi32>
    %select_n3A_92 = arith.select %and3A_88, %sub3A_91, %div3A_64 : vector<1280x160xi1>, vector<1280x160xi32>
    %eq3A_93 = arith.cmpi eq, %select_n3A_92, %iota3A_23 : vector<1280x160xi32>
    %jit3A_94 = arith.constant 8 : i32
    %eq3A_95 = arith.constant 0 : i32
    %eq3A_96 = arith.cmpi eq, %jit3A_94, %eq3A_95 : i32
    %jit3A_97 = arith.constant 1 : i32
    %select_n3A_98 = arith.select %eq3A_96, %jit3A_97, %jit3A_94 : i32
    %rem3A_99 = vector.broadcast %select_n3A_98 : i32 to vector<1280x160xi32>
    %rem3A_100 = arith.remsi %iota3A_22, %rem3A_99 : vector<1280x160xi32>
    %ne3A_101 = arith.constant 0 : i32
    %ne3A_102 = vector.broadcast %ne3A_101 : i32 to vector<1280x160xi32>
    %ne3A_103 = arith.cmpi ne, %rem3A_100, %ne3A_102 : vector<1280x160xi32>
    %lt3A_104 = arith.constant 0 : i32
    %lt3A_105 = vector.broadcast %lt3A_104 : i32 to vector<1280x160xi32>
    %lt3A_106 = arith.cmpi slt, %rem3A_100, %lt3A_105 : vector<1280x160xi32>
    %lt3A_107 = arith.constant 0 : i32
    %lt3A_108 = arith.cmpi slt, %select_n3A_98, %lt3A_107 : i32
    %ne3A_109 = vector.broadcast %lt3A_108 : i1 to vector<1280x160xi1>
    %ne3A_110 = vector.broadcast %ne3A_109 : vector<1280x160xi1> to vector<1280x160xi1>
    %ne3A_111 = arith.xori %lt3A_106, %ne3A_110 : vector<1280x160xi1>
    %and3A_112 = arith.andi %ne3A_111, %ne3A_103 : vector<1280x160xi1>
    %add3A_113 = vector.broadcast %select_n3A_98 : i32 to vector<1280x160xi32>
    %add3A_114 = arith.addi %rem3A_100, %add3A_113 : vector<1280x160xi32>
    %select_n3A_115 = arith.select %and3A_112, %add3A_114, %rem3A_100 : vector<1280x160xi1>, vector<1280x160xi32>
    %eq3A_116 = arith.constant 0 : i32
    %eq3A_117 = vector.broadcast %eq3A_116 : i32 to vector<1280x160xi32>
    %eq3A_118 = arith.cmpi eq, %select_n3A_115, %eq3A_117 : vector<1280x160xi32>
    %and3A_119 = arith.andi %eq3A_93, %eq3A_118 : vector<1280x160xi1>
    %jit3A_120 = arith.constant 1.000000e+00 : f32
    %jit3A_121 = arith.constant 0.000000e+00 : f32
    %broadcast_in_dim3A_122 = vector.broadcast %jit3A_120 : f32 to vector<1280x160xf32>
    %broadcast_in_dim3A_123 = vector.broadcast %jit3A_121 : f32 to vector<1280x160xf32>
    %select_n3A_124 = arith.select %and3A_119, %broadcast_in_dim3A_122, %broadcast_in_dim3A_123 : vector<1280x160xi1>, vector<1280x160xf32>
    %dot_general3A_125 = arith.constant dense<0.000000e+00> : vector<1280x128xf32>
    %dot_general3A_126 = tpu.matmul %select_n3A_124, %dot_general3A_61, %dot_general3A_125 {dimension_numbers = #tpu.dot_dimension_numbers<[1], [0], [0], [1], [0, 0, 1, 1], [], []>, transpose_lhs_hint = false} : vector<1280x160xf32>, vector<160x128xf32>, vector<1280x128xf32> -> vector<1280x128xf32>
    %add3A_127 = arith.addf %broadcast_in_dim3A_20, %dot_general3A_126 : vector<1280x128xf32>
    %ge3A_128 = arith.constant 16 : i32
    %ge3A_129 = vector.broadcast %ge3A_128 : i32 to vector<128x128xi32>
    %ge3A_130 = arith.cmpi sge, %iota3A, %ge3A_129 : vector<128x128xi32>
    %lt3A_131 = arith.constant 20 : i32
    %lt3A_132 = vector.broadcast %lt3A_131 : i32 to vector<128x128xi32>
    %lt3A_133 = arith.cmpi slt, %iota3A, %lt3A_132 : vector<128x128xi32>
    %and3A_134 = arith.andi %ge3A_130, %lt3A_133 : vector<128x128xi1>
    %jit3A_135 = arith.constant 32 : i32
    %div3A_136 = vector.broadcast %jit3A_135 : i32 to vector<128x128xi32>
    %div3A_137 = arith.divsi %iota3A_21, %div3A_136 : vector<128x128xi32>
    %sign3A_138 = arith.constant 0 : i32
    %sign3A_139 = vector.broadcast %sign3A_138 : i32 to vector<128x128xi32>
    %sign3A_140 = arith.cmpi sgt, %iota3A_21, %sign3A_139 : vector<128x128xi32>
    %sign3A_141 = arith.extui %sign3A_140 : vector<128x128xi1> to vector<128x128xi32>
    %sign3A_142 = arith.constant 0 : i32
    %sign3A_143 = vector.broadcast %sign3A_142 : i32 to vector<128x128xi32>
    %sign3A_144 = arith.cmpi slt, %iota3A_21, %sign3A_143 : vector<128x128xi32>
    %sign3A_145 = arith.extui %sign3A_144 : vector<128x128xi1> to vector<128x128xi32>
    %sign3A_146 = arith.subi %sign3A_141, %sign3A_145 : vector<128x128xi32>
    %sign3A_147 = arith.constant 0 : i32
    %sign3A_148 = arith.cmpi sgt, %jit3A_135, %sign3A_147 : i32
    %sign3A_149 = arith.extui %sign3A_148 : i1 to i32
    %sign3A_150 = arith.constant 0 : i32
    %sign3A_151 = arith.cmpi slt, %jit3A_135, %sign3A_150 : i32
    %sign3A_152 = arith.extui %sign3A_151 : i1 to i32
    %sign3A_153 = arith.subi %sign3A_149, %sign3A_152 : i32
    %ne3A_154 = vector.broadcast %sign3A_153 : i32 to vector<128x128xi32>
    %ne3A_155 = arith.cmpi ne, %sign3A_146, %ne3A_154 : vector<128x128xi32>
    %rem3A_156 = vector.broadcast %jit3A_135 : i32 to vector<128x128xi32>
    %rem3A_157 = arith.remsi %iota3A_21, %rem3A_156 : vector<128x128xi32>
    %ne3A_158 = arith.constant 0 : i32
    %ne3A_159 = vector.broadcast %ne3A_158 : i32 to vector<128x128xi32>
    %ne3A_160 = arith.cmpi ne, %rem3A_157, %ne3A_159 : vector<128x128xi32>
    %and3A_161 = arith.andi %ne3A_155, %ne3A_160 : vector<128x128xi1>
    %sub3A_162 = arith.constant 1 : i32
    %sub3A_163 = vector.broadcast %sub3A_162 : i32 to vector<128x128xi32>
    %sub3A_164 = arith.subi %div3A_137, %sub3A_163 : vector<128x128xi32>
    %select_n3A_165 = arith.select %and3A_161, %sub3A_164, %div3A_137 : vector<128x128xi1>, vector<128x128xi32>
    %sub3A_166 = arith.constant 16 : i32
    %sub3A_167 = vector.broadcast %sub3A_166 : i32 to vector<128x128xi32>
    %sub3A_168 = arith.subi %iota3A, %sub3A_167 : vector<128x128xi32>
    %eq3A_169 = arith.cmpi eq, %select_n3A_165, %sub3A_168 : vector<128x128xi32>
    %and3A_170 = arith.andi %and3A_134, %eq3A_169 : vector<128x128xi1>
    %jit3A_171 = arith.constant 1.000000e+00 : f32
    %jit3A_172 = arith.constant 0.000000e+00 : f32
    %broadcast_in_dim3A_173 = vector.broadcast %jit3A_171 : f32 to vector<128x128xf32>
    %broadcast_in_dim3A_174 = vector.broadcast %jit3A_172 : f32 to vector<128x128xf32>
    %select_n3A_175 = arith.select %and3A_170, %broadcast_in_dim3A_173, %broadcast_in_dim3A_174 : vector<128x128xi1>, vector<128x128xf32>
    %dot_general3A_176 = arith.constant dense<0.000000e+00> : vector<160x128xf32>
    %dot_general3A_177 = tpu.matmul %add3A_19, %select_n3A_175, %dot_general3A_176 {dimension_numbers = #tpu.dot_dimension_numbers<[1], [0], [0], [1], [0, 0, 1, 1], [], []>, transpose_lhs_hint = false} : vector<160x128xf32>, vector<128x128xf32>, vector<160x128xf32> -> vector<160x128xf32>
    %jit3A_178 = arith.constant 8 : i32
    %div3A_179 = vector.broadcast %jit3A_178 : i32 to vector<1280x160xi32>
    %div3A_180 = arith.divsi %iota3A_22, %div3A_179 : vector<1280x160xi32>
    %sign3A_181 = arith.constant 0 : i32
    %sign3A_182 = vector.broadcast %sign3A_181 : i32 to vector<1280x160xi32>
    %sign3A_183 = arith.cmpi sgt, %iota3A_22, %sign3A_182 : vector<1280x160xi32>
    %sign3A_184 = arith.extui %sign3A_183 : vector<1280x160xi1> to vector<1280x160xi32>
    %sign3A_185 = arith.constant 0 : i32
    %sign3A_186 = vector.broadcast %sign3A_185 : i32 to vector<1280x160xi32>
    %sign3A_187 = arith.cmpi slt, %iota3A_22, %sign3A_186 : vector<1280x160xi32>
    %sign3A_188 = arith.extui %sign3A_187 : vector<1280x160xi1> to vector<1280x160xi32>
    %sign3A_189 = arith.subi %sign3A_184, %sign3A_188 : vector<1280x160xi32>
    %sign3A_190 = arith.constant 0 : i32
    %sign3A_191 = arith.cmpi sgt, %jit3A_178, %sign3A_190 : i32
    %sign3A_192 = arith.extui %sign3A_191 : i1 to i32
    %sign3A_193 = arith.constant 0 : i32
    %sign3A_194 = arith.cmpi slt, %jit3A_178, %sign3A_193 : i32
    %sign3A_195 = arith.extui %sign3A_194 : i1 to i32
    %sign3A_196 = arith.subi %sign3A_192, %sign3A_195 : i32
    %ne3A_197 = vector.broadcast %sign3A_196 : i32 to vector<1280x160xi32>
    %ne3A_198 = arith.cmpi ne, %sign3A_189, %ne3A_197 : vector<1280x160xi32>
    %rem3A_199 = vector.broadcast %jit3A_178 : i32 to vector<1280x160xi32>
    %rem3A_200 = arith.remsi %iota3A_22, %rem3A_199 : vector<1280x160xi32>
    %ne3A_201 = arith.constant 0 : i32
    %ne3A_202 = vector.broadcast %ne3A_201 : i32 to vector<1280x160xi32>
    %ne3A_203 = arith.cmpi ne, %rem3A_200, %ne3A_202 : vector<1280x160xi32>
    %and3A_204 = arith.andi %ne3A_198, %ne3A_203 : vector<1280x160xi1>
    %sub3A_205 = arith.constant 1 : i32
    %sub3A_206 = vector.broadcast %sub3A_205 : i32 to vector<1280x160xi32>
    %sub3A_207 = arith.subi %div3A_180, %sub3A_206 : vector<1280x160xi32>
    %select_n3A_208 = arith.select %and3A_204, %sub3A_207, %div3A_180 : vector<1280x160xi1>, vector<1280x160xi32>
    %eq3A_209 = arith.cmpi eq, %select_n3A_208, %iota3A_23 : vector<1280x160xi32>
    %jit3A_210 = arith.constant 8 : i32
    %eq3A_211 = arith.constant 0 : i32
    %eq3A_212 = arith.cmpi eq, %jit3A_210, %eq3A_211 : i32
    %jit3A_213 = arith.constant 1 : i32
    %select_n3A_214 = arith.select %eq3A_212, %jit3A_213, %jit3A_210 : i32
    %rem3A_215 = vector.broadcast %select_n3A_214 : i32 to vector<1280x160xi32>
    %rem3A_216 = arith.remsi %iota3A_22, %rem3A_215 : vector<1280x160xi32>
    %ne3A_217 = arith.constant 0 : i32
    %ne3A_218 = vector.broadcast %ne3A_217 : i32 to vector<1280x160xi32>
    %ne3A_219 = arith.cmpi ne, %rem3A_216, %ne3A_218 : vector<1280x160xi32>
    %lt3A_220 = arith.constant 0 : i32
    %lt3A_221 = vector.broadcast %lt3A_220 : i32 to vector<1280x160xi32>
    %lt3A_222 = arith.cmpi slt, %rem3A_216, %lt3A_221 : vector<1280x160xi32>
    %lt3A_223 = arith.constant 0 : i32
    %lt3A_224 = arith.cmpi slt, %select_n3A_214, %lt3A_223 : i32
    %ne3A_225 = vector.broadcast %lt3A_224 : i1 to vector<1280x160xi1>
    %ne3A_226 = vector.broadcast %ne3A_225 : vector<1280x160xi1> to vector<1280x160xi1>
    %ne3A_227 = arith.xori %lt3A_222, %ne3A_226 : vector<1280x160xi1>
    %and3A_228 = arith.andi %ne3A_227, %ne3A_219 : vector<1280x160xi1>
    %add3A_229 = vector.broadcast %select_n3A_214 : i32 to vector<1280x160xi32>
    %add3A_230 = arith.addi %rem3A_216, %add3A_229 : vector<1280x160xi32>
    %select_n3A_231 = arith.select %and3A_228, %add3A_230, %rem3A_216 : vector<1280x160xi1>, vector<1280x160xi32>
    %eq3A_232 = arith.constant 1 : i32
    %eq3A_233 = vector.broadcast %eq3A_232 : i32 to vector<1280x160xi32>
    %eq3A_234 = arith.cmpi eq, %select_n3A_231, %eq3A_233 : vector<1280x160xi32>
    %and3A_235 = arith.andi %eq3A_209, %eq3A_234 : vector<1280x160xi1>
    %jit3A_236 = arith.constant 1.000000e+00 : f32
    %jit3A_237 = arith.constant 0.000000e+00 : f32
    %broadcast_in_dim3A_238 = vector.broadcast %jit3A_236 : f32 to vector<1280x160xf32>
    %broadcast_in_dim3A_239 = vector.broadcast %jit3A_237 : f32 to vector<1280x160xf32>
    %select_n3A_240 = arith.select %and3A_235, %broadcast_in_dim3A_238, %broadcast_in_dim3A_239 : vector<1280x160xi1>, vector<1280x160xf32>
    %dot_general3A_241 = arith.constant dense<0.000000e+00> : vector<1280x128xf32>
    %dot_general3A_242 = tpu.matmul %select_n3A_240, %dot_general3A_177, %dot_general3A_241 {dimension_numbers = #tpu.dot_dimension_numbers<[1], [0], [0], [1], [0, 0, 1, 1], [], []>, transpose_lhs_hint = false} : vector<1280x160xf32>, vector<160x128xf32>, vector<1280x128xf32> -> vector<1280x128xf32>
    %add3A_243 = arith.addf %add3A_127, %dot_general3A_242 : vector<1280x128xf32>
    %ge3A_244 = arith.constant 32 : i32
    %ge3A_245 = vector.broadcast %ge3A_244 : i32 to vector<128x128xi32>
    %ge3A_246 = arith.cmpi sge, %iota3A, %ge3A_245 : vector<128x128xi32>
    %lt3A_247 = arith.constant 36 : i32
    %lt3A_248 = vector.broadcast %lt3A_247 : i32 to vector<128x128xi32>
    %lt3A_249 = arith.cmpi slt, %iota3A, %lt3A_248 : vector<128x128xi32>
    %and3A_250 = arith.andi %ge3A_246, %lt3A_249 : vector<128x128xi1>
    %jit3A_251 = arith.constant 32 : i32
    %div3A_252 = vector.broadcast %jit3A_251 : i32 to vector<128x128xi32>
    %div3A_253 = arith.divsi %iota3A_21, %div3A_252 : vector<128x128xi32>
    %sign3A_254 = arith.constant 0 : i32
    %sign3A_255 = vector.broadcast %sign3A_254 : i32 to vector<128x128xi32>
    %sign3A_256 = arith.cmpi sgt, %iota3A_21, %sign3A_255 : vector<128x128xi32>
    %sign3A_257 = arith.extui %sign3A_256 : vector<128x128xi1> to vector<128x128xi32>
    %sign3A_258 = arith.constant 0 : i32
    %sign3A_259 = vector.broadcast %sign3A_258 : i32 to vector<128x128xi32>
    %sign3A_260 = arith.cmpi slt, %iota3A_21, %sign3A_259 : vector<128x128xi32>
    %sign3A_261 = arith.extui %sign3A_260 : vector<128x128xi1> to vector<128x128xi32>
    %sign3A_262 = arith.subi %sign3A_257, %sign3A_261 : vector<128x128xi32>
    %sign3A_263 = arith.constant 0 : i32
    %sign3A_264 = arith.cmpi sgt, %jit3A_251, %sign3A_263 : i32
    %sign3A_265 = arith.extui %sign3A_264 : i1 to i32
    %sign3A_266 = arith.constant 0 : i32
    %sign3A_267 = arith.cmpi slt, %jit3A_251, %sign3A_266 : i32
    %sign3A_268 = arith.extui %sign3A_267 : i1 to i32
    %sign3A_269 = arith.subi %sign3A_265, %sign3A_268 : i32
    %ne3A_270 = vector.broadcast %sign3A_269 : i32 to vector<128x128xi32>
    %ne3A_271 = arith.cmpi ne, %sign3A_262, %ne3A_270 : vector<128x128xi32>
    %rem3A_272 = vector.broadcast %jit3A_251 : i32 to vector<128x128xi32>
    %rem3A_273 = arith.remsi %iota3A_21, %rem3A_272 : vector<128x128xi32>
    %ne3A_274 = arith.constant 0 : i32
    %ne3A_275 = vector.broadcast %ne3A_274 : i32 to vector<128x128xi32>
    %ne3A_276 = arith.cmpi ne, %rem3A_273, %ne3A_275 : vector<128x128xi32>
    %and3A_277 = arith.andi %ne3A_271, %ne3A_276 : vector<128x128xi1>
    %sub3A_278 = arith.constant 1 : i32
    %sub3A_279 = vector.broadcast %sub3A_278 : i32 to vector<128x128xi32>
    %sub3A_280 = arith.subi %div3A_253, %sub3A_279 : vector<128x128xi32>
    %select_n3A_281 = arith.select %and3A_277, %sub3A_280, %div3A_253 : vector<128x128xi1>, vector<128x128xi32>
    %sub3A_282 = arith.constant 32 : i32
    %sub3A_283 = vector.broadcast %sub3A_282 : i32 to vector<128x128xi32>
    %sub3A_284 = arith.subi %iota3A, %sub3A_283 : vector<128x128xi32>
    %eq3A_285 = arith.cmpi eq, %select_n3A_281, %sub3A_284 : vector<128x128xi32>
    %and3A_286 = arith.andi %and3A_250, %eq3A_285 : vector<128x128xi1>
    %jit3A_287 = arith.constant 1.000000e+00 : f32
    %jit3A_288 = arith.constant 0.000000e+00 : f32
    %broadcast_in_dim3A_289 = vector.broadcast %jit3A_287 : f32 to vector<128x128xf32>
    %broadcast_in_dim3A_290 = vector.broadcast %jit3A_288 : f32 to vector<128x128xf32>
    %select_n3A_291 = arith.select %and3A_286, %broadcast_in_dim3A_289, %broadcast_in_dim3A_290 : vector<128x128xi1>, vector<128x128xf32>
    %dot_general3A_292 = arith.constant dense<0.000000e+00> : vector<160x128xf32>
    %dot_general3A_293 = tpu.matmul %add3A_19, %select_n3A_291, %dot_general3A_292 {dimension_numbers = #tpu.dot_dimension_numbers<[1], [0], [0], [1], [0, 0, 1, 1], [], []>, transpose_lhs_hint = false} : vector<160x128xf32>, vector<128x128xf32>, vector<160x128xf32> -> vector<160x128xf32>
    %jit3A_294 = arith.constant 8 : i32
    %div3A_295 = vector.broadcast %jit3A_294 : i32 to vector<1280x160xi32>
    %div3A_296 = arith.divsi %iota3A_22, %div3A_295 : vector<1280x160xi32>
    %sign3A_297 = arith.constant 0 : i32
    %sign3A_298 = vector.broadcast %sign3A_297 : i32 to vector<1280x160xi32>
    %sign3A_299 = arith.cmpi sgt, %iota3A_22, %sign3A_298 : vector<1280x160xi32>
    %sign3A_300 = arith.extui %sign3A_299 : vector<1280x160xi1> to vector<1280x160xi32>
    %sign3A_301 = arith.constant 0 : i32
    %sign3A_302 = vector.broadcast %sign3A_301 : i32 to vector<1280x160xi32>
    %sign3A_303 = arith.cmpi slt, %iota3A_22, %sign3A_302 : vector<1280x160xi32>
    %sign3A_304 = arith.extui %sign3A_303 : vector<1280x160xi1> to vector<1280x160xi32>
    %sign3A_305 = arith.subi %sign3A_300, %sign3A_304 : vector<1280x160xi32>
    %sign3A_306 = arith.constant 0 : i32
    %sign3A_307 = arith.cmpi sgt, %jit3A_294, %sign3A_306 : i32
    %sign3A_308 = arith.extui %sign3A_307 : i1 to i32
    %sign3A_309 = arith.constant 0 : i32
    %sign3A_310 = arith.cmpi slt, %jit3A_294, %sign3A_309 : i32
    %sign3A_311 = arith.extui %sign3A_310 : i1 to i32
    %sign3A_312 = arith.subi %sign3A_308, %sign3A_311 : i32
    %ne3A_313 = vector.broadcast %sign3A_312 : i32 to vector<1280x160xi32>
    %ne3A_314 = arith.cmpi ne, %sign3A_305, %ne3A_313 : vector<1280x160xi32>
    %rem3A_315 = vector.broadcast %jit3A_294 : i32 to vector<1280x160xi32>
    %rem3A_316 = arith.remsi %iota3A_22, %rem3A_315 : vector<1280x160xi32>
    %ne3A_317 = arith.constant 0 : i32
    %ne3A_318 = vector.broadcast %ne3A_317 : i32 to vector<1280x160xi32>
    %ne3A_319 = arith.cmpi ne, %rem3A_316, %ne3A_318 : vector<1280x160xi32>
    %and3A_320 = arith.andi %ne3A_314, %ne3A_319 : vector<1280x160xi1>
    %sub3A_321 = arith.constant 1 : i32
    %sub3A_322 = vector.broadcast %sub3A_321 : i32 to vector<1280x160xi32>
    %sub3A_323 = arith.subi %div3A_296, %sub3A_322 : vector<1280x160xi32>
    %select_n3A_324 = arith.select %and3A_320, %sub3A_323, %div3A_296 : vector<1280x160xi1>, vector<1280x160xi32>
    %eq3A_325 = arith.cmpi eq, %select_n3A_324, %iota3A_23 : vector<1280x160xi32>
    %jit3A_326 = arith.constant 8 : i32
    %eq3A_327 = arith.constant 0 : i32
    %eq3A_328 = arith.cmpi eq, %jit3A_326, %eq3A_327 : i32
    %jit3A_329 = arith.constant 1 : i32
    %select_n3A_330 = arith.select %eq3A_328, %jit3A_329, %jit3A_326 : i32
    %rem3A_331 = vector.broadcast %select_n3A_330 : i32 to vector<1280x160xi32>
    %rem3A_332 = arith.remsi %iota3A_22, %rem3A_331 : vector<1280x160xi32>
    %ne3A_333 = arith.constant 0 : i32
    %ne3A_334 = vector.broadcast %ne3A_333 : i32 to vector<1280x160xi32>
    %ne3A_335 = arith.cmpi ne, %rem3A_332, %ne3A_334 : vector<1280x160xi32>
    %lt3A_336 = arith.constant 0 : i32
    %lt3A_337 = vector.broadcast %lt3A_336 : i32 to vector<1280x160xi32>
    %lt3A_338 = arith.cmpi slt, %rem3A_332, %lt3A_337 : vector<1280x160xi32>
    %lt3A_339 = arith.constant 0 : i32
    %lt3A_340 = arith.cmpi slt, %select_n3A_330, %lt3A_339 : i32
    %ne3A_341 = vector.broadcast %lt3A_340 : i1 to vector<1280x160xi1>
    %ne3A_342 = vector.broadcast %ne3A_341 : vector<1280x160xi1> to vector<1280x160xi1>
    %ne3A_343 = arith.xori %lt3A_338, %ne3A_342 : vector<1280x160xi1>
    %and3A_344 = arith.andi %ne3A_343, %ne3A_335 : vector<1280x160xi1>
    %add3A_345 = vector.broadcast %select_n3A_330 : i32 to vector<1280x160xi32>
    %add3A_346 = arith.addi %rem3A_332, %add3A_345 : vector<1280x160xi32>
    %select_n3A_347 = arith.select %and3A_344, %add3A_346, %rem3A_332 : vector<1280x160xi1>, vector<1280x160xi32>
    %eq3A_348 = arith.constant 2 : i32
    %eq3A_349 = vector.broadcast %eq3A_348 : i32 to vector<1280x160xi32>
    %eq3A_350 = arith.cmpi eq, %select_n3A_347, %eq3A_349 : vector<1280x160xi32>
    %and3A_351 = arith.andi %eq3A_325, %eq3A_350 : vector<1280x160xi1>
    %jit3A_352 = arith.constant 1.000000e+00 : f32
    %jit3A_353 = arith.constant 0.000000e+00 : f32
    %broadcast_in_dim3A_354 = vector.broadcast %jit3A_352 : f32 to vector<1280x160xf32>
    %broadcast_in_dim3A_355 = vector.broadcast %jit3A_353 : f32 to vector<1280x160xf32>
    %select_n3A_356 = arith.select %and3A_351, %broadcast_in_dim3A_354, %broadcast_in_dim3A_355 : vector<1280x160xi1>, vector<1280x160xf32>
    %dot_general3A_357 = arith.constant dense<0.000000e+00> : vector<1280x128xf32>
    %dot_general3A_358 = tpu.matmul %select_n3A_356, %dot_general3A_293, %dot_general3A_357 {dimension_numbers = #tpu.dot_dimension_numbers<[1], [0], [0], [1], [0, 0, 1, 1], [], []>, transpose_lhs_hint = false} : vector<1280x160xf32>, vector<160x128xf32>, vector<1280x128xf32> -> vector<1280x128xf32>
    %add3A_359 = arith.addf %add3A_243, %dot_general3A_358 : vector<1280x128xf32>
    %ge3A_360 = arith.constant 48 : i32
    %ge3A_361 = vector.broadcast %ge3A_360 : i32 to vector<128x128xi32>
    %ge3A_362 = arith.cmpi sge, %iota3A, %ge3A_361 : vector<128x128xi32>
    %lt3A_363 = arith.constant 52 : i32
    %lt3A_364 = vector.broadcast %lt3A_363 : i32 to vector<128x128xi32>
    %lt3A_365 = arith.cmpi slt, %iota3A, %lt3A_364 : vector<128x128xi32>
    %and3A_366 = arith.andi %ge3A_362, %lt3A_365 : vector<128x128xi1>
    %jit3A_367 = arith.constant 32 : i32
    %div3A_368 = vector.broadcast %jit3A_367 : i32 to vector<128x128xi32>
    %div3A_369 = arith.divsi %iota3A_21, %div3A_368 : vector<128x128xi32>
    %sign3A_370 = arith.constant 0 : i32
    %sign3A_371 = vector.broadcast %sign3A_370 : i32 to vector<128x128xi32>
    %sign3A_372 = arith.cmpi sgt, %iota3A_21, %sign3A_371 : vector<128x128xi32>
    %sign3A_373 = arith.extui %sign3A_372 : vector<128x128xi1> to vector<128x128xi32>
    %sign3A_374 = arith.constant 0 : i32
    %sign3A_375 = vector.broadcast %sign3A_374 : i32 to vector<128x128xi32>
    %sign3A_376 = arith.cmpi slt, %iota3A_21, %sign3A_375 : vector<128x128xi32>
    %sign3A_377 = arith.extui %sign3A_376 : vector<128x128xi1> to vector<128x128xi32>
    %sign3A_378 = arith.subi %sign3A_373, %sign3A_377 : vector<128x128xi32>
    %sign3A_379 = arith.constant 0 : i32
    %sign3A_380 = arith.cmpi sgt, %jit3A_367, %sign3A_379 : i32
    %sign3A_381 = arith.extui %sign3A_380 : i1 to i32
    %sign3A_382 = arith.constant 0 : i32
    %sign3A_383 = arith.cmpi slt, %jit3A_367, %sign3A_382 : i32
    %sign3A_384 = arith.extui %sign3A_383 : i1 to i32
    %sign3A_385 = arith.subi %sign3A_381, %sign3A_384 : i32
    %ne3A_386 = vector.broadcast %sign3A_385 : i32 to vector<128x128xi32>
    %ne3A_387 = arith.cmpi ne, %sign3A_378, %ne3A_386 : vector<128x128xi32>
    %rem3A_388 = vector.broadcast %jit3A_367 : i32 to vector<128x128xi32>
    %rem3A_389 = arith.remsi %iota3A_21, %rem3A_388 : vector<128x128xi32>
    %ne3A_390 = arith.constant 0 : i32
    %ne3A_391 = vector.broadcast %ne3A_390 : i32 to vector<128x128xi32>
    %ne3A_392 = arith.cmpi ne, %rem3A_389, %ne3A_391 : vector<128x128xi32>
    %and3A_393 = arith.andi %ne3A_387, %ne3A_392 : vector<128x128xi1>
    %sub3A_394 = arith.constant 1 : i32
    %sub3A_395 = vector.broadcast %sub3A_394 : i32 to vector<128x128xi32>
    %sub3A_396 = arith.subi %div3A_369, %sub3A_395 : vector<128x128xi32>
    %select_n3A_397 = arith.select %and3A_393, %sub3A_396, %div3A_369 : vector<128x128xi1>, vector<128x128xi32>
    %sub3A_398 = arith.constant 48 : i32
    %sub3A_399 = vector.broadcast %sub3A_398 : i32 to vector<128x128xi32>
    %sub3A_400 = arith.subi %iota3A, %sub3A_399 : vector<128x128xi32>
    %eq3A_401 = arith.cmpi eq, %select_n3A_397, %sub3A_400 : vector<128x128xi32>
    %and3A_402 = arith.andi %and3A_366, %eq3A_401 : vector<128x128xi1>
    %jit3A_403 = arith.constant 1.000000e+00 : f32
    %jit3A_404 = arith.constant 0.000000e+00 : f32
    %broadcast_in_dim3A_405 = vector.broadcast %jit3A_403 : f32 to vector<128x128xf32>
    %broadcast_in_dim3A_406 = vector.broadcast %jit3A_404 : f32 to vector<128x128xf32>
    %select_n3A_407 = arith.select %and3A_402, %broadcast_in_dim3A_405, %broadcast_in_dim3A_406 : vector<128x128xi1>, vector<128x128xf32>
    %dot_general3A_408 = arith.constant dense<0.000000e+00> : vector<160x128xf32>
    %dot_general3A_409 = tpu.matmul %add3A_19, %select_n3A_407, %dot_general3A_408 {dimension_numbers = #tpu.dot_dimension_numbers<[1], [0], [0], [1], [0, 0, 1, 1], [], []>, transpose_lhs_hint = false} : vector<160x128xf32>, vector<128x128xf32>, vector<160x128xf32> -> vector<160x128xf32>
    %jit3A_410 = arith.constant 8 : i32
    %div3A_411 = vector.broadcast %jit3A_410 : i32 to vector<1280x160xi32>
    %div3A_412 = arith.divsi %iota3A_22, %div3A_411 : vector<1280x160xi32>
    %sign3A_413 = arith.constant 0 : i32
    %sign3A_414 = vector.broadcast %sign3A_413 : i32 to vector<1280x160xi32>
    %sign3A_415 = arith.cmpi sgt, %iota3A_22, %sign3A_414 : vector<1280x160xi32>
    %sign3A_416 = arith.extui %sign3A_415 : vector<1280x160xi1> to vector<1280x160xi32>
    %sign3A_417 = arith.constant 0 : i32
    %sign3A_418 = vector.broadcast %sign3A_417 : i32 to vector<1280x160xi32>
    %sign3A_419 = arith.cmpi slt, %iota3A_22, %sign3A_418 : vector<1280x160xi32>
    %sign3A_420 = arith.extui %sign3A_419 : vector<1280x160xi1> to vector<1280x160xi32>
    %sign3A_421 = arith.subi %sign3A_416, %sign3A_420 : vector<1280x160xi32>
    %sign3A_422 = arith.constant 0 : i32
    %sign3A_423 = arith.cmpi sgt, %jit3A_410, %sign3A_422 : i32
    %sign3A_424 = arith.extui %sign3A_423 : i1 to i32
    %sign3A_425 = arith.constant 0 : i32
    %sign3A_426 = arith.cmpi slt, %jit3A_410, %sign3A_425 : i32
    %sign3A_427 = arith.extui %sign3A_426 : i1 to i32
    %sign3A_428 = arith.subi %sign3A_424, %sign3A_427 : i32
    %ne3A_429 = vector.broadcast %sign3A_428 : i32 to vector<1280x160xi32>
    %ne3A_430 = arith.cmpi ne, %sign3A_421, %ne3A_429 : vector<1280x160xi32>
    %rem3A_431 = vector.broadcast %jit3A_410 : i32 to vector<1280x160xi32>
    %rem3A_432 = arith.remsi %iota3A_22, %rem3A_431 : vector<1280x160xi32>
    %ne3A_433 = arith.constant 0 : i32
    %ne3A_434 = vector.broadcast %ne3A_433 : i32 to vector<1280x160xi32>
    %ne3A_435 = arith.cmpi ne, %rem3A_432, %ne3A_434 : vector<1280x160xi32>
    %and3A_436 = arith.andi %ne3A_430, %ne3A_435 : vector<1280x160xi1>
    %sub3A_437 = arith.constant 1 : i32
    %sub3A_438 = vector.broadcast %sub3A_437 : i32 to vector<1280x160xi32>
    %sub3A_439 = arith.subi %div3A_412, %sub3A_438 : vector<1280x160xi32>
    %select_n3A_440 = arith.select %and3A_436, %sub3A_439, %div3A_412 : vector<1280x160xi1>, vector<1280x160xi32>
    %eq3A_441 = arith.cmpi eq, %select_n3A_440, %iota3A_23 : vector<1280x160xi32>
    %jit3A_442 = arith.constant 8 : i32
    %eq3A_443 = arith.constant 0 : i32
    %eq3A_444 = arith.cmpi eq, %jit3A_442, %eq3A_443 : i32
    %jit3A_445 = arith.constant 1 : i32
    %select_n3A_446 = arith.select %eq3A_444, %jit3A_445, %jit3A_442 : i32
    %rem3A_447 = vector.broadcast %select_n3A_446 : i32 to vector<1280x160xi32>
    %rem3A_448 = arith.remsi %iota3A_22, %rem3A_447 : vector<1280x160xi32>
    %ne3A_449 = arith.constant 0 : i32
    %ne3A_450 = vector.broadcast %ne3A_449 : i32 to vector<1280x160xi32>
    %ne3A_451 = arith.cmpi ne, %rem3A_448, %ne3A_450 : vector<1280x160xi32>
    %lt3A_452 = arith.constant 0 : i32
    %lt3A_453 = vector.broadcast %lt3A_452 : i32 to vector<1280x160xi32>
    %lt3A_454 = arith.cmpi slt, %rem3A_448, %lt3A_453 : vector<1280x160xi32>
    %lt3A_455 = arith.constant 0 : i32
    %lt3A_456 = arith.cmpi slt, %select_n3A_446, %lt3A_455 : i32
    %ne3A_457 = vector.broadcast %lt3A_456 : i1 to vector<1280x160xi1>
    %ne3A_458 = vector.broadcast %ne3A_457 : vector<1280x160xi1> to vector<1280x160xi1>
    %ne3A_459 = arith.xori %lt3A_454, %ne3A_458 : vector<1280x160xi1>
    %and3A_460 = arith.andi %ne3A_459, %ne3A_451 : vector<1280x160xi1>
    %add3A_461 = vector.broadcast %select_n3A_446 : i32 to vector<1280x160xi32>
    %add3A_462 = arith.addi %rem3A_448, %add3A_461 : vector<1280x160xi32>
    %select_n3A_463 = arith.select %and3A_460, %add3A_462, %rem3A_448 : vector<1280x160xi1>, vector<1280x160xi32>
    %eq3A_464 = arith.constant 3 : i32
    %eq3A_465 = vector.broadcast %eq3A_464 : i32 to vector<1280x160xi32>
    %eq3A_466 = arith.cmpi eq, %select_n3A_463, %eq3A_465 : vector<1280x160xi32>
    %and3A_467 = arith.andi %eq3A_441, %eq3A_466 : vector<1280x160xi1>
    %jit3A_468 = arith.constant 1.000000e+00 : f32
    %jit3A_469 = arith.constant 0.000000e+00 : f32
    %broadcast_in_dim3A_470 = vector.broadcast %jit3A_468 : f32 to vector<1280x160xf32>
    %broadcast_in_dim3A_471 = vector.broadcast %jit3A_469 : f32 to vector<1280x160xf32>
    %select_n3A_472 = arith.select %and3A_467, %broadcast_in_dim3A_470, %broadcast_in_dim3A_471 : vector<1280x160xi1>, vector<1280x160xf32>
    %dot_general3A_473 = arith.constant dense<0.000000e+00> : vector<1280x128xf32>
    %dot_general3A_474 = tpu.matmul %select_n3A_472, %dot_general3A_409, %dot_general3A_473 {dimension_numbers = #tpu.dot_dimension_numbers<[1], [0], [0], [1], [0, 0, 1, 1], [], []>, transpose_lhs_hint = false} : vector<1280x160xf32>, vector<160x128xf32>, vector<1280x128xf32> -> vector<1280x128xf32>
    %add3A_475 = arith.addf %add3A_359, %dot_general3A_474 : vector<1280x128xf32>
    %ge3A_476 = arith.constant 64 : i32
    %ge3A_477 = vector.broadcast %ge3A_476 : i32 to vector<128x128xi32>
    %ge3A_478 = arith.cmpi sge, %iota3A, %ge3A_477 : vector<128x128xi32>
    %lt3A_479 = arith.constant 68 : i32
    %lt3A_480 = vector.broadcast %lt3A_479 : i32 to vector<128x128xi32>
    %lt3A_481 = arith.cmpi slt, %iota3A, %lt3A_480 : vector<128x128xi32>
    %and3A_482 = arith.andi %ge3A_478, %lt3A_481 : vector<128x128xi1>
    %jit3A_483 = arith.constant 32 : i32
    %div3A_484 = vector.broadcast %jit3A_483 : i32 to vector<128x128xi32>
    %div3A_485 = arith.divsi %iota3A_21, %div3A_484 : vector<128x128xi32>
    %sign3A_486 = arith.constant 0 : i32
    %sign3A_487 = vector.broadcast %sign3A_486 : i32 to vector<128x128xi32>
    %sign3A_488 = arith.cmpi sgt, %iota3A_21, %sign3A_487 : vector<128x128xi32>
    %sign3A_489 = arith.extui %sign3A_488 : vector<128x128xi1> to vector<128x128xi32>
    %sign3A_490 = arith.constant 0 : i32
    %sign3A_491 = vector.broadcast %sign3A_490 : i32 to vector<128x128xi32>
    %sign3A_492 = arith.cmpi slt, %iota3A_21, %sign3A_491 : vector<128x128xi32>
    %sign3A_493 = arith.extui %sign3A_492 : vector<128x128xi1> to vector<128x128xi32>
    %sign3A_494 = arith.subi %sign3A_489, %sign3A_493 : vector<128x128xi32>
    %sign3A_495 = arith.constant 0 : i32
    %sign3A_496 = arith.cmpi sgt, %jit3A_483, %sign3A_495 : i32
    %sign3A_497 = arith.extui %sign3A_496 : i1 to i32
    %sign3A_498 = arith.constant 0 : i32
    %sign3A_499 = arith.cmpi slt, %jit3A_483, %sign3A_498 : i32
    %sign3A_500 = arith.extui %sign3A_499 : i1 to i32
    %sign3A_501 = arith.subi %sign3A_497, %sign3A_500 : i32
    %ne3A_502 = vector.broadcast %sign3A_501 : i32 to vector<128x128xi32>
    %ne3A_503 = arith.cmpi ne, %sign3A_494, %ne3A_502 : vector<128x128xi32>
    %rem3A_504 = vector.broadcast %jit3A_483 : i32 to vector<128x128xi32>
    %rem3A_505 = arith.remsi %iota3A_21, %rem3A_504 : vector<128x128xi32>
    %ne3A_506 = arith.constant 0 : i32
    %ne3A_507 = vector.broadcast %ne3A_506 : i32 to vector<128x128xi32>
    %ne3A_508 = arith.cmpi ne, %rem3A_505, %ne3A_507 : vector<128x128xi32>
    %and3A_509 = arith.andi %ne3A_503, %ne3A_508 : vector<128x128xi1>
    %sub3A_510 = arith.constant 1 : i32
    %sub3A_511 = vector.broadcast %sub3A_510 : i32 to vector<128x128xi32>
    %sub3A_512 = arith.subi %div3A_485, %sub3A_511 : vector<128x128xi32>
    %select_n3A_513 = arith.select %and3A_509, %sub3A_512, %div3A_485 : vector<128x128xi1>, vector<128x128xi32>
    %sub3A_514 = arith.constant 64 : i32
    %sub3A_515 = vector.broadcast %sub3A_514 : i32 to vector<128x128xi32>
    %sub3A_516 = arith.subi %iota3A, %sub3A_515 : vector<128x128xi32>
    %eq3A_517 = arith.cmpi eq, %select_n3A_513, %sub3A_516 : vector<128x128xi32>
    %and3A_518 = arith.andi %and3A_482, %eq3A_517 : vector<128x128xi1>
    %jit3A_519 = arith.constant 1.000000e+00 : f32
    %jit3A_520 = arith.constant 0.000000e+00 : f32
    %broadcast_in_dim3A_521 = vector.broadcast %jit3A_519 : f32 to vector<128x128xf32>
    %broadcast_in_dim3A_522 = vector.broadcast %jit3A_520 : f32 to vector<128x128xf32>
    %select_n3A_523 = arith.select %and3A_518, %broadcast_in_dim3A_521, %broadcast_in_dim3A_522 : vector<128x128xi1>, vector<128x128xf32>
    %dot_general3A_524 = arith.constant dense<0.000000e+00> : vector<160x128xf32>
    %dot_general3A_525 = tpu.matmul %add3A_19, %select_n3A_523, %dot_general3A_524 {dimension_numbers = #tpu.dot_dimension_numbers<[1], [0], [0], [1], [0, 0, 1, 1], [], []>, transpose_lhs_hint = false} : vector<160x128xf32>, vector<128x128xf32>, vector<160x128xf32> -> vector<160x128xf32>
    %jit3A_526 = arith.constant 8 : i32
    %div3A_527 = vector.broadcast %jit3A_526 : i32 to vector<1280x160xi32>
    %div3A_528 = arith.divsi %iota3A_22, %div3A_527 : vector<1280x160xi32>
    %sign3A_529 = arith.constant 0 : i32
    %sign3A_530 = vector.broadcast %sign3A_529 : i32 to vector<1280x160xi32>
    %sign3A_531 = arith.cmpi sgt, %iota3A_22, %sign3A_530 : vector<1280x160xi32>
    %sign3A_532 = arith.extui %sign3A_531 : vector<1280x160xi1> to vector<1280x160xi32>
    %sign3A_533 = arith.constant 0 : i32
    %sign3A_534 = vector.broadcast %sign3A_533 : i32 to vector<1280x160xi32>
    %sign3A_535 = arith.cmpi slt, %iota3A_22, %sign3A_534 : vector<1280x160xi32>
    %sign3A_536 = arith.extui %sign3A_535 : vector<1280x160xi1> to vector<1280x160xi32>
    %sign3A_537 = arith.subi %sign3A_532, %sign3A_536 : vector<1280x160xi32>
    %sign3A_538 = arith.constant 0 : i32
    %sign3A_539 = arith.cmpi sgt, %jit3A_526, %sign3A_538 : i32
    %sign3A_540 = arith.extui %sign3A_539 : i1 to i32
    %sign3A_541 = arith.constant 0 : i32
    %sign3A_542 = arith.cmpi slt, %jit3A_526, %sign3A_541 : i32
    %sign3A_543 = arith.extui %sign3A_542 : i1 to i32
    %sign3A_544 = arith.subi %sign3A_540, %sign3A_543 : i32
    %ne3A_545 = vector.broadcast %sign3A_544 : i32 to vector<1280x160xi32>
    %ne3A_546 = arith.cmpi ne, %sign3A_537, %ne3A_545 : vector<1280x160xi32>
    %rem3A_547 = vector.broadcast %jit3A_526 : i32 to vector<1280x160xi32>
    %rem3A_548 = arith.remsi %iota3A_22, %rem3A_547 : vector<1280x160xi32>
    %ne3A_549 = arith.constant 0 : i32
    %ne3A_550 = vector.broadcast %ne3A_549 : i32 to vector<1280x160xi32>
    %ne3A_551 = arith.cmpi ne, %rem3A_548, %ne3A_550 : vector<1280x160xi32>
    %and3A_552 = arith.andi %ne3A_546, %ne3A_551 : vector<1280x160xi1>
    %sub3A_553 = arith.constant 1 : i32
    %sub3A_554 = vector.broadcast %sub3A_553 : i32 to vector<1280x160xi32>
    %sub3A_555 = arith.subi %div3A_528, %sub3A_554 : vector<1280x160xi32>
    %select_n3A_556 = arith.select %and3A_552, %sub3A_555, %div3A_528 : vector<1280x160xi1>, vector<1280x160xi32>
    %eq3A_557 = arith.cmpi eq, %select_n3A_556, %iota3A_23 : vector<1280x160xi32>
    %jit3A_558 = arith.constant 8 : i32
    %eq3A_559 = arith.constant 0 : i32
    %eq3A_560 = arith.cmpi eq, %jit3A_558, %eq3A_559 : i32
    %jit3A_561 = arith.constant 1 : i32
    %select_n3A_562 = arith.select %eq3A_560, %jit3A_561, %jit3A_558 : i32
    %rem3A_563 = vector.broadcast %select_n3A_562 : i32 to vector<1280x160xi32>
    %rem3A_564 = arith.remsi %iota3A_22, %rem3A_563 : vector<1280x160xi32>
    %ne3A_565 = arith.constant 0 : i32
    %ne3A_566 = vector.broadcast %ne3A_565 : i32 to vector<1280x160xi32>
    %ne3A_567 = arith.cmpi ne, %rem3A_564, %ne3A_566 : vector<1280x160xi32>
    %lt3A_568 = arith.constant 0 : i32
    %lt3A_569 = vector.broadcast %lt3A_568 : i32 to vector<1280x160xi32>
    %lt3A_570 = arith.cmpi slt, %rem3A_564, %lt3A_569 : vector<1280x160xi32>
    %lt3A_571 = arith.constant 0 : i32
    %lt3A_572 = arith.cmpi slt, %select_n3A_562, %lt3A_571 : i32
    %ne3A_573 = vector.broadcast %lt3A_572 : i1 to vector<1280x160xi1>
    %ne3A_574 = vector.broadcast %ne3A_573 : vector<1280x160xi1> to vector<1280x160xi1>
    %ne3A_575 = arith.xori %lt3A_570, %ne3A_574 : vector<1280x160xi1>
    %and3A_576 = arith.andi %ne3A_575, %ne3A_567 : vector<1280x160xi1>
    %add3A_577 = vector.broadcast %select_n3A_562 : i32 to vector<1280x160xi32>
    %add3A_578 = arith.addi %rem3A_564, %add3A_577 : vector<1280x160xi32>
    %select_n3A_579 = arith.select %and3A_576, %add3A_578, %rem3A_564 : vector<1280x160xi1>, vector<1280x160xi32>
    %eq3A_580 = arith.constant 4 : i32
    %eq3A_581 = vector.broadcast %eq3A_580 : i32 to vector<1280x160xi32>
    %eq3A_582 = arith.cmpi eq, %select_n3A_579, %eq3A_581 : vector<1280x160xi32>
    %and3A_583 = arith.andi %eq3A_557, %eq3A_582 : vector<1280x160xi1>
    %jit3A_584 = arith.constant 1.000000e+00 : f32
    %jit3A_585 = arith.constant 0.000000e+00 : f32
    %broadcast_in_dim3A_586 = vector.broadcast %jit3A_584 : f32 to vector<1280x160xf32>
    %broadcast_in_dim3A_587 = vector.broadcast %jit3A_585 : f32 to vector<1280x160xf32>
    %select_n3A_588 = arith.select %and3A_583, %broadcast_in_dim3A_586, %broadcast_in_dim3A_587 : vector<1280x160xi1>, vector<1280x160xf32>
    %dot_general3A_589 = arith.constant dense<0.000000e+00> : vector<1280x128xf32>
    %dot_general3A_590 = tpu.matmul %select_n3A_588, %dot_general3A_525, %dot_general3A_589 {dimension_numbers = #tpu.dot_dimension_numbers<[1], [0], [0], [1], [0, 0, 1, 1], [], []>, transpose_lhs_hint = false} : vector<1280x160xf32>, vector<160x128xf32>, vector<1280x128xf32> -> vector<1280x128xf32>
    %add3A_591 = arith.addf %add3A_475, %dot_general3A_590 : vector<1280x128xf32>
    %ge3A_592 = arith.constant 80 : i32
    %ge3A_593 = vector.broadcast %ge3A_592 : i32 to vector<128x128xi32>
    %ge3A_594 = arith.cmpi sge, %iota3A, %ge3A_593 : vector<128x128xi32>
    %lt3A_595 = arith.constant 84 : i32
    %lt3A_596 = vector.broadcast %lt3A_595 : i32 to vector<128x128xi32>
    %lt3A_597 = arith.cmpi slt, %iota3A, %lt3A_596 : vector<128x128xi32>
    %and3A_598 = arith.andi %ge3A_594, %lt3A_597 : vector<128x128xi1>
    %jit3A_599 = arith.constant 32 : i32
    %div3A_600 = vector.broadcast %jit3A_599 : i32 to vector<128x128xi32>
    %div3A_601 = arith.divsi %iota3A_21, %div3A_600 : vector<128x128xi32>
    %sign3A_602 = arith.constant 0 : i32
    %sign3A_603 = vector.broadcast %sign3A_602 : i32 to vector<128x128xi32>
    %sign3A_604 = arith.cmpi sgt, %iota3A_21, %sign3A_603 : vector<128x128xi32>
    %sign3A_605 = arith.extui %sign3A_604 : vector<128x128xi1> to vector<128x128xi32>
    %sign3A_606 = arith.constant 0 : i32
    %sign3A_607 = vector.broadcast %sign3A_606 : i32 to vector<128x128xi32>
    %sign3A_608 = arith.cmpi slt, %iota3A_21, %sign3A_607 : vector<128x128xi32>
    %sign3A_609 = arith.extui %sign3A_608 : vector<128x128xi1> to vector<128x128xi32>
    %sign3A_610 = arith.subi %sign3A_605, %sign3A_609 : vector<128x128xi32>
    %sign3A_611 = arith.constant 0 : i32
    %sign3A_612 = arith.cmpi sgt, %jit3A_599, %sign3A_611 : i32
    %sign3A_613 = arith.extui %sign3A_612 : i1 to i32
    %sign3A_614 = arith.constant 0 : i32
    %sign3A_615 = arith.cmpi slt, %jit3A_599, %sign3A_614 : i32
    %sign3A_616 = arith.extui %sign3A_615 : i1 to i32
    %sign3A_617 = arith.subi %sign3A_613, %sign3A_616 : i32
    %ne3A_618 = vector.broadcast %sign3A_617 : i32 to vector<128x128xi32>
    %ne3A_619 = arith.cmpi ne, %sign3A_610, %ne3A_618 : vector<128x128xi32>
    %rem3A_620 = vector.broadcast %jit3A_599 : i32 to vector<128x128xi32>
    %rem3A_621 = arith.remsi %iota3A_21, %rem3A_620 : vector<128x128xi32>
    %ne3A_622 = arith.constant 0 : i32
    %ne3A_623 = vector.broadcast %ne3A_622 : i32 to vector<128x128xi32>
    %ne3A_624 = arith.cmpi ne, %rem3A_621, %ne3A_623 : vector<128x128xi32>
    %and3A_625 = arith.andi %ne3A_619, %ne3A_624 : vector<128x128xi1>
    %sub3A_626 = arith.constant 1 : i32
    %sub3A_627 = vector.broadcast %sub3A_626 : i32 to vector<128x128xi32>
    %sub3A_628 = arith.subi %div3A_601, %sub3A_627 : vector<128x128xi32>
    %select_n3A_629 = arith.select %and3A_625, %sub3A_628, %div3A_601 : vector<128x128xi1>, vector<128x128xi32>
    %sub3A_630 = arith.constant 80 : i32
    %sub3A_631 = vector.broadcast %sub3A_630 : i32 to vector<128x128xi32>
    %sub3A_632 = arith.subi %iota3A, %sub3A_631 : vector<128x128xi32>
    %eq3A_633 = arith.cmpi eq, %select_n3A_629, %sub3A_632 : vector<128x128xi32>
    %and3A_634 = arith.andi %and3A_598, %eq3A_633 : vector<128x128xi1>
    %jit3A_635 = arith.constant 1.000000e+00 : f32
    %jit3A_636 = arith.constant 0.000000e+00 : f32
    %broadcast_in_dim3A_637 = vector.broadcast %jit3A_635 : f32 to vector<128x128xf32>
    %broadcast_in_dim3A_638 = vector.broadcast %jit3A_636 : f32 to vector<128x128xf32>
    %select_n3A_639 = arith.select %and3A_634, %broadcast_in_dim3A_637, %broadcast_in_dim3A_638 : vector<128x128xi1>, vector<128x128xf32>
    %dot_general3A_640 = arith.constant dense<0.000000e+00> : vector<160x128xf32>
    %dot_general3A_641 = tpu.matmul %add3A_19, %select_n3A_639, %dot_general3A_640 {dimension_numbers = #tpu.dot_dimension_numbers<[1], [0], [0], [1], [0, 0, 1, 1], [], []>, transpose_lhs_hint = false} : vector<160x128xf32>, vector<128x128xf32>, vector<160x128xf32> -> vector<160x128xf32>
    %jit3A_642 = arith.constant 8 : i32
    %div3A_643 = vector.broadcast %jit3A_642 : i32 to vector<1280x160xi32>
    %div3A_644 = arith.divsi %iota3A_22, %div3A_643 : vector<1280x160xi32>
    %sign3A_645 = arith.constant 0 : i32
    %sign3A_646 = vector.broadcast %sign3A_645 : i32 to vector<1280x160xi32>
    %sign3A_647 = arith.cmpi sgt, %iota3A_22, %sign3A_646 : vector<1280x160xi32>
    %sign3A_648 = arith.extui %sign3A_647 : vector<1280x160xi1> to vector<1280x160xi32>
    %sign3A_649 = arith.constant 0 : i32
    %sign3A_650 = vector.broadcast %sign3A_649 : i32 to vector<1280x160xi32>
    %sign3A_651 = arith.cmpi slt, %iota3A_22, %sign3A_650 : vector<1280x160xi32>
    %sign3A_652 = arith.extui %sign3A_651 : vector<1280x160xi1> to vector<1280x160xi32>
    %sign3A_653 = arith.subi %sign3A_648, %sign3A_652 : vector<1280x160xi32>
    %sign3A_654 = arith.constant 0 : i32
    %sign3A_655 = arith.cmpi sgt, %jit3A_642, %sign3A_654 : i32
    %sign3A_656 = arith.extui %sign3A_655 : i1 to i32
    %sign3A_657 = arith.constant 0 : i32
    %sign3A_658 = arith.cmpi slt, %jit3A_642, %sign3A_657 : i32
    %sign3A_659 = arith.extui %sign3A_658 : i1 to i32
    %sign3A_660 = arith.subi %sign3A_656, %sign3A_659 : i32
    %ne3A_661 = vector.broadcast %sign3A_660 : i32 to vector<1280x160xi32>
    %ne3A_662 = arith.cmpi ne, %sign3A_653, %ne3A_661 : vector<1280x160xi32>
    %rem3A_663 = vector.broadcast %jit3A_642 : i32 to vector<1280x160xi32>
    %rem3A_664 = arith.remsi %iota3A_22, %rem3A_663 : vector<1280x160xi32>
    %ne3A_665 = arith.constant 0 : i32
    %ne3A_666 = vector.broadcast %ne3A_665 : i32 to vector<1280x160xi32>
    %ne3A_667 = arith.cmpi ne, %rem3A_664, %ne3A_666 : vector<1280x160xi32>
    %and3A_668 = arith.andi %ne3A_662, %ne3A_667 : vector<1280x160xi1>
    %sub3A_669 = arith.constant 1 : i32
    %sub3A_670 = vector.broadcast %sub3A_669 : i32 to vector<1280x160xi32>
    %sub3A_671 = arith.subi %div3A_644, %sub3A_670 : vector<1280x160xi32>
    %select_n3A_672 = arith.select %and3A_668, %sub3A_671, %div3A_644 : vector<1280x160xi1>, vector<1280x160xi32>
    %eq3A_673 = arith.cmpi eq, %select_n3A_672, %iota3A_23 : vector<1280x160xi32>
    %jit3A_674 = arith.constant 8 : i32
    %eq3A_675 = arith.constant 0 : i32
    %eq3A_676 = arith.cmpi eq, %jit3A_674, %eq3A_675 : i32
    %jit3A_677 = arith.constant 1 : i32
    %select_n3A_678 = arith.select %eq3A_676, %jit3A_677, %jit3A_674 : i32
    %rem3A_679 = vector.broadcast %select_n3A_678 : i32 to vector<1280x160xi32>
    %rem3A_680 = arith.remsi %iota3A_22, %rem3A_679 : vector<1280x160xi32>
    %ne3A_681 = arith.constant 0 : i32
    %ne3A_682 = vector.broadcast %ne3A_681 : i32 to vector<1280x160xi32>
    %ne3A_683 = arith.cmpi ne, %rem3A_680, %ne3A_682 : vector<1280x160xi32>
    %lt3A_684 = arith.constant 0 : i32
    %lt3A_685 = vector.broadcast %lt3A_684 : i32 to vector<1280x160xi32>
    %lt3A_686 = arith.cmpi slt, %rem3A_680, %lt3A_685 : vector<1280x160xi32>
    %lt3A_687 = arith.constant 0 : i32
    %lt3A_688 = arith.cmpi slt, %select_n3A_678, %lt3A_687 : i32
    %ne3A_689 = vector.broadcast %lt3A_688 : i1 to vector<1280x160xi1>
    %ne3A_690 = vector.broadcast %ne3A_689 : vector<1280x160xi1> to vector<1280x160xi1>
    %ne3A_691 = arith.xori %lt3A_686, %ne3A_690 : vector<1280x160xi1>
    %and3A_692 = arith.andi %ne3A_691, %ne3A_683 : vector<1280x160xi1>
    %add3A_693 = vector.broadcast %select_n3A_678 : i32 to vector<1280x160xi32>
    %add3A_694 = arith.addi %rem3A_680, %add3A_693 : vector<1280x160xi32>
    %select_n3A_695 = arith.select %and3A_692, %add3A_694, %rem3A_680 : vector<1280x160xi1>, vector<1280x160xi32>
    %eq3A_696 = arith.constant 5 : i32
    %eq3A_697 = vector.broadcast %eq3A_696 : i32 to vector<1280x160xi32>
    %eq3A_698 = arith.cmpi eq, %select_n3A_695, %eq3A_697 : vector<1280x160xi32>
    %and3A_699 = arith.andi %eq3A_673, %eq3A_698 : vector<1280x160xi1>
    %jit3A_700 = arith.constant 1.000000e+00 : f32
    %jit3A_701 = arith.constant 0.000000e+00 : f32
    %broadcast_in_dim3A_702 = vector.broadcast %jit3A_700 : f32 to vector<1280x160xf32>
    %broadcast_in_dim3A_703 = vector.broadcast %jit3A_701 : f32 to vector<1280x160xf32>
    %select_n3A_704 = arith.select %and3A_699, %broadcast_in_dim3A_702, %broadcast_in_dim3A_703 : vector<1280x160xi1>, vector<1280x160xf32>
    %dot_general3A_705 = arith.constant dense<0.000000e+00> : vector<1280x128xf32>
    %dot_general3A_706 = tpu.matmul %select_n3A_704, %dot_general3A_641, %dot_general3A_705 {dimension_numbers = #tpu.dot_dimension_numbers<[1], [0], [0], [1], [0, 0, 1, 1], [], []>, transpose_lhs_hint = false} : vector<1280x160xf32>, vector<160x128xf32>, vector<1280x128xf32> -> vector<1280x128xf32>
    %add3A_707 = arith.addf %add3A_591, %dot_general3A_706 : vector<1280x128xf32>
    %ge3A_708 = arith.constant 96 : i32
    %ge3A_709 = vector.broadcast %ge3A_708 : i32 to vector<128x128xi32>
    %ge3A_710 = arith.cmpi sge, %iota3A, %ge3A_709 : vector<128x128xi32>
    %lt3A_711 = arith.constant 100 : i32
    %lt3A_712 = vector.broadcast %lt3A_711 : i32 to vector<128x128xi32>
    %lt3A_713 = arith.cmpi slt, %iota3A, %lt3A_712 : vector<128x128xi32>
    %and3A_714 = arith.andi %ge3A_710, %lt3A_713 : vector<128x128xi1>
    %jit3A_715 = arith.constant 32 : i32
    %div3A_716 = vector.broadcast %jit3A_715 : i32 to vector<128x128xi32>
    %div3A_717 = arith.divsi %iota3A_21, %div3A_716 : vector<128x128xi32>
    %sign3A_718 = arith.constant 0 : i32
    %sign3A_719 = vector.broadcast %sign3A_718 : i32 to vector<128x128xi32>
    %sign3A_720 = arith.cmpi sgt, %iota3A_21, %sign3A_719 : vector<128x128xi32>
    %sign3A_721 = arith.extui %sign3A_720 : vector<128x128xi1> to vector<128x128xi32>
    %sign3A_722 = arith.constant 0 : i32
    %sign3A_723 = vector.broadcast %sign3A_722 : i32 to vector<128x128xi32>
    %sign3A_724 = arith.cmpi slt, %iota3A_21, %sign3A_723 : vector<128x128xi32>
    %sign3A_725 = arith.extui %sign3A_724 : vector<128x128xi1> to vector<128x128xi32>
    %sign3A_726 = arith.subi %sign3A_721, %sign3A_725 : vector<128x128xi32>
    %sign3A_727 = arith.constant 0 : i32
    %sign3A_728 = arith.cmpi sgt, %jit3A_715, %sign3A_727 : i32
    %sign3A_729 = arith.extui %sign3A_728 : i1 to i32
    %sign3A_730 = arith.constant 0 : i32
    %sign3A_731 = arith.cmpi slt, %jit3A_715, %sign3A_730 : i32
    %sign3A_732 = arith.extui %sign3A_731 : i1 to i32
    %sign3A_733 = arith.subi %sign3A_729, %sign3A_732 : i32
    %ne3A_734 = vector.broadcast %sign3A_733 : i32 to vector<128x128xi32>
    %ne3A_735 = arith.cmpi ne, %sign3A_726, %ne3A_734 : vector<128x128xi32>
    %rem3A_736 = vector.broadcast %jit3A_715 : i32 to vector<128x128xi32>
    %rem3A_737 = arith.remsi %iota3A_21, %rem3A_736 : vector<128x128xi32>
    %ne3A_738 = arith.constant 0 : i32
    %ne3A_739 = vector.broadcast %ne3A_738 : i32 to vector<128x128xi32>
    %ne3A_740 = arith.cmpi ne, %rem3A_737, %ne3A_739 : vector<128x128xi32>
    %and3A_741 = arith.andi %ne3A_735, %ne3A_740 : vector<128x128xi1>
    %sub3A_742 = arith.constant 1 : i32
    %sub3A_743 = vector.broadcast %sub3A_742 : i32 to vector<128x128xi32>
    %sub3A_744 = arith.subi %div3A_717, %sub3A_743 : vector<128x128xi32>
    %select_n3A_745 = arith.select %and3A_741, %sub3A_744, %div3A_717 : vector<128x128xi1>, vector<128x128xi32>
    %sub3A_746 = arith.constant 96 : i32
    %sub3A_747 = vector.broadcast %sub3A_746 : i32 to vector<128x128xi32>
    %sub3A_748 = arith.subi %iota3A, %sub3A_747 : vector<128x128xi32>
    %eq3A_749 = arith.cmpi eq, %select_n3A_745, %sub3A_748 : vector<128x128xi32>
    %and3A_750 = arith.andi %and3A_714, %eq3A_749 : vector<128x128xi1>
    %jit3A_751 = arith.constant 1.000000e+00 : f32
    %jit3A_752 = arith.constant 0.000000e+00 : f32
    %broadcast_in_dim3A_753 = vector.broadcast %jit3A_751 : f32 to vector<128x128xf32>
    %broadcast_in_dim3A_754 = vector.broadcast %jit3A_752 : f32 to vector<128x128xf32>
    %select_n3A_755 = arith.select %and3A_750, %broadcast_in_dim3A_753, %broadcast_in_dim3A_754 : vector<128x128xi1>, vector<128x128xf32>
    %dot_general3A_756 = arith.constant dense<0.000000e+00> : vector<160x128xf32>
    %dot_general3A_757 = tpu.matmul %add3A_19, %select_n3A_755, %dot_general3A_756 {dimension_numbers = #tpu.dot_dimension_numbers<[1], [0], [0], [1], [0, 0, 1, 1], [], []>, transpose_lhs_hint = false} : vector<160x128xf32>, vector<128x128xf32>, vector<160x128xf32> -> vector<160x128xf32>
    %jit3A_758 = arith.constant 8 : i32
    %div3A_759 = vector.broadcast %jit3A_758 : i32 to vector<1280x160xi32>
    %div3A_760 = arith.divsi %iota3A_22, %div3A_759 : vector<1280x160xi32>
    %sign3A_761 = arith.constant 0 : i32
    %sign3A_762 = vector.broadcast %sign3A_761 : i32 to vector<1280x160xi32>
    %sign3A_763 = arith.cmpi sgt, %iota3A_22, %sign3A_762 : vector<1280x160xi32>
    %sign3A_764 = arith.extui %sign3A_763 : vector<1280x160xi1> to vector<1280x160xi32>
    %sign3A_765 = arith.constant 0 : i32
    %sign3A_766 = vector.broadcast %sign3A_765 : i32 to vector<1280x160xi32>
    %sign3A_767 = arith.cmpi slt, %iota3A_22, %sign3A_766 : vector<1280x160xi32>
    %sign3A_768 = arith.extui %sign3A_767 : vector<1280x160xi1> to vector<1280x160xi32>
    %sign3A_769 = arith.subi %sign3A_764, %sign3A_768 : vector<1280x160xi32>
    %sign3A_770 = arith.constant 0 : i32
    %sign3A_771 = arith.cmpi sgt, %jit3A_758, %sign3A_770 : i32
    %sign3A_772 = arith.extui %sign3A_771 : i1 to i32
    %sign3A_773 = arith.constant 0 : i32
    %sign3A_774 = arith.cmpi slt, %jit3A_758, %sign3A_773 : i32
    %sign3A_775 = arith.extui %sign3A_774 : i1 to i32
    %sign3A_776 = arith.subi %sign3A_772, %sign3A_775 : i32
    %ne3A_777 = vector.broadcast %sign3A_776 : i32 to vector<1280x160xi32>
    %ne3A_778 = arith.cmpi ne, %sign3A_769, %ne3A_777 : vector<1280x160xi32>
    %rem3A_779 = vector.broadcast %jit3A_758 : i32 to vector<1280x160xi32>
    %rem3A_780 = arith.remsi %iota3A_22, %rem3A_779 : vector<1280x160xi32>
    %ne3A_781 = arith.constant 0 : i32
    %ne3A_782 = vector.broadcast %ne3A_781 : i32 to vector<1280x160xi32>
    %ne3A_783 = arith.cmpi ne, %rem3A_780, %ne3A_782 : vector<1280x160xi32>
    %and3A_784 = arith.andi %ne3A_778, %ne3A_783 : vector<1280x160xi1>
    %sub3A_785 = arith.constant 1 : i32
    %sub3A_786 = vector.broadcast %sub3A_785 : i32 to vector<1280x160xi32>
    %sub3A_787 = arith.subi %div3A_760, %sub3A_786 : vector<1280x160xi32>
    %select_n3A_788 = arith.select %and3A_784, %sub3A_787, %div3A_760 : vector<1280x160xi1>, vector<1280x160xi32>
    %eq3A_789 = arith.cmpi eq, %select_n3A_788, %iota3A_23 : vector<1280x160xi32>
    %jit3A_790 = arith.constant 8 : i32
    %eq3A_791 = arith.constant 0 : i32
    %eq3A_792 = arith.cmpi eq, %jit3A_790, %eq3A_791 : i32
    %jit3A_793 = arith.constant 1 : i32
    %select_n3A_794 = arith.select %eq3A_792, %jit3A_793, %jit3A_790 : i32
    %rem3A_795 = vector.broadcast %select_n3A_794 : i32 to vector<1280x160xi32>
    %rem3A_796 = arith.remsi %iota3A_22, %rem3A_795 : vector<1280x160xi32>
    %ne3A_797 = arith.constant 0 : i32
    %ne3A_798 = vector.broadcast %ne3A_797 : i32 to vector<1280x160xi32>
    %ne3A_799 = arith.cmpi ne, %rem3A_796, %ne3A_798 : vector<1280x160xi32>
    %lt3A_800 = arith.constant 0 : i32
    %lt3A_801 = vector.broadcast %lt3A_800 : i32 to vector<1280x160xi32>
    %lt3A_802 = arith.cmpi slt, %rem3A_796, %lt3A_801 : vector<1280x160xi32>
    %lt3A_803 = arith.constant 0 : i32
    %lt3A_804 = arith.cmpi slt, %select_n3A_794, %lt3A_803 : i32
    %ne3A_805 = vector.broadcast %lt3A_804 : i1 to vector<1280x160xi1>
    %ne3A_806 = vector.broadcast %ne3A_805 : vector<1280x160xi1> to vector<1280x160xi1>
    %ne3A_807 = arith.xori %lt3A_802, %ne3A_806 : vector<1280x160xi1>
    %and3A_808 = arith.andi %ne3A_807, %ne3A_799 : vector<1280x160xi1>
    %add3A_809 = vector.broadcast %select_n3A_794 : i32 to vector<1280x160xi32>
    %add3A_810 = arith.addi %rem3A_796, %add3A_809 : vector<1280x160xi32>
    %select_n3A_811 = arith.select %and3A_808, %add3A_810, %rem3A_796 : vector<1280x160xi1>, vector<1280x160xi32>
    %eq3A_812 = arith.constant 6 : i32
    %eq3A_813 = vector.broadcast %eq3A_812 : i32 to vector<1280x160xi32>
    %eq3A_814 = arith.cmpi eq, %select_n3A_811, %eq3A_813 : vector<1280x160xi32>
    %and3A_815 = arith.andi %eq3A_789, %eq3A_814 : vector<1280x160xi1>
    %jit3A_816 = arith.constant 1.000000e+00 : f32
    %jit3A_817 = arith.constant 0.000000e+00 : f32
    %broadcast_in_dim3A_818 = vector.broadcast %jit3A_816 : f32 to vector<1280x160xf32>
    %broadcast_in_dim3A_819 = vector.broadcast %jit3A_817 : f32 to vector<1280x160xf32>
    %select_n3A_820 = arith.select %and3A_815, %broadcast_in_dim3A_818, %broadcast_in_dim3A_819 : vector<1280x160xi1>, vector<1280x160xf32>
    %dot_general3A_821 = arith.constant dense<0.000000e+00> : vector<1280x128xf32>
    %dot_general3A_822 = tpu.matmul %select_n3A_820, %dot_general3A_757, %dot_general3A_821 {dimension_numbers = #tpu.dot_dimension_numbers<[1], [0], [0], [1], [0, 0, 1, 1], [], []>, transpose_lhs_hint = false} : vector<1280x160xf32>, vector<160x128xf32>, vector<1280x128xf32> -> vector<1280x128xf32>
    %add3A_823 = arith.addf %add3A_707, %dot_general3A_822 : vector<1280x128xf32>
    %ge3A_824 = arith.constant 112 : i32
    %ge3A_825 = vector.broadcast %ge3A_824 : i32 to vector<128x128xi32>
    %ge3A_826 = arith.cmpi sge, %iota3A, %ge3A_825 : vector<128x128xi32>
    %lt3A_827 = arith.constant 116 : i32
    %lt3A_828 = vector.broadcast %lt3A_827 : i32 to vector<128x128xi32>
    %lt3A_829 = arith.cmpi slt, %iota3A, %lt3A_828 : vector<128x128xi32>
    %and3A_830 = arith.andi %ge3A_826, %lt3A_829 : vector<128x128xi1>
    %jit3A_831 = arith.constant 32 : i32
    %div3A_832 = vector.broadcast %jit3A_831 : i32 to vector<128x128xi32>
    %div3A_833 = arith.divsi %iota3A_21, %div3A_832 : vector<128x128xi32>
    %sign3A_834 = arith.constant 0 : i32
    %sign3A_835 = vector.broadcast %sign3A_834 : i32 to vector<128x128xi32>
    %sign3A_836 = arith.cmpi sgt, %iota3A_21, %sign3A_835 : vector<128x128xi32>
    %sign3A_837 = arith.extui %sign3A_836 : vector<128x128xi1> to vector<128x128xi32>
    %sign3A_838 = arith.constant 0 : i32
    %sign3A_839 = vector.broadcast %sign3A_838 : i32 to vector<128x128xi32>
    %sign3A_840 = arith.cmpi slt, %iota3A_21, %sign3A_839 : vector<128x128xi32>
    %sign3A_841 = arith.extui %sign3A_840 : vector<128x128xi1> to vector<128x128xi32>
    %sign3A_842 = arith.subi %sign3A_837, %sign3A_841 : vector<128x128xi32>
    %sign3A_843 = arith.constant 0 : i32
    %sign3A_844 = arith.cmpi sgt, %jit3A_831, %sign3A_843 : i32
    %sign3A_845 = arith.extui %sign3A_844 : i1 to i32
    %sign3A_846 = arith.constant 0 : i32
    %sign3A_847 = arith.cmpi slt, %jit3A_831, %sign3A_846 : i32
    %sign3A_848 = arith.extui %sign3A_847 : i1 to i32
    %sign3A_849 = arith.subi %sign3A_845, %sign3A_848 : i32
    %ne3A_850 = vector.broadcast %sign3A_849 : i32 to vector<128x128xi32>
    %ne3A_851 = arith.cmpi ne, %sign3A_842, %ne3A_850 : vector<128x128xi32>
    %rem3A_852 = vector.broadcast %jit3A_831 : i32 to vector<128x128xi32>
    %rem3A_853 = arith.remsi %iota3A_21, %rem3A_852 : vector<128x128xi32>
    %ne3A_854 = arith.constant 0 : i32
    %ne3A_855 = vector.broadcast %ne3A_854 : i32 to vector<128x128xi32>
    %ne3A_856 = arith.cmpi ne, %rem3A_853, %ne3A_855 : vector<128x128xi32>
    %and3A_857 = arith.andi %ne3A_851, %ne3A_856 : vector<128x128xi1>
    %sub3A_858 = arith.constant 1 : i32
    %sub3A_859 = vector.broadcast %sub3A_858 : i32 to vector<128x128xi32>
    %sub3A_860 = arith.subi %div3A_833, %sub3A_859 : vector<128x128xi32>
    %select_n3A_861 = arith.select %and3A_857, %sub3A_860, %div3A_833 : vector<128x128xi1>, vector<128x128xi32>
    %sub3A_862 = arith.constant 112 : i32
    %sub3A_863 = vector.broadcast %sub3A_862 : i32 to vector<128x128xi32>
    %sub3A_864 = arith.subi %iota3A, %sub3A_863 : vector<128x128xi32>
    %eq3A_865 = arith.cmpi eq, %select_n3A_861, %sub3A_864 : vector<128x128xi32>
    %and3A_866 = arith.andi %and3A_830, %eq3A_865 : vector<128x128xi1>
    %jit3A_867 = arith.constant 1.000000e+00 : f32
    %jit3A_868 = arith.constant 0.000000e+00 : f32
    %broadcast_in_dim3A_869 = vector.broadcast %jit3A_867 : f32 to vector<128x128xf32>
    %broadcast_in_dim3A_870 = vector.broadcast %jit3A_868 : f32 to vector<128x128xf32>
    %select_n3A_871 = arith.select %and3A_866, %broadcast_in_dim3A_869, %broadcast_in_dim3A_870 : vector<128x128xi1>, vector<128x128xf32>
    %dot_general3A_872 = arith.constant dense<0.000000e+00> : vector<160x128xf32>
    %dot_general3A_873 = tpu.matmul %add3A_19, %select_n3A_871, %dot_general3A_872 {dimension_numbers = #tpu.dot_dimension_numbers<[1], [0], [0], [1], [0, 0, 1, 1], [], []>, transpose_lhs_hint = false} : vector<160x128xf32>, vector<128x128xf32>, vector<160x128xf32> -> vector<160x128xf32>
    %jit3A_874 = arith.constant 8 : i32
    %div3A_875 = vector.broadcast %jit3A_874 : i32 to vector<1280x160xi32>
    %div3A_876 = arith.divsi %iota3A_22, %div3A_875 : vector<1280x160xi32>
    %sign3A_877 = arith.constant 0 : i32
    %sign3A_878 = vector.broadcast %sign3A_877 : i32 to vector<1280x160xi32>
    %sign3A_879 = arith.cmpi sgt, %iota3A_22, %sign3A_878 : vector<1280x160xi32>
    %sign3A_880 = arith.extui %sign3A_879 : vector<1280x160xi1> to vector<1280x160xi32>
    %sign3A_881 = arith.constant 0 : i32
    %sign3A_882 = vector.broadcast %sign3A_881 : i32 to vector<1280x160xi32>
    %sign3A_883 = arith.cmpi slt, %iota3A_22, %sign3A_882 : vector<1280x160xi32>
    %sign3A_884 = arith.extui %sign3A_883 : vector<1280x160xi1> to vector<1280x160xi32>
    %sign3A_885 = arith.subi %sign3A_880, %sign3A_884 : vector<1280x160xi32>
    %sign3A_886 = arith.constant 0 : i32
    %sign3A_887 = arith.cmpi sgt, %jit3A_874, %sign3A_886 : i32
    %sign3A_888 = arith.extui %sign3A_887 : i1 to i32
    %sign3A_889 = arith.constant 0 : i32
    %sign3A_890 = arith.cmpi slt, %jit3A_874, %sign3A_889 : i32
    %sign3A_891 = arith.extui %sign3A_890 : i1 to i32
    %sign3A_892 = arith.subi %sign3A_888, %sign3A_891 : i32
    %ne3A_893 = vector.broadcast %sign3A_892 : i32 to vector<1280x160xi32>
    %ne3A_894 = arith.cmpi ne, %sign3A_885, %ne3A_893 : vector<1280x160xi32>
    %rem3A_895 = vector.broadcast %jit3A_874 : i32 to vector<1280x160xi32>
    %rem3A_896 = arith.remsi %iota3A_22, %rem3A_895 : vector<1280x160xi32>
    %ne3A_897 = arith.constant 0 : i32
    %ne3A_898 = vector.broadcast %ne3A_897 : i32 to vector<1280x160xi32>
    %ne3A_899 = arith.cmpi ne, %rem3A_896, %ne3A_898 : vector<1280x160xi32>
    %and3A_900 = arith.andi %ne3A_894, %ne3A_899 : vector<1280x160xi1>
    %sub3A_901 = arith.constant 1 : i32
    %sub3A_902 = vector.broadcast %sub3A_901 : i32 to vector<1280x160xi32>
    %sub3A_903 = arith.subi %div3A_876, %sub3A_902 : vector<1280x160xi32>
    %select_n3A_904 = arith.select %and3A_900, %sub3A_903, %div3A_876 : vector<1280x160xi1>, vector<1280x160xi32>
    %eq3A_905 = arith.cmpi eq, %select_n3A_904, %iota3A_23 : vector<1280x160xi32>
    %jit3A_906 = arith.constant 8 : i32
    %eq3A_907 = arith.constant 0 : i32
    %eq3A_908 = arith.cmpi eq, %jit3A_906, %eq3A_907 : i32
    %jit3A_909 = arith.constant 1 : i32
    %select_n3A_910 = arith.select %eq3A_908, %jit3A_909, %jit3A_906 : i32
    %rem3A_911 = vector.broadcast %select_n3A_910 : i32 to vector<1280x160xi32>
    %rem3A_912 = arith.remsi %iota3A_22, %rem3A_911 : vector<1280x160xi32>
    %ne3A_913 = arith.constant 0 : i32
    %ne3A_914 = vector.broadcast %ne3A_913 : i32 to vector<1280x160xi32>
    %ne3A_915 = arith.cmpi ne, %rem3A_912, %ne3A_914 : vector<1280x160xi32>
    %lt3A_916 = arith.constant 0 : i32
    %lt3A_917 = vector.broadcast %lt3A_916 : i32 to vector<1280x160xi32>
    %lt3A_918 = arith.cmpi slt, %rem3A_912, %lt3A_917 : vector<1280x160xi32>
    %lt3A_919 = arith.constant 0 : i32
    %lt3A_920 = arith.cmpi slt, %select_n3A_910, %lt3A_919 : i32
    %ne3A_921 = vector.broadcast %lt3A_920 : i1 to vector<1280x160xi1>
    %ne3A_922 = vector.broadcast %ne3A_921 : vector<1280x160xi1> to vector<1280x160xi1>
    %ne3A_923 = arith.xori %lt3A_918, %ne3A_922 : vector<1280x160xi1>
    %and3A_924 = arith.andi %ne3A_923, %ne3A_915 : vector<1280x160xi1>
    %add3A_925 = vector.broadcast %select_n3A_910 : i32 to vector<1280x160xi32>
    %add3A_926 = arith.addi %rem3A_912, %add3A_925 : vector<1280x160xi32>
    %select_n3A_927 = arith.select %and3A_924, %add3A_926, %rem3A_912 : vector<1280x160xi1>, vector<1280x160xi32>
    %eq3A_928 = arith.constant 7 : i32
    %eq3A_929 = vector.broadcast %eq3A_928 : i32 to vector<1280x160xi32>
    %eq3A_930 = arith.cmpi eq, %select_n3A_927, %eq3A_929 : vector<1280x160xi32>
    %and3A_931 = arith.andi %eq3A_905, %eq3A_930 : vector<1280x160xi1>
    %jit3A_932 = arith.constant 1.000000e+00 : f32
    %jit3A_933 = arith.constant 0.000000e+00 : f32
    %broadcast_in_dim3A_934 = vector.broadcast %jit3A_932 : f32 to vector<1280x160xf32>
    %broadcast_in_dim3A_935 = vector.broadcast %jit3A_933 : f32 to vector<1280x160xf32>
    %select_n3A_936 = arith.select %and3A_931, %broadcast_in_dim3A_934, %broadcast_in_dim3A_935 : vector<1280x160xi1>, vector<1280x160xf32>
    %dot_general3A_937 = arith.constant dense<0.000000e+00> : vector<1280x128xf32>
    %dot_general3A_938 = tpu.matmul %select_n3A_936, %dot_general3A_873, %dot_general3A_937 {dimension_numbers = #tpu.dot_dimension_numbers<[1], [0], [0], [1], [0, 0, 1, 1], [], []>, transpose_lhs_hint = false} : vector<1280x160xf32>, vector<160x128xf32>, vector<1280x128xf32> -> vector<1280x128xf32>
    %add3A_939 = arith.addf %add3A_823, %dot_general3A_938 : vector<1280x128xf32>
    %add3A_940 = arith.constant 1.000000e-16 : f32
    %add3A_941 = vector.broadcast %add3A_940 : f32 to vector<1280x128xf32>
    %add3A_942 = arith.addf %add3A_939, %add3A_941 : vector<1280x128xf32>
    %div3A_943 = arith.divf %add3A, %add3A_942 : vector<1280x128xf32>
    %get3A_944 = arith.constant 0 : index
    %get3A_945 = arith.constant 0 : index
    %get3A_946 = vector.load %arg4[%get3A_944, %get3A_945] : memref<128x128xf32, #tpu.memory_space<vmem>>, vector<128x128xf32>
    %dot_general3A_947 = arith.constant dense<0.000000e+00> : vector<1280x128xf32>
    %dot_general3A_948 = tpu.matmul %div3A_943, %get3A_946, %dot_general3A_947 {dimension_numbers = #tpu.dot_dimension_numbers<[1], [0], [0], [1], [0, 0, 1, 1], [], []>, transpose_lhs_hint = false} : vector<1280x128xf32>, vector<128x128xf32>, vector<1280x128xf32> -> vector<1280x128xf32>
    %get3A_949 = arith.constant 0 : index
    %get3A_950 = arith.constant 0 : index
    %get3A_951 = vector.load %arg1[%get3A_949, %get3A_950] : memref<1280x128xf32, #tpu.memory_space<vmem>>, vector<1280x128xf32>
    %add3A_952 = arith.addf %get3A_951, %dot_general3A_948 : vector<1280x128xf32>
    %reduce_sum3A = arith.constant dense<0.000000e+00> : vector<1280xf32>
    %reduce_sum3A_953 = vector.multi_reduction <add>, %add3A_952, %reduce_sum3A [1] : vector<1280x128xf32> to vector<1280xf32>
    %broadcast_in_dim3A_954 = vector.shape_cast %reduce_sum3A_953 : vector<1280xf32> to vector<1280x1xf32>
    %div3A_955 = arith.constant 1.280000e+02 : f32
    %div3A_956 = vector.broadcast %div3A_955 : f32 to vector<1280x1xf32>
    %div3A_957 = arith.divf %broadcast_in_dim3A_954, %div3A_956 : vector<1280x1xf32>
    %sub3A_958 = vector.broadcast %div3A_957 : vector<1280x1xf32> to vector<1280x128xf32>
    %sub3A_959 = arith.subf %add3A_952, %sub3A_958 : vector<1280x128xf32>
    %integer_pow3A = arith.mulf %sub3A_959, %sub3A_959 : vector<1280x128xf32>
    %reduce_sum3A_960 = arith.constant dense<0.000000e+00> : vector<1280xf32>
    %reduce_sum3A_961 = vector.multi_reduction <add>, %integer_pow3A, %reduce_sum3A_960 [1] : vector<1280x128xf32> to vector<1280xf32>
    %broadcast_in_dim3A_962 = vector.shape_cast %reduce_sum3A_961 : vector<1280xf32> to vector<1280x1xf32>
    %div3A_963 = arith.constant 1.280000e+02 : f32
    %div3A_964 = vector.broadcast %div3A_963 : f32 to vector<1280x1xf32>
    %div3A_965 = arith.divf %broadcast_in_dim3A_962, %div3A_964 : vector<1280x1xf32>
    %sub3A_966 = vector.broadcast %div3A_957 : vector<1280x1xf32> to vector<1280x128xf32>
    %sub3A_967 = arith.subf %add3A_952, %sub3A_966 : vector<1280x128xf32>
    %add3A_968 = arith.constant 9.99999974E-6 : f32
    %add3A_969 = vector.broadcast %add3A_968 : f32 to vector<1280x1xf32>
    %add3A_970 = arith.addf %div3A_965, %add3A_969 : vector<1280x1xf32>
    %sqrt3A = math.sqrt %add3A_970 : vector<1280x1xf32>
    %div3A_971 = vector.broadcast %sqrt3A : vector<1280x1xf32> to vector<1280x128xf32>
    %div3A_972 = arith.divf %sub3A_967, %div3A_971 : vector<1280x128xf32>
    %get3A_973 = arith.constant 0 : index
    %get3A_974 = arith.constant 0 : index
    %get3A_975 = vector.load %arg5[%get3A_973, %get3A_974] : memref<1x128xf32, #tpu.memory_space<vmem>>, vector<1x128xf32>
    %mul3A = vector.broadcast %get3A_975 : vector<1x128xf32> to vector<1280x128xf32>
    %mul3A_976 = arith.mulf %div3A_972, %mul3A : vector<1280x128xf32>
    %get3A_977 = arith.constant 0 : index
    %get3A_978 = arith.constant 0 : index
    %get3A_979 = vector.load %arg6[%get3A_977, %get3A_978] : memref<1x128xf32, #tpu.memory_space<vmem>>, vector<1x128xf32>
    %add3A_980 = vector.broadcast %get3A_979 : vector<1x128xf32> to vector<1280x128xf32>
    %add3A_981 = arith.addf %mul3A_976, %add3A_980 : vector<1280x128xf32>
    %get3A_982 = arith.constant 0 : index
    %get3A_983 = arith.constant 0 : index
    %get3A_984 = vector.load %arg9[%get3A_982, %get3A_983] : memref<128x256xf32, #tpu.memory_space<vmem>>, vector<128x256xf32>
    %dot_general3A_985 = arith.constant dense<0.000000e+00> : vector<1280x256xf32>
    %dot_general3A_986 = tpu.matmul %add3A_981, %get3A_984, %dot_general3A_985 {dimension_numbers = #tpu.dot_dimension_numbers<[1], [0], [0], [1], [0, 0, 1, 1], [], []>, transpose_lhs_hint = false} : vector<1280x128xf32>, vector<128x256xf32>, vector<1280x256xf32> -> vector<1280x256xf32>
    %get3A_987 = arith.constant 0 : index
    %get3A_988 = arith.constant 0 : index
    %get3A_989 = vector.load %arg10[%get3A_987, %get3A_988] : memref<1x256xf32, #tpu.memory_space<vmem>>, vector<1x256xf32>
    %add3A_990 = vector.broadcast %get3A_989 : vector<1x256xf32> to vector<1280x256xf32>
    %add3A_991 = arith.addf %dot_general3A_986, %add3A_990 : vector<1280x256xf32>
    %logistic3A = arith.negf %add3A_991 : vector<1280x256xf32>
    %logistic3A_992 = math.exp %logistic3A : vector<1280x256xf32>
    %logistic3A_993 = arith.constant 1.000000e+00 : f32
    %logistic3A_994 = vector.broadcast %logistic3A_993 : f32 to vector<1280x256xf32>
    %logistic3A_995 = arith.addf %logistic3A_994, %logistic3A_992 : vector<1280x256xf32>
    %logistic3A_996 = arith.divf %logistic3A_994, %logistic3A_995 : vector<1280x256xf32>
    %mul3A_997 = arith.mulf %add3A_991, %logistic3A_996 : vector<1280x256xf32>
    %get3A_998 = arith.constant 0 : index
    %get3A_999 = arith.constant 0 : index
    %get3A_1000 = vector.load %arg11[%get3A_998, %get3A_999] : memref<256x128xf32, #tpu.memory_space<vmem>>, vector<256x128xf32>
    %dot_general3A_1001 = arith.constant dense<0.000000e+00> : vector<1280x128xf32>
    %dot_general3A_1002 = tpu.matmul %mul3A_997, %get3A_1000, %dot_general3A_1001 {dimension_numbers = #tpu.dot_dimension_numbers<[1], [0], [0], [1], [0, 0, 1, 1], [], []>, transpose_lhs_hint = false} : vector<1280x256xf32>, vector<256x128xf32>, vector<1280x128xf32> -> vector<1280x128xf32>
    %get3A_1003 = arith.constant 0 : index
    %get3A_1004 = arith.constant 0 : index
    %get3A_1005 = vector.load %arg12[%get3A_1003, %get3A_1004] : memref<1x128xf32, #tpu.memory_space<vmem>>, vector<1x128xf32>
    %add3A_1006 = vector.broadcast %get3A_1005 : vector<1x128xf32> to vector<1280x128xf32>
    %add3A_1007 = arith.addf %dot_general3A_1002, %add3A_1006 : vector<1280x128xf32>
    %add3A_1008 = arith.addf %add3A_981, %add3A_1007 : vector<1280x128xf32>
    %reduce_sum3A_1009 = arith.constant dense<0.000000e+00> : vector<1280xf32>
    %reduce_sum3A_1010 = vector.multi_reduction <add>, %add3A_1008, %reduce_sum3A_1009 [1] : vector<1280x128xf32> to vector<1280xf32>
    %broadcast_in_dim3A_1011 = vector.shape_cast %reduce_sum3A_1010 : vector<1280xf32> to vector<1280x1xf32>
    %div3A_1012 = arith.constant 1.280000e+02 : f32
    %div3A_1013 = vector.broadcast %div3A_1012 : f32 to vector<1280x1xf32>
    %div3A_1014 = arith.divf %broadcast_in_dim3A_1011, %div3A_1013 : vector<1280x1xf32>
    %sub3A_1015 = vector.broadcast %div3A_1014 : vector<1280x1xf32> to vector<1280x128xf32>
    %sub3A_1016 = arith.subf %add3A_1008, %sub3A_1015 : vector<1280x128xf32>
    %integer_pow3A_1017 = arith.mulf %sub3A_1016, %sub3A_1016 : vector<1280x128xf32>
    %reduce_sum3A_1018 = arith.constant dense<0.000000e+00> : vector<1280xf32>
    %reduce_sum3A_1019 = vector.multi_reduction <add>, %integer_pow3A_1017, %reduce_sum3A_1018 [1] : vector<1280x128xf32> to vector<1280xf32>
    %broadcast_in_dim3A_1020 = vector.shape_cast %reduce_sum3A_1019 : vector<1280xf32> to vector<1280x1xf32>
    %div3A_1021 = arith.constant 1.280000e+02 : f32
    %div3A_1022 = vector.broadcast %div3A_1021 : f32 to vector<1280x1xf32>
    %div3A_1023 = arith.divf %broadcast_in_dim3A_1020, %div3A_1022 : vector<1280x1xf32>
    %sub3A_1024 = vector.broadcast %div3A_1014 : vector<1280x1xf32> to vector<1280x128xf32>
    %sub3A_1025 = arith.subf %add3A_1008, %sub3A_1024 : vector<1280x128xf32>
    %add3A_1026 = arith.constant 9.99999974E-6 : f32
    %add3A_1027 = vector.broadcast %add3A_1026 : f32 to vector<1280x1xf32>
    %add3A_1028 = arith.addf %div3A_1023, %add3A_1027 : vector<1280x1xf32>
    %sqrt3A_1029 = math.sqrt %add3A_1028 : vector<1280x1xf32>
    %div3A_1030 = vector.broadcast %sqrt3A_1029 : vector<1280x1xf32> to vector<1280x128xf32>
    %div3A_1031 = arith.divf %sub3A_1025, %div3A_1030 : vector<1280x128xf32>
    %get3A_1032 = arith.constant 0 : index
    %get3A_1033 = arith.constant 0 : index
    %get3A_1034 = vector.load %arg7[%get3A_1032, %get3A_1033] : memref<1x128xf32, #tpu.memory_space<vmem>>, vector<1x128xf32>
    %mul3A_1035 = vector.broadcast %get3A_1034 : vector<1x128xf32> to vector<1280x128xf32>
    %mul3A_1036 = arith.mulf %div3A_1031, %mul3A_1035 : vector<1280x128xf32>
    %get3A_1037 = arith.constant 0 : index
    %get3A_1038 = arith.constant 0 : index
    %get3A_1039 = vector.load %arg8[%get3A_1037, %get3A_1038] : memref<1x128xf32, #tpu.memory_space<vmem>>, vector<1x128xf32>
    %add3A_1040 = vector.broadcast %get3A_1039 : vector<1x128xf32> to vector<1280x128xf32>
    %add3A_1041 = arith.addf %mul3A_1036, %add3A_1040 : vector<1280x128xf32>
    %swap3A = arith.constant 0 : index
    %swap3A_1042 = arith.constant 0 : index
    %swap3A_1043 = vector.load %arg13[%swap3A, %swap3A_1042] : memref<1280x128xf32, #tpu.memory_space<vmem>>, vector<1280x128xf32>
    tpu.vector_store %arg13[%swap3A, %swap3A_1042], %add3A_1041 {strides = array<i32>} : memref<1280x128xf32, #tpu.memory_space<vmem>>, vector<1280x128xf32>,
    return
  }
  func.func @transform_0(%arg0: i32) -> (i32, i32) {
    %c0_i32 = arith.constant 0 : i32
    %c0_i32_0 = arith.constant 0 : i32
    return %arg0, %c0_i32 : i32, i32
  }
  func.func @transform_1(%arg0: i32) -> (i32, i32, i32) {
    %c0_i32 = arith.constant 0 : i32
    %c0_i32_0 = arith.constant 0 : i32
    %c0_i32_1 = arith.constant 0 : i32
    return %c0_i32, %arg0, %c0_i32_0 : i32, i32, i32
  }
  func.func @transform_2(%arg0: i32) -> (i32, i32, i32) {
    %c0_i32 = arith.constant 0 : i32
    %c0_i32_0 = arith.constant 0 : i32
    %c0_i32_1 = arith.constant 0 : i32
    return %c0_i32, %arg0, %c0_i32_0 : i32, i32, i32
  }
  func.func @transform_3(%arg0: i32) -> (i32, i32) {
    %c0_i32 = arith.constant 0 : i32
    %c0_i32_0 = arith.constant 0 : i32
    %c0_i32_1 = arith.constant 0 : i32
    return %c0_i32, %c0_i32_0 : i32, i32
  }
  func.func @transform_4(%arg0: i32) -> (i32, i32) {
    %c0_i32 = arith.constant 0 : i32
    %c0_i32_0 = arith.constant 0 : i32
    %c0_i32_1 = arith.constant 0 : i32
    return %c0_i32, %c0_i32_0 : i32, i32
  }
  func.func @transform_5(%arg0: i32) -> (i32, i32) {
    %c0_i32 = arith.constant 0 : i32
    %c0_i32_0 = arith.constant 0 : i32
    %c0_i32_1 = arith.constant 0 : i32
    return %c0_i32, %c0_i32_0 : i32, i32
  }
  func.func @transform_6(%arg0: i32) -> (i32, i32) {
    %c0_i32 = arith.constant 0 : i32
    %c0_i32_0 = arith.constant 0 : i32
    %c0_i32_1 = arith.constant 0 : i32
    return %c0_i32, %c0_i32_0 : i32, i32
  }
  func.func @transform_7(%arg0: i32) -> (i32, i32) {
    %c0_i32 = arith.constant 0 : i32
    %c0_i32_0 = arith.constant 0 : i32
    %c0_i32_1 = arith.constant 0 : i32
    return %c0_i32, %c0_i32_0 : i32, i32
  }
  func.func @transform_8(%arg0: i32) -> (i32, i32) {
    %c0_i32 = arith.constant 0 : i32
    %c0_i32_0 = arith.constant 0 : i32
    %c0_i32_1 = arith.constant 0 : i32
    return %c0_i32, %c0_i32_0 : i32, i32
  }
  func.func @transform_9(%arg0: i32) -> (i32, i32) {
    %c0_i32 = arith.constant 0 : i32
    %c0_i32_0 = arith.constant 0 : i32
    %c0_i32_1 = arith.constant 0 : i32
    return %c0_i32, %c0_i32_0 : i32, i32
  }
  func.func @transform_10(%arg0: i32) -> (i32, i32) {
    %c0_i32 = arith.constant 0 : i32
    %c0_i32_0 = arith.constant 0 : i32
    %c0_i32_1 = arith.constant 0 : i32
    return %c0_i32, %c0_i32_0 : i32, i32
  }
  func.func @transform_11(%arg0: i32) -> (i32, i32) {
    %c0_i32 = arith.constant 0 : i32
    %c0_i32_0 = arith.constant 0 : i32
    %c0_i32_1 = arith.constant 0 : i32
    return %c0_i32, %c0_i32_0 : i32, i32
  }
  func.func @transform_12(%arg0: i32) -> (i32, i32) {
    %c0_i32 = arith.constant 0 : i32
    %c0_i32_0 = arith.constant 0 : i32
    return %arg0, %c0_i32 : i32, i32
  }
}

</mosaic_0001>

<sc_bundles>
// kernel: kernel.10.cloned.1.call-start
scs
__scs_entry_jumppad:
0x0: {  	(pc) =	sbr.rel $0x88, $3  }
0x1: {  	(tag) =	ssettag $0x0;
	lr =	simm.s32 $0x1  }
0x2: {  	[smem:$0x3F8D] =	sst lr;
	_ =	strace $0xD0000000  }
0x3: {  	_ = 	snop  }
0x4: {  	_ = 	snop  }
0x5: {  	_ = 	snop  }
0x6: {  	_ = 	snop  }
0x7: {  	_ = 	snop  }
__scs_overlays_trampoline_lowered:
0x8: {  	[smem:$0x3F9C] =	sst s0  }
0x9: {  	[smem:$0x3F9D] =	sst s1  }
0xa: {  	[smem:$0x3F9E] =	sst s2  }
0xb: {  	[smem:$0x3F9F] =	sst s3  }
0xc: {  	[smem:$0x3FA0] =	sst s4  }
0xd: {  	[smem:$0x3FA1] =	sst s5  }
0xe: {  	[smem:$0x3FA2] =	sst s6  }
0xf: {  	[smem:$0x3FA3] =	sst s7  }
0x10: {  	[smem:$0x3FA4] =	sst s8  }
0x11: {  	[smem:$0x3FA5] =	sst s9;
	s0 =	simm.s32 @!p0 $0x0  }
0x12: {  	s1 =	sld [smem:$0x3F8B];
	s0 =	simm.s32 @p0 $0x1  }
0x13: {  	[smem:$0x3FA6] =	sst s0;
	s0 =	simm.s32 @!p1 $0x0  }
0x14: {  	s2 =	sld [smem:$0x3F8A];
	s0 =	simm.s32 @p1 $0x1  }
0x15: {  	[smem:$0x3FA7] =	sst s0;
	s0 =	simm.s32 @!p2 $0x0  }
0x16: {  	s3 =	sld [smem:$0x3FDB];
	s0 =	simm.s32 @p2 $0x1  }
0x17: {  	s4 =	simm.s32 $0x1BF5;
	[smem:$0x3FA9] =	sst s0  }
0x18: {  	s0 =	sld [smem:$0x3F8C];
	_ =	swait.ge [sflag:s4], $0x0  }
0x19: {  	s7 =	sld [smem:$0x3F8D]  }
0x1a: {  	s8 =	sadd.s32 $0xFFFFE003, lr  }
0x1b: {  	s9 =	sadd.s32 $0xFFFFFEF7, lr;
	s5 =	simm.s32 $0xFFFFFFFF;
	p2 =	slt.u32 s8, $0xFFFFF086  }
0x1c: {  	p1 =	slt.u32 s9, $0xF7A;
	s5 =	simm.s32 @!p2 $0x0  }
0x1d: {  	s5 =	simm.s32 @p1 $0x1;
	p0 =	seq.s32 s7, s2  }
0x1e: {  	s7 =	smul.u32 @!p0 $0xF7A, s2;
	p2 =	seq.s32 @!p0 s5, $0x0  }
0x1f: {  	s9 =	smul.u32 $0xF7A, s1;
	s8 =	simm.s32 @!p0 $0x1BF5;
	p2 =	por !p2, p0  }
0x20: {  	[sflag:s8] =	ssyncset.s32 @!p0 $0xFFFFF086;
	s6 =	sadd.s32 @!p0 s3, s7;
	s7 =	simm.s32 @!p0 $0x108  }
0x21: {  	s3 =	sadd.s32 s3, s9;
	s6 =	sadd.s32 @!p0 $0x88, s6;
	s7 =	simm.s32 @p2 $0x1082  }
0x22: {  	[simem:s7], [sflag:s8] =	dma.local @!p0 [hbm:s6], $0xF7A  }
0x23: {  	s9 =	sor.u32 $0xD0000000, s2;
	s6 =	simm.s32 $0x108;
	_ =	swait.ge @!p0 [sflag:s8], $0x0  }
0x24: {  	s3 =	sadd.s32 $0x88, s3;
	s6 =	simm.s32 @!p1 $0x1082;
	[sflag:s4] =	ssyncset.s32 $0xFFFFF086  }
0x25: {  	[simem:s6], [sflag:s4] =	dma.local [hbm:s3], $0xF7A  }
0x26: {  	[smem:$0x3F8D] =	sst s1;
	(tag) =	ssettag s2;
	_ =	strace s9  }
0x27: {  	s1 =	sld [smem:$0x3F9D]  }
0x28: {  	s2 =	sld [smem:$0x3F9E]  }
0x29: {  	s4 =	sld [smem:$0x3FA0]  }
0x2a: {  	p0 =	seq.s32 s5, $0x0;
	s5 =	sld [smem:$0x3FA1]  }
0x2b: {  	s6 =	sld [smem:$0x3FA2]  }
0x2c: {  	s7 =	sld [smem:$0x3FA3]  }
0x2d: {  	s3 =	simm.s32 $0x108;
	s8 =	sld [smem:$0x3FA4]  }
0x2e: {  	s3 =	simm.s32 @!p0 $0x1082;
	s9 =	sld [smem:$0x3FA5]  }
0x2f: {  	lr =	sadd.s32 s0, s3;
	s0 =	sld [smem:$0x3F9C]  }
0x30: {  	s3 =	sld [smem:$0x3F9F]  }
0x31: {  	[smem:$0x3FA8] =	sst s10  }
0x32: {  	s10 =	sld [smem:$0x3FA6];
	_ =	sdelay $0x3  }
0x33: {  	p0 =	seq.s32 s10, $0x1;
	s10 =	sld [smem:$0x3FA8];
	_ =	sdelay $0x3  }
0x34: {  	[smem:$0x3FA8] =	sst s10  }
0x35: {  	s10 =	sld [smem:$0x3FA7];
	_ =	sdelay $0x3  }
0x36: {  	p1 =	seq.s32 s10, $0x1;
	s10 =	sld [smem:$0x3FA8];
	_ =	sdelay $0x3  }
0x37: {  	[smem:$0x3FA8] =	sst s10  }
0x38: {  	s10 =	sld [smem:$0x3FA9]  }
0x39: {  	_ = 	snop;
	(pc) =	sbr.ind lr, $3  }
0x3a: {  	_ = 	snop  }
0x3b: {  	_ = 	snop  }
0x3c: {  	p2 =	seq.s32 s10, $0x1;
	s10 =	sld [smem:$0x3FA8]  }
0x3d: {  	_ =	shalt  }
0x3e: {  	_ =	shalt  }
0x3f: {  	_ =	shalt  }
0x40: {  	_ =	shalt  }
0x41: {  	_ =	shalt  }
0x42: {  	_ =	shalt  }
0x43: {  	_ =	shalt  }
0x44: {  	_ =	shalt  }
0x45: {  	_ =	shalt  }
0x46: {  	_ =	shalt  }
0x47: {  	_ =	shalt  }
0x48: {  	_ =	shalt  }
0x49: {  	_ =	shalt  }
0x4a: {  	_ =	shalt  }
0x4b: {  	_ =	shalt  }
0x4c: {  	_ =	shalt  }
0x4d: {  	_ =	shalt  }
0x4e: {  	_ =	shalt  }
0x4f: {  	_ =	shalt  }
0x50: {  	_ =	shalt  }
0x51: {  	_ =	shalt  }
0x52: {  	_ =	shalt  }
0x53: {  	_ =	shalt  }
0x54: {  	_ =	shalt  }
0x55: {  	_ =	shalt  }
0x56: {  	_ =	shalt  }
0x57: {  	_ =	shalt  }
0x58: {  	_ =	shalt  }
0x59: {  	_ =	shalt  }
0x5a: {  	_ =	shalt  }
0x5b: {  	_ =	shalt  }
0x5c: {  	_ =	shalt  }
0x5d: {  	_ =	shalt  }
0x5e: {  	_ =	shalt  }
0x5f: {  	_ =	shalt  }
0x60: {  	_ =	shalt  }
0x61: {  	_ =	shalt  }
0x62: {  	_ =	shalt  }
0x63: {  	_ =	shalt  }
0x64: {  	_ =	shalt  }
0x65: {  	_ =	shalt  }
0x66: {  	_ =	shalt  }
0x67: {  	_ =	shalt  }
0x68: {  	_ =	shalt  }
0x69: {  	_ =	shalt  }
0x6a: {  	_ =	shalt  }
0x6b: {  	_ =	shalt  }
0x6c: {  	_ =	shalt  }
0x6d: {  	_ =	shalt  }
0x6e: {  	_ =	shalt  }
0x6f: {  	_ =	shalt  }
0x70: {  	_ =	shalt  }
0x71: {  	_ =	shalt  }
0x72: {  	_ =	shalt  }
0x73: {  	_ =	shalt  }
0x74: {  	_ =	shalt  }
0x75: {  	_ =	shalt  }
0x76: {  	_ =	shalt  }
0x77: {  	_ =	shalt  }
0x78: {  	_ =	shalt  }
0x79: {  	_ =	shalt  }
0x7a: {  	_ =	shalt  }
0x7b: {  	_ =	shalt  }
0x7c: {  	_ =	shalt  }
0x7d: {  	_ =	shalt  }
0x7e: {  	_ =	shalt  }
0x7f: {  	_ =	shalt  }
0x80: {  	_ =	shalt  }
0x81: {  	_ =	shalt  }
0x82: {  	_ =	shalt  }
0x83: {  	_ =	shalt  }
0x84: {  	_ =	shalt  }
0x85: {  	_ =	shalt  }
0x86: {  	_ =	shalt  }
0x87: {  	_ =	shalt  }
.Lfunc_end0:
.L_simem_size_0:
called_computation.1_lowered:
.L_overlay_start_0:
0x88: {  	s2 =	sld [smem:$0x3FD9]  }
0x89: {  	s3 =	sld [smem:$0x3FFE];
	_ =	sdelay $0x1  }
0x8a: {  	s1 =	srdreg.scid  }
0x8b: {  	s0 =	sand.u32 $0x1, s1  }
0x8c: {  	s14 =	sshll.u32 s0, $0xA;
	s2 =	sadd.s32 s3, s2  }
0x8d: {  	s2 =	sadd.s32 s2, s14  }
0x8e: {  	[smem:$0x3FB4] =	sst s2  }
0x8f: {  	_ = 	snop  }
0x90: {  	s2 =	sld [smem:$0x3FD0];
	_ =	sdelay $0x2  }
0x91: {  	s15 =	simm.s32 $0xA;
	s4 =	simm.s32 $0x10  }
0x92: {  	[smem:s4], [sflag:s15] =	dma.local [hbm:s2], $0x1  }
0x93: {  	_ =	swait.eq [sflag:s15], $0x1  }
0x94: {  	[sflag:s15] =	ssyncset.done $0x0  }
0x95: {  	[sflag:s15] =	ssyncadd.s32 $0xFFFFFFFF  }
0x96: {  	s16 =	sld [smem:$0x10];
	(tm) =	ssettm $0x1  }
0x97: {  	s17 =	sld [smem:$0x3FFB];
	_ =	sdelay $0x3  }
0x98: {  	_ =	strace s17  }
0x99: {  	s3 =	sld [smem:$0x3FFC];
	_ =	sdelay $0x3  }
0x9a: {  	_ =	strace s3  }
0x9b: {  	s3 =	sld [smem:$0x3FFD];
	_ =	sdelay $0x3  }
0x9c: {  	_ =	strace s3  }
0x9d: {  	_ =	strace $0x8FFFFFFF  }
0x9e: {  	s18 =	sld [smem:$0x3FDB];
	_ =	sdelay $0x1  }
0x9f: {  	s19 =	simm.s32 $_scs_section_size  }
0xa0: {  	s5 =	simm.s32 $_size__tile_overlayer_lowered;
	s6 =	simm.s32 $_tile_overlayer_lowered  }
0xa1: {  	s22 =	simm.s32 $0x1BFF;
	s21 =	sshll.u32 s6, $0x1;
	s3 =	sadd.s32 s19, s18  }
0xa2: {  	s7 =	simm.s32 $0x0;
	s20 =	sshll.u32 s5, $0x1;
	s5 =	sadd.s32 s21, s3  }
0xa3: {  	[timem:s7], [sflag:s22] =	dma.local [hbm:s5], s20  }
0xa4: {  	_ =	swait.ge [sflag:s22], s20  }
0xa5: {  	s4 =	ssub.s32 $0x0, s20;
	[sflag:s22] =	ssyncset.done $0x0  }
0xa6: {  	[sflag:s22] =	ssyncadd.s32 s4;
	_ =	sdelay $0x1  }
0xa7: {  	s23 =	simm.s32 $0x1B8B  }
0xa8: {  	_ =	swait.ge [sflag:s23], $0x1  }
0xa9: {  	[sflag:s23] =	ssyncset.done $0x0  }
0xaa: {  	s25 =	simm.s32 $0x1B8E;
	s24 =	sld [smem:$0x3FFE];
	[sflag:s23] =	ssyncadd.s32 $0xFFFFFFFF  }
0xab: {  	s26 =	simm.s32 $execute0_lowered;
	[smem:$0x3FD2] =	sst s25  }
0xac: {  	s5 =	sshll.u32 s26, $0x1;
	_ =	strace $0x80000049;
	[dreg:$0x1] =	wrdreg $0xFFFFFFFF  }
0xad: {  	s28 =	simm.s32 $_size_execute0_lowered;
	s3 =	sadd.s32 s3, s5;
	[dreg:$0x0] =	wrdreg $0x0  }
0xae: {  	s5 =	sshll.u32 s28, $0x1;
	[dreg:$0x2] =	wrdreg s3  }
0xaf: {  	[dreg:$0x3] =	wrdreg s5  }
0xb0: {  	[dreg:$0x4] =	wrdreg $0xC0  }
0xb1: {  	_ =	task [dreg:s7], $0x5FFFF  }
0xb2: {  	[dreg:$0x1] =	wrdreg $0xFFFFFFFF  }
0xb3: {  	[dreg:$0x0] =	wrdreg $0x60  }
0xb4: {  	[dreg:$0x2] =	wrdreg s24  }
0xb5: {  	[dreg:$0x3] =	wrdreg s16  }
0xb6: {  	[dreg:$0x4] =	wrdreg $0x81000  }
0xb7: {  	[dreg:$0x5] =	wrdreg $0x1C1000  }
0xb8: {  	[dreg:$0x6] =	wrdreg $0x9  }
0xb9: {  	_ =	task.clear_ibuf [dreg:s7], $0x7FFFF;
	_ =	strace $0x90000049  }
0xba: {  	s29 =	simm.s32 $0x9;
	_ =	strace $0x8000004B  }
0xbb: {  	_ =	swait.ge [sflag:s29], $0x1  }
0xbc: {  	[sflag:s29] =	ssyncadd.s32 $0xFFFFFFFF  }
0xbd: {  	_ =	strace $0x9000004B  }
0xbe: {  	_ =	sfence  }
0xbf: {  	s30 =	sld [smem:$0x0];
	_ =	sdelay $0x2  }
0xc0: {  	s31 =	sshll.u32 s1, $0xD;
	s1 =	sshrl.u32 s1, $0x2  }
0xc1: {  	s3 =	sand.u32 $0x4000, s31;
	s1 =	sadd.s32 s1, s30  }
0xc2: {  	s0 =	sor.u32 s3, s0;
	s1 =	sshll.u32 s1, $0x11  }
0xc3: {  	s0 =	sor.u32 s1, s0  }
0xc4: {  	s0 =	sadd.s32 $0x8F2B, s0  }
0xc5: {  	[sflag:s0] =	ssyncadd.remote.s32 $0x1  }
0xc6: {  	_ =	sfence.sel $0xFFFF  }
0xc7: {  	[dreg:$0x0] =	wrdreg $0xFFFFFFFF;
	(pc) =	sbr.abs _section_cstart, $3  }
0xc8: {  	[dreg:$0x1] =	wrdreg $0xFFFFFFFF  }
0xc9: {  	_ =	task.clear_ibuf [dreg:s7], $0x2FFFF;
	_ =	strace $0x9FFFFFFF  }
0xca: {  	(tm) =	ssettm $0x7FFFFFFF  }
0xcb: {  	_ =	shalt  }
tec
execute0_lowered:
.L_overlay_start_1:
0x0: {  	(tag) =	ssettag $0x1  }
0x1: {  	s0 =	rddreg [dreg:$0x0]  }
0x2: {  	s1 =	rddreg [dreg:$0x1]  }
0x3: {  	s2 =	rddreg [dreg:$0x2]  }
0x4: {  	s3 =	rddreg [dreg:$0x3]  }
0x5: {  	s4 =	srdreg.scid;
	s24 =	stileid.u32  }
0x6: {  	s28 =	simm.s32 $0x0;
	s17 =	sand.u32 $0x1, s4;
	s8 =	smul.u32 $0x50000, s24  }
0x7: {  	s4 =	simm.s32 $0x0;
	s5 =	sshll.u32 s24, $0x8;
	s11 =	smul.u32 $0x14000, s24  }
0x8: {  	s18 =	sshll.u32 s24, $0xC;
	p0 =	slt.u32 s24, $0x2;
	s13 =	smul.u32 $0xA000, s24  }
0x9: {  	s25 =	smul.u32 $0x2800, s24;
	s24 =	simm.s32 $0x1;
	s6 =	sshll.u32 s17, $0x7  }
0xa: {  	[smem:$0x7FF] =	sst s4;
	s18 =	sadd.s32 s18, s0;
	s19 =	ssub.s32 $0x2, s17  }
0xb: {  	s15 =	smul.u32 $0x140000, s17;
	s31 =	sshll.u32 s17, $0xB;
	s5 =	sor.u32 s6, s5  }
0xc: {  	_ =	strace $0x8000004A;
	s7 =	sshrl.u32 s19, $0x1;
	s21 =	sshrl.u32 s8, $0x2  }
0xd: {  	s12 =	sadd.s32 $0x4000, s11;
	s14 =	sadd.s32 $0x8000, s11;
	s16 =	sadd.s32 $0xC000, s11  }
0xe: {  	s13 =	sshrl.u32 s13, $0x2;
	s18 =	sadd.s32 s31, s18;
	s5 =	sshrl.u32 s5, $0x3  }
0xf: {  	s19 =	ssub.s32 s19, s7;
	s6 =	sadd.s32 s21, s2;
	s7 =	sadd.s32 s12, s2  }
0x10: {  	s8 =	sadd.s32 s14, s2;
	s21 =	sadd.s32 $0x10000, s11;
	s9 =	sadd.s32 s16, s2  }
0x11: {  	s11 =	sadd.s32 s11, s15;
	s23 =	sadd.s32 s15, s12;
	s14 =	sadd.s32 s15, s14  }
0x12: {  	s16 =	sadd.s32 s15, s16;
	s20 =	sadd.s32 s5, s0;
	s0 =	sadd.s32 $0x18400, s0  }
0x13: {  	s5 =	simm.s32 $0x4F;
	s10 =	sadd.s32 s21, s2;
	s22 =	sshrl.u32 s11, $0x3  }
0x14: {  	s11 =	sadd.s32 s13, s3;
	s14 =	sshrl.u32 s14, $0x3;
	s16 =	sshrl.u32 s16, $0x3  }
0x15: {  	s21 =	sadd.s32 s15, s21;
	s19 =	smax.u32 s19, $0x1;
	s5 =	simm.s32 @!p0 $0x4E  }
0x16: {  	s12 =	sadd.s32 s0, s22;
	s22 =	sshrl.u32 s23, $0x3;
	s23 =	smul.u32 $0x28000, s17  }
0x17: {  	s14 =	sadd.s32 s0, s14;
	s15 =	sadd.s32 s0, s16;
	s26 =	sshrl.u32 s21, $0x3  }
0x18: {  	s21 =	sadd.s32 $0x13AA200, s18;
	s13 =	sadd.s32 s0, s22;
	s16 =	sadd.s32 s0, s26  }
0x19: {  	s0 =	sadd.s32 $0x13A0400, s20;
	s22 =	sadd.s32 $0x188C200, s18;
	s29 =	sadd.s32 s25, s23  }
0x1a: {  	s26 =	simm.s32 $0x4100;
	s23 =	simm.s32 $0x100;
	s30 =	sshrl.u32 s29, $0x3  }
0x1b: {  	v0 =	vimm.f32 $0.0e+00;
	s25 =	simm.s32 $0x80;
	s17 =	sadd.s32 s1, s30;
	s1 =	sadd.s32 $0xE600, s20  }
.LBB2_1:
0x1c: {  	s18 =	simm.s32 $0x0;
	s20 =	simm.s32 $0x200  }
.LBB2_2:
0x1d: {  	p0 =	sne.s32 s20, $0xFE00;
	[tilespmem:s18+$0x170] =	vst v0  }
0x1e: {  	[tilespmem:s18+$0x100] =	vst v0  }
0x1f: {  	[tilespmem:s18+$0x110] =	vst v0  }
.Ltmp0:
0x20: {  	[tilespmem:s18+$0x120] =	vst v0;
	(pc) =	sbr.rel @p0 .LBB2_2-.Ltmp0, $4  }
0x21: {  	[tilespmem:s18+$0x130] =	vst v0  }
0x22: {  	[tilespmem:s18+$0x140] =	vst v0  }
0x23: {  	[tilespmem:s18+$0x150] =	vst v0  }
0x24: {  	[tilespmem:s18+$0x160] =	vst v0;
	s18 =	sshra.s32 s20, $0x2;
	s20 =	sadd.s32 $0x200, s20  }
0x25: {  	[tilespmem:s18+$0x170] =	vst v0  }
0x26: {  	[tilespmem:s18+$0x100] =	vst v0  }
0x27: {  	[tilespmem:s18+$0x110] =	vst v0  }
0x28: {  	[tilespmem:s18+$0x120] =	vst v0  }
0x29: {  	[tilespmem:s18+$0x130] =	vst v0  }
0x2a: {  	[tilespmem:s18+$0x140] =	vst v0  }
0x2b: {  	[tilespmem:s18+$0x150] =	vst v0  }
0x2c: {  	[tilespmem:s18+$0x160] =	vst v0  }
0x2d: {  	[spmem:s6] =	stream.linear.scatter [tilespmem:s23], [sflag:$0x1], $0x4000, $0x38;
	[tilespmem:$0x1E900] =	vst v63  }
0x2e: {  	_ =	swait.ge [sflag:s24], $0x4000  }
0x2f: {  	[sflag:s24] =	ssyncset.done $0x0  }
0x30: {  	[sflag:s24] =	ssyncadd.s32 $0xFFFFC000  }
0x31: {  	[spmem:s7] =	stream.linear.scatter [tilespmem:s23], [sflag:$0x1], $0x4000, $0x38;
	[tilespmem:$0x1E900] =	vst v63  }
0x32: {  	_ =	swait.ge [sflag:s24], $0x4000  }
0x33: {  	[sflag:s24] =	ssyncset.done $0x0  }
0x34: {  	[sflag:s24] =	ssyncadd.s32 $0xFFFFC000  }
0x35: {  	[spmem:s8] =	stream.linear.scatter [tilespmem:s23], [sflag:$0x1], $0x4000, $0x38;
	[tilespmem:$0x1E900] =	vst v63  }
0x36: {  	_ =	swait.ge [sflag:s24], $0x4000  }
0x37: {  	[sflag:s24] =	ssyncset.done $0x0  }
0x38: {  	[sflag:s24] =	ssyncadd.s32 $0xFFFFC000  }
0x39: {  	[spmem:s9] =	stream.linear.scatter [tilespmem:s23], [sflag:$0x1], $0x4000, $0x38;
	[tilespmem:$0x1E900] =	vst v63  }
0x3a: {  	_ =	swait.ge [sflag:s24], $0x4000  }
0x3b: {  	[sflag:s24] =	ssyncset.done $0x0  }
0x3c: {  	[sflag:s24] =	ssyncadd.s32 $0xFFFFC000  }
0x3d: {  	[spmem:s10] =	stream.linear.scatter [tilespmem:s23], [sflag:$0x1], $0x4000, $0x38;
	[tilespmem:$0x1E900] =	vst v63  }
0x3e: {  	_ =	swait.ge [sflag:s24], $0x4000  }
0x3f: {  	[sflag:s24] =	ssyncset.done $0x0  }
0x40: {  	[sflag:s24] =	ssyncadd.s32 $0xFFFFC000  }
0x41: {  	[spmem:s11] =	stream.linear.scatter [tilespmem:s23], [sflag:$0x1], $0x2800, $0x38;
	[tilespmem:$0x1E900] =	vst v63  }
0x42: {  	_ =	swait.ge [sflag:s24], $0x2800  }
0x43: {  	[sflag:s24] =	ssyncset.done $0x0  }
0x44: {  	[sflag:s24] =	ssyncadd.s32 $0xFFFFD800  }
0x45: {  	[bflag:$0x0] =	sbarrier.arrive $0xFFFF  }
0x46: {  	[tilespmem:s4], [sflag:$0x1] =	stream.linear.gather [hbm4b:s1+s4], $0x80, $0x38;
	[tilespmem:$0x1E900] =	vst v63  }
0x47: {  	_ =	swait.ge [sflag:s24], $0x80  }
0x48: {  	[sflag:s24] =	ssyncset.done $0x0  }
0x49: {  	[sflag:s24] =	ssyncadd.s32 $0xFFFFFF80  }
0x4a: {  	[tilespmem:s25], [sflag:$0x1] =	stream.linear.gather [hbm4b:s0+s4], $0x80, $0x38;
	[tilespmem:$0x1E900] =	vst v63  }
0x4b: {  	_ =	swait.ge [sflag:s24], $0x80  }
0x4c: {  	[sflag:s24] =	ssyncset.done $0x0  }
0x4d: {  	[sflag:s24] =	ssyncadd.s32 $0xFFFFFF80  }
0x4e: {  	[tilespmem:s23], [sflag:$0x1] =	stream.linear.gather [hbm4b:s21+s4], $0x4000, $0x38;
	[tilespmem:$0x1E900] =	vst v63  }
0x4f: {  	_ =	swait.ge [sflag:s24], $0x4000  }
0x50: {  	[sflag:s24] =	ssyncset.done $0x0  }
0x51: {  	[sflag:s24] =	ssyncadd.s32 $0xFFFFC000  }
0x52: {  	[tilespmem:s26], [sflag:$0x1] =	stream.linear.gather [hbm4b:s22+s4], $0x4000, $0x38;
	[tilespmem:$0x1E900] =	vst v63  }
0x53: {  	_ =	swait.ge [sflag:s24], $0x4000  }
0x54: {  	[sflag:s24] =	ssyncset.done $0x0  }
0x55: {  	[sflag:s24] =	ssyncadd.s32 $0xFFFFC000  }
0x56: {  	[spmem:s2] =	stream.indirect.scatter.add.f32 [tilespmem:s23], [sflag:$0x1], $0x80, s4, s25, $0xb8;
	[tilespmem:$0x1E900] =	vst v63  }
0x57: {  	p0 =	sne.s32 s5, $0x1;
	_ =	swait.ge [sflag:s24], $0x4000  }
.Ltmp1:
0x58: {  	[sflag:s24] =	ssyncset.done $0x0;
	(pc) =	sbr.rel @!p0 .LBB2_5-.Ltmp1, $4  }
0x59: {  	s29 =	sadd.s32 $0xFFFFFFFF, s5;
	[sflag:s24] =	ssyncadd.s32 $0xFFFFC000  }
0x5a: {  	[spmem:s3] =	stream.indirect.scatter.add.f32 [tilespmem:s26], [sflag:$0x1], $0x80, s25, s25, $0xb8;
	[tilespmem:$0x1E900] =	vst v63  }
0x5b: {  	s30 =	sadd.s32 $0x10000, s21;
	s31 =	sadd.s32 $0x10000, s22;
	_ =	swait.ge [sflag:s24], $0x4000  }
0x5c: {  	s18 =	smov.u32 s0;
	s20 =	smov.u32 s1;
	[sflag:s24] =	ssyncset.done $0x0  }
.LBB2_4:
0x5d: {  	[sflag:s24] =	ssyncadd.s32 $0xFFFFC000;
	s18 =	sadd.s32 $0x200, s18;
	s20 =	sadd.s32 $0x200, s20  }
0x5e: {  	[tilespmem:s4], [sflag:$0x1] =	stream.linear.gather [hbm4b:s20+s4], $0x80, $0x38;
	[tilespmem:$0x1E900] =	vst v63  }
0x5f: {  	p0 =	sne.s32 s29, $0x1;
	s29 =	sadd.s32 $0xFFFFFFFF, s29;
	_ =	swait.ge [sflag:s24], $0x80  }
0x60: {  	[sflag:s24] =	ssyncset.done $0x0  }
0x61: {  	[sflag:s24] =	ssyncadd.s32 $0xFFFFFF80  }
0x62: {  	[tilespmem:s25], [sflag:$0x1] =	stream.linear.gather [hbm4b:s18+s4], $0x80, $0x38;
	[tilespmem:$0x1E900] =	vst v63  }
0x63: {  	_ =	swait.ge [sflag:s24], $0x80  }
0x64: {  	[sflag:s24] =	ssyncset.done $0x0  }
0x65: {  	[sflag:s24] =	ssyncadd.s32 $0xFFFFFF80  }
0x66: {  	[tilespmem:s23], [sflag:$0x1] =	stream.linear.gather [hbm4b:s30+s4], $0x4000, $0x38;
	[tilespmem:$0x1E900] =	vst v63  }
0x67: {  	_ =	swait.ge [sflag:s24], $0x4000  }
0x68: {  	[sflag:s24] =	ssyncset.done $0x0  }
0x69: {  	[sflag:s24] =	ssyncadd.s32 $0xFFFFC000  }
0x6a: {  	[tilespmem:s26], [sflag:$0x1] =	stream.linear.gather [hbm4b:s31+s4], $0x4000, $0x38;
	[tilespmem:$0x1E900] =	vst v63  }
0x6b: {  	_ =	swait.ge [sflag:s24], $0x4000  }
0x6c: {  	[sflag:s24] =	ssyncset.done $0x0  }
0x6d: {  	[sflag:s24] =	ssyncadd.s32 $0xFFFFC000  }
0x6e: {  	[spmem:s2] =	stream.indirect.scatter.add.f32 [tilespmem:s23], [sflag:$0x1], $0x80, s4, s25, $0xb8;
	[tilespmem:$0x1E900] =	vst v63  }
0x6f: {  	_ =	swait.ge [sflag:s24], $0x4000  }
.Ltmp2:
0x70: {  	[sflag:s24] =	ssyncset.done $0x0;
	(pc) =	sbr.rel @p0 .LBB2_4-.Ltmp2, $4  }
0x71: {  	[sflag:s24] =	ssyncadd.s32 $0xFFFFC000  }
0x72: {  	[spmem:s3] =	stream.indirect.scatter.add.f32 [tilespmem:s26], [sflag:$0x1], $0x80, s25, s25, $0xb8;
	[tilespmem:$0x1E900] =	vst v63  }
0x73: {  	_ =	swait.ge [sflag:s24], $0x4000  }
0x74: {  	s30 =	sadd.s32 $0x10000, s30;
	s31 =	sadd.s32 $0x10000, s31;
	[sflag:s24] =	ssyncset.done $0x0  }
.LBB2_5:
0x75: {  	[sflag:s24] =	ssyncadd.s32 $0xFFFFC000  }
0x76: {  	[bflag:$0x0] =	sbarrier.arrive $0xFFFF  }
0x77: {  	[tilespmem:s23], [sflag:$0x1] =	stream.linear.gather [spmem:s6], $0x4000, $0x38;
	[tilespmem:$0x1E900] =	vst v63  }
0x78: {  	_ =	swait.ge [sflag:s24], $0x4000  }
0x79: {  	[sflag:s24] =	ssyncset.done $0x0  }
0x7a: {  	[sflag:s24] =	ssyncadd.s32 $0xFFFFC000  }
0x7b: {  	[hbm4b:s12+s4] =	stream.linear.scatter [tilespmem:s23], [sflag:$0x1], $0x4000, $0x38;
	[tilespmem:$0x1E900] =	vst v63  }
0x7c: {  	_ =	swait.ge [sflag:s24], $0x4000  }
0x7d: {  	[sflag:s24] =	ssyncset.done $0x0  }
0x7e: {  	[sflag:s24] =	ssyncadd.s32 $0xFFFFC000  }
0x7f: {  	[tilespmem:s23], [sflag:$0x1] =	stream.linear.gather [spmem:s7], $0x4000, $0x38;
	[tilespmem:$0x1E900] =	vst v63  }
0x80: {  	_ =	swait.ge [sflag:s24], $0x4000  }
0x81: {  	[sflag:s24] =	ssyncset.done $0x0  }
0x82: {  	[sflag:s24] =	ssyncadd.s32 $0xFFFFC000  }
0x83: {  	[hbm4b:s13+s4] =	stream.linear.scatter [tilespmem:s23], [sflag:$0x1], $0x4000, $0x38;
	[tilespmem:$0x1E900] =	vst v63  }
0x84: {  	_ =	swait.ge [sflag:s24], $0x4000  }
0x85: {  	[sflag:s24] =	ssyncset.done $0x0  }
0x86: {  	[sflag:s24] =	ssyncadd.s32 $0xFFFFC000  }
0x87: {  	[tilespmem:s23], [sflag:$0x1] =	stream.linear.gather [spmem:s8], $0x4000, $0x38;
	[tilespmem:$0x1E900] =	vst v63  }
0x88: {  	_ =	swait.ge [sflag:s24], $0x4000  }
0x89: {  	[sflag:s24] =	ssyncset.done $0x0  }
0x8a: {  	[sflag:s24] =	ssyncadd.s32 $0xFFFFC000  }
0x8b: {  	[hbm4b:s14+s4] =	stream.linear.scatter [tilespmem:s23], [sflag:$0x1], $0x4000, $0x38;
	[tilespmem:$0x1E900] =	vst v63  }
0x8c: {  	_ =	swait.ge [sflag:s24], $0x4000  }
0x8d: {  	[sflag:s24] =	ssyncset.done $0x0  }
0x8e: {  	[sflag:s24] =	ssyncadd.s32 $0xFFFFC000  }
0x8f: {  	[tilespmem:s23], [sflag:$0x1] =	stream.linear.gather [spmem:s9], $0x4000, $0x38;
	[tilespmem:$0x1E900] =	vst v63  }
0x90: {  	_ =	swait.ge [sflag:s24], $0x4000  }
0x91: {  	[sflag:s24] =	ssyncset.done $0x0  }
0x92: {  	[sflag:s24] =	ssyncadd.s32 $0xFFFFC000  }
0x93: {  	[hbm4b:s15+s4] =	stream.linear.scatter [tilespmem:s23], [sflag:$0x1], $0x4000, $0x38;
	[tilespmem:$0x1E900] =	vst v63  }
0x94: {  	_ =	swait.ge [sflag:s24], $0x4000  }
0x95: {  	[sflag:s24] =	ssyncset.done $0x0  }
0x96: {  	[sflag:s24] =	ssyncadd.s32 $0xFFFFC000  }
0x97: {  	[tilespmem:s23], [sflag:$0x1] =	stream.linear.gather [spmem:s10], $0x4000, $0x38;
	[tilespmem:$0x1E900] =	vst v63  }
0x98: {  	_ =	swait.ge [sflag:s24], $0x4000  }
0x99: {  	[sflag:s24] =	ssyncset.done $0x0  }
0x9a: {  	[sflag:s24] =	ssyncadd.s32 $0xFFFFC000  }
0x9b: {  	[hbm4b:s16+s4] =	stream.linear.scatter [tilespmem:s23], [sflag:$0x1], $0x4000, $0x38;
	[tilespmem:$0x1E900] =	vst v63  }
0x9c: {  	_ =	swait.ge [sflag:s24], $0x4000  }
0x9d: {  	[sflag:s24] =	ssyncset.done $0x0  }
0x9e: {  	[sflag:s24] =	ssyncadd.s32 $0xFFFFC000  }
0x9f: {  	[tilespmem:s26], [sflag:$0x1] =	stream.linear.gather [spmem:s11], $0x2800, $0x38;
	[tilespmem:$0x1E900] =	vst v63  }
0xa0: {  	s28 =	sadd.s32 $0x1, s28;
	_ =	swait.ge [sflag:s24], $0x2800  }
0xa1: {  	p0 =	sne.s32 s28, s19;
	[sflag:s24] =	ssyncset.done $0x0  }
.Ltmp3:
0xa2: {  	[sflag:s24] =	ssyncadd.s32 $0xFFFFD800;
	(pc) =	sbr.rel @p0 .LBB2_1-.Ltmp3, $4  }
0xa3: {  	[hbm4b:s17+s4] =	stream.linear.scatter [tilespmem:s26], [sflag:$0x1], $0x2800, $0x38;
	[tilespmem:$0x1E900] =	vst v63  }
0xa4: {  	_ =	swait.ge [sflag:s24], $0x2800  }
0xa5: {  	[sflag:s24] =	ssyncset.done $0x0  }
0xa6: {  	[sflag:s24] =	ssyncadd.s32 $0xFFFFD800  }
0xa7: {  	_ =	sfence.sel $0x180000  }
0xa8: {  	[bflag:$0x0] =	sbarrier.arrive $0xFFFF  }
0xa9: {  	_ =	strace $0x9000004A  }
0xaa: {  	s0 =	stileid.u32;
	[bflag:$0x2] =	sbarrier.arrive $0xFFFF  }
0xab: {  	p0 =	sne.s32 s0, $0x0;
	s0 =	rddreg [dreg:$0x4]  }
0xac: {  	s0 =	sadd.s32 @!p0 $0x100000, s0  }
0xad: {  	[sflag:s0] =	ssyncadd.tile.s32 @!p0 $0x1;
	_ =	shalt  }
.Lfunc_end2:
_tile_overlayer_lowered:
.L_overlay_start_2:
0xae: {  	(tag) =	ssettag $0x2  }
0xaf: {  	s0 =	rddreg [dreg:$0x0];
	s2 =	stileid.u32  }
0xb0: {  	s1 =	rddreg [dreg:$0x1];
	p0 =	sne.s32 s2, $0x0  }
0xb1: {  	s3 =	rddreg [dreg:$0x2];
	[bflag:$0x3] =	sbarrier.arrive $0xFFFF;
	s2 =	simm.s32 @!p0 $0x1C01  }
0xb2: {  	[timem:s3], [sflag:s2] =	dma.local @!p0 [hbm:s0], s1  }
0xb3: {  	s0 =	simm.s32 @!p0 $0x1  }
0xb4: {  	_ =	swait.ge @!p0 [sflag:s0], s1  }
0xb5: {  	s1 =	ssub.s32 @!p0 $0x0, s1;
	[sflag:s0] =	ssyncset.done @!p0 $0x0  }
0xb6: {  	[sflag:s0] =	ssyncadd.s32 @!p0 s1  }
0xb7: {  	[bflag:$0x3] =	sbarrier.arrive $0xFFFF  }
0xb8: {  	_ =	shalt  }

// kernel: kernel.7.cloned.1.call-start
scs
__scs_entry_jumppad:
0x0: {  	(pc) =	sbr.rel $0x88, $3  }
0x1: {  	(tag) =	ssettag $0x0;
	lr =	simm.s32 $0x1  }
0x2: {  	[smem:$0x3F8D] =	sst lr;
	_ =	strace $0xD0000000  }
0x3: {  	_ = 	snop  }
0x4: {  	_ = 	snop  }
0x5: {  	_ = 	snop  }
0x6: {  	_ = 	snop  }
0x7: {  	_ = 	snop  }
__scs_overlays_trampoline_lowered:
0x8: {  	[smem:$0x3F9C] =	sst s0  }
0x9: {  	[smem:$0x3F9D] =	sst s1  }
0xa: {  	[smem:$0x3F9E] =	sst s2  }
0xb: {  	[smem:$0x3F9F] =	sst s3  }
0xc: {  	[smem:$0x3FA0] =	sst s4  }
0xd: {  	[smem:$0x3FA1] =	sst s5  }
0xe: {  	[smem:$0x3FA2] =	sst s6  }
0xf: {  	[smem:$0x3FA3] =	sst s7  }
0x10: {  	[smem:$0x3FA4] =	sst s8  }
0x11: {  	[smem:$0x3FA5] =	sst s9;
	s0 =	simm.s32 @!p0 $0x0  }
0x12: {  	s1 =	sld [smem:$0x3F8B];
	s0 =	simm.s32 @p0 $0x1  }
0x13: {  	[smem:$0x3FA6] =	sst s0;
	s0 =	simm.s32 @!p1 $0x0  }
0x14: {  	s2 =	sld [smem:$0x3F8A];
	s0 =	simm.s32 @p1 $0x1  }
0x15: {  	[smem:$0x3FA7] =	sst s0;
	s0 =	simm.s32 @!p2 $0x0  }
0x16: {  	s3 =	sld [smem:$0x3FDB];
	s0 =	simm.s32 @p2 $0x1  }
0x17: {  	s4 =	simm.s32 $0x1BF5;
	[smem:$0x3FA9] =	sst s0  }
0x18: {  	s0 =	sld [smem:$0x3F8C];
	_ =	swait.ge [sflag:s4], $0x0  }
0x19: {  	s7 =	sld [smem:$0x3F8D]  }
0x1a: {  	s8 =	sadd.s32 $0xFFFFE003, lr  }
0x1b: {  	s9 =	sadd.s32 $0xFFFFFEF7, lr;
	s5 =	simm.s32 $0xFFFFFFFF;
	p2 =	slt.u32 s8, $0xFFFFF086  }
0x1c: {  	p1 =	slt.u32 s9, $0xF7A;
	s5 =	simm.s32 @!p2 $0x0  }
0x1d: {  	s5 =	simm.s32 @p1 $0x1;
	p0 =	seq.s32 s7, s2  }
0x1e: {  	s7 =	smul.u32 @!p0 $0xF7A, s2;
	p2 =	seq.s32 @!p0 s5, $0x0  }
0x1f: {  	s9 =	smul.u32 $0xF7A, s1;
	s8 =	simm.s32 @!p0 $0x1BF5;
	p2 =	por !p2, p0  }
0x20: {  	[sflag:s8] =	ssyncset.s32 @!p0 $0xFFFFF086;
	s6 =	sadd.s32 @!p0 s3, s7;
	s7 =	simm.s32 @!p0 $0x108  }
0x21: {  	s3 =	sadd.s32 s3, s9;
	s6 =	sadd.s32 @!p0 $0x88, s6;
	s7 =	simm.s32 @p2 $0x1082  }
0x22: {  	[simem:s7], [sflag:s8] =	dma.local @!p0 [hbm:s6], $0xF7A  }
0x23: {  	s9 =	sor.u32 $0xD0000000, s2;
	s6 =	simm.s32 $0x108;
	_ =	swait.ge @!p0 [sflag:s8], $0x0  }
0x24: {  	s3 =	sadd.s32 $0x88, s3;
	s6 =	simm.s32 @!p1 $0x1082;
	[sflag:s4] =	ssyncset.s32 $0xFFFFF086  }
0x25: {  	[simem:s6], [sflag:s4] =	dma.local [hbm:s3], $0xF7A  }
0x26: {  	[smem:$0x3F8D] =	sst s1;
	(tag) =	ssettag s2;
	_ =	strace s9  }
0x27: {  	s1 =	sld [smem:$0x3F9D]  }
0x28: {  	s2 =	sld [smem:$0x3F9E]  }
0x29: {  	s4 =	sld [smem:$0x3FA0]  }
0x2a: {  	p0 =	seq.s32 s5, $0x0;
	s5 =	sld [smem:$0x3FA1]  }
0x2b: {  	s6 =	sld [smem:$0x3FA2]  }
0x2c: {  	s7 =	sld [smem:$0x3FA3]  }
0x2d: {  	s3 =	simm.s32 $0x108;
	s8 =	sld [smem:$0x3FA4]  }
0x2e: {  	s3 =	simm.s32 @!p0 $0x1082;
	s9 =	sld [smem:$0x3FA5]  }
0x2f: {  	lr =	sadd.s32 s0, s3;
	s0 =	sld [smem:$0x3F9C]  }
0x30: {  	s3 =	sld [smem:$0x3F9F]  }
0x31: {  	[smem:$0x3FA8] =	sst s10  }
0x32: {  	s10 =	sld [smem:$0x3FA6];
	_ =	sdelay $0x3  }
0x33: {  	p0 =	seq.s32 s10, $0x1;
	s10 =	sld [smem:$0x3FA8];
	_ =	sdelay $0x3  }
0x34: {  	[smem:$0x3FA8] =	sst s10  }
0x35: {  	s10 =	sld [smem:$0x3FA7];
	_ =	sdelay $0x3  }
0x36: {  	p1 =	seq.s32 s10, $0x1;
	s10 =	sld [smem:$0x3FA8];
	_ =	sdelay $0x3  }
0x37: {  	[smem:$0x3FA8] =	sst s10  }
0x38: {  	s10 =	sld [smem:$0x3FA9]  }
0x39: {  	_ = 	snop;
	(pc) =	sbr.ind lr, $3  }
0x3a: {  	_ = 	snop  }
0x3b: {  	_ = 	snop  }
0x3c: {  	p2 =	seq.s32 s10, $0x1;
	s10 =	sld [smem:$0x3FA8]  }
0x3d: {  	_ =	shalt  }
0x3e: {  	_ =	shalt  }
0x3f: {  	_ =	shalt  }
0x40: {  	_ =	shalt  }
0x41: {  	_ =	shalt  }
0x42: {  	_ =	shalt  }
0x43: {  	_ =	shalt  }
0x44: {  	_ =	shalt  }
0x45: {  	_ =	shalt  }
0x46: {  	_ =	shalt  }
0x47: {  	_ =	shalt  }
0x48: {  	_ =	shalt  }
0x49: {  	_ =	shalt  }
0x4a: {  	_ =	shalt  }
0x4b: {  	_ =	shalt  }
0x4c: {  	_ =	shalt  }
0x4d: {  	_ =	shalt  }
0x4e: {  	_ =	shalt  }
0x4f: {  	_ =	shalt  }
0x50: {  	_ =	shalt  }
0x51: {  	_ =	shalt  }
0x52: {  	_ =	shalt  }
0x53: {  	_ =	shalt  }
0x54: {  	_ =	shalt  }
0x55: {  	_ =	shalt  }
0x56: {  	_ =	shalt  }
0x57: {  	_ =	shalt  }
0x58: {  	_ =	shalt  }
0x59: {  	_ =	shalt  }
0x5a: {  	_ =	shalt  }
0x5b: {  	_ =	shalt  }
0x5c: {  	_ =	shalt  }
0x5d: {  	_ =	shalt  }
0x5e: {  	_ =	shalt  }
0x5f: {  	_ =	shalt  }
0x60: {  	_ =	shalt  }
0x61: {  	_ =	shalt  }
0x62: {  	_ =	shalt  }
0x63: {  	_ =	shalt  }
0x64: {  	_ =	shalt  }
0x65: {  	_ =	shalt  }
0x66: {  	_ =	shalt  }
0x67: {  	_ =	shalt  }
0x68: {  	_ =	shalt  }
0x69: {  	_ =	shalt  }
0x6a: {  	_ =	shalt  }
0x6b: {  	_ =	shalt  }
0x6c: {  	_ =	shalt  }
0x6d: {  	_ =	shalt  }
0x6e: {  	_ =	shalt  }
0x6f: {  	_ =	shalt  }
0x70: {  	_ =	shalt  }
0x71: {  	_ =	shalt  }
0x72: {  	_ =	shalt  }
0x73: {  	_ =	shalt  }
0x74: {  	_ =	shalt  }
0x75: {  	_ =	shalt  }
0x76: {  	_ =	shalt  }
0x77: {  	_ =	shalt  }
0x78: {  	_ =	shalt  }
0x79: {  	_ =	shalt  }
0x7a: {  	_ =	shalt  }
0x7b: {  	_ =	shalt  }
0x7c: {  	_ =	shalt  }
0x7d: {  	_ =	shalt  }
0x7e: {  	_ =	shalt  }
0x7f: {  	_ =	shalt  }
0x80: {  	_ =	shalt  }
0x81: {  	_ =	shalt  }
0x82: {  	_ =	shalt  }
0x83: {  	_ =	shalt  }
0x84: {  	_ =	shalt  }
0x85: {  	_ =	shalt  }
0x86: {  	_ =	shalt  }
0x87: {  	_ =	shalt  }
.Lfunc_end0:
.L_simem_size_0:
called_computation_lowered:
.L_overlay_start_0:
0x88: {  	s2 =	sld [smem:$0x3FD9]  }
0x89: {  	s3 =	sld [smem:$0x3FFE];
	_ =	sdelay $0x1  }
0x8a: {  	s1 =	srdreg.scid  }
0x8b: {  	s0 =	sand.u32 $0x1, s1  }
0x8c: {  	s14 =	sshll.u32 s0, $0xA;
	s2 =	sadd.s32 s3, s2  }
0x8d: {  	s2 =	sadd.s32 s2, s14  }
0x8e: {  	[smem:$0x3FB4] =	sst s2  }
0x8f: {  	_ = 	snop  }
0x90: {  	s2 =	sld [smem:$0x3FD0];
	_ =	sdelay $0x2  }
0x91: {  	s15 =	simm.s32 $0xA;
	s4 =	simm.s32 $0x10  }
0x92: {  	[smem:s4], [sflag:s15] =	dma.local [hbm:s2], $0x1  }
0x93: {  	_ =	swait.eq [sflag:s15], $0x1  }
0x94: {  	[sflag:s15] =	ssyncset.done $0x0  }
0x95: {  	s16 =	sld [smem:$0x10];
	[sflag:s15] =	ssyncadd.s32 $0xFFFFFFFF  }
0x96: {  	s17 =	sld [smem:$0x11];
	(tm) =	ssettm $0x1  }
0x97: {  	s18 =	sld [smem:$0x3FFB];
	_ =	sdelay $0x3  }
0x98: {  	_ =	strace s18  }
0x99: {  	s4 =	sld [smem:$0x3FFC];
	_ =	sdelay $0x3  }
0x9a: {  	_ =	strace s4  }
0x9b: {  	s4 =	sld [smem:$0x3FFD];
	_ =	sdelay $0x3  }
0x9c: {  	_ =	strace s4  }
0x9d: {  	_ =	strace $0x8FFFFFFF  }
0x9e: {  	s19 =	sld [smem:$0x3FDB];
	_ =	sdelay $0x1  }
0x9f: {  	s5 =	simm.s32 $_scs_section_size  }
0xa0: {  	s6 =	simm.s32 $_size__tile_overlayer_lowered;
	s7 =	simm.s32 $_tile_overlayer_lowered  }
0xa1: {  	s22 =	simm.s32 $0x1BFF;
	s21 =	sshll.u32 s7, $0x1;
	s4 =	sadd.s32 s5, s19  }
0xa2: {  	s8 =	simm.s32 $0x0;
	s20 =	sshll.u32 s6, $0x1;
	s6 =	sadd.s32 s21, s4  }
0xa3: {  	[timem:s8], [sflag:s22] =	dma.local [hbm:s6], s20  }
0xa4: {  	_ =	swait.ge [sflag:s22], s20  }
0xa5: {  	s5 =	ssub.s32 $0x0, s20;
	[sflag:s22] =	ssyncset.done $0x0  }
0xa6: {  	[sflag:s22] =	ssyncadd.s32 s5;
	_ =	sdelay $0x1  }
0xa7: {  	s23 =	simm.s32 $0x1B8B  }
0xa8: {  	_ =	swait.ge [sflag:s23], $0x1  }
0xa9: {  	[sflag:s23] =	ssyncset.done $0x0  }
0xaa: {  	s25 =	simm.s32 $0x1B8E;
	s24 =	sld [smem:$0x3FFE];
	[sflag:s23] =	ssyncadd.s32 $0xFFFFFFFF  }
0xab: {  	s26 =	simm.s32 $execute0_lowered;
	[smem:$0x3FD2] =	sst s25  }
0xac: {  	s6 =	sshll.u32 s26, $0x1;
	_ =	strace $0x80000046;
	[dreg:$0x1] =	wrdreg $0xFFFFFFFF  }
0xad: {  	s28 =	simm.s32 $_size_execute0_lowered;
	s4 =	sadd.s32 s4, s6;
	[dreg:$0x0] =	wrdreg $0x0  }
0xae: {  	s6 =	sshll.u32 s28, $0x1;
	[dreg:$0x2] =	wrdreg s4  }
0xaf: {  	[dreg:$0x3] =	wrdreg s6  }
0xb0: {  	[dreg:$0x4] =	wrdreg $0xC0  }
0xb1: {  	_ =	task [dreg:s8], $0x5FFFF  }
0xb2: {  	[dreg:$0x1] =	wrdreg $0xFFFFFFFF  }
0xb3: {  	[dreg:$0x0] =	wrdreg $0x60  }
0xb4: {  	[dreg:$0x2] =	wrdreg s16  }
0xb5: {  	[dreg:$0x3] =	wrdreg s17  }
0xb6: {  	[dreg:$0x4] =	wrdreg s24  }
0xb7: {  	[dreg:$0x5] =	wrdreg $0x9  }
0xb8: {  	_ =	task.clear_ibuf [dreg:s8], $0x6FFFF;
	_ =	strace $0x90000046  }
0xb9: {  	s29 =	simm.s32 $0x9;
	_ =	strace $0x80000048  }
0xba: {  	_ =	swait.ge [sflag:s29], $0x1  }
0xbb: {  	[sflag:s29] =	ssyncadd.s32 $0xFFFFFFFF  }
0xbc: {  	_ =	strace $0x90000048  }
0xbd: {  	_ =	sfence  }
0xbe: {  	s30 =	sld [smem:$0x0];
	_ =	sdelay $0x2  }
0xbf: {  	s31 =	sshll.u32 s1, $0xD;
	s1 =	sshrl.u32 s1, $0x2  }
0xc0: {  	s3 =	sand.u32 $0x4000, s31;
	s1 =	sadd.s32 s1, s30  }
0xc1: {  	s0 =	sor.u32 s3, s0;
	s1 =	sshll.u32 s1, $0x11  }
0xc2: {  	s0 =	sor.u32 s1, s0  }
0xc3: {  	s0 =	sadd.s32 $0x8F2B, s0  }
0xc4: {  	[sflag:s0] =	ssyncadd.remote.s32 $0x1  }
0xc5: {  	_ =	sfence.sel $0xFFFF  }
0xc6: {  	[dreg:$0x0] =	wrdreg $0xFFFFFFFF;
	(pc) =	sbr.abs _section_cstart, $3  }
0xc7: {  	[dreg:$0x1] =	wrdreg $0xFFFFFFFF  }
0xc8: {  	_ =	task.clear_ibuf [dreg:s8], $0x2FFFF;
	_ =	strace $0x9FFFFFFF  }
0xc9: {  	(tm) =	ssettm $0x7FFFFFFF  }
tec
execute0_lowered:
.L_overlay_start_1:
0x0: {  	(tag) =	ssettag $0x1  }
0x1: {  	s1 =	rddreg [dreg:$0x0]  }
0x2: {  	s2 =	rddreg [dreg:$0x1]  }
0x3: {  	s0 =	rddreg [dreg:$0x2];
	s4 =	simm.s32 $0x0;
	s3 =	srdreg.scid  }
0x4: {  	s16 =	stileid.u32;
	s13 =	simm.s32 $0xC180;
	s14 =	simm.s32 $0x10A00  }
0x5: {  	s15 =	simm.s32 $0x11200;
	s17 =	simm.s32 $0x11A00;
	s18 =	simm.s32 $0x12200  }
0x6: {  	s19 =	simm.s32 $0x12A00;
	s20 =	simm.s32 $0x13200;
	s31 =	simm.s32 $0x0  }
0x7: {  	[smem:$0x7FF] =	sst s4;
	s3 =	sand.u32 $0x1, s3;
	s5 =	sshll.u32 s16, $0x8  }
0x8: {  	s7 =	sadd.s32 $0xE600, s0;
	_ =	strace $0x80000047;
	[dreg:$0x8] =	wrdreg s13  }
0x9: {  	s8 =	sadd.s32 $0x4800, s0;
	s21 =	sadd.s32 $0x18400, s0;
	[dreg:$0x9] =	wrdreg s14  }
0xa: {  	s0 =	sadd.s32 $0x4FA400, s0;
	s24 =	sshll.u32 s16, $0x5;
	[dreg:$0xa] =	wrdreg s15  }
0xb: {  	s25 =	sshll.u32 s16, $0xD;
	p0 =	sgt.u32 s16, $0x1;
	[dreg:$0xb] =	wrdreg s17  }
0xc: {  	s6 =	sshll.u32 s3, $0x7;
	s9 =	ssub.s32 $0x2, s3;
	[dreg:$0xc] =	wrdreg s18  }
0xd: {  	s26 =	sadd.s32 s24, s8;
	s28 =	sshll.u32 s3, $0x4;
	[dreg:$0xd] =	wrdreg s19  }
0xe: {  	s30 =	sshll.u32 s3, $0xC;
	s3 =	sshll.u32 s3, $0xB;
	[dreg:$0xe] =	wrdreg s20  }
0xf: {  	s5 =	sor.u32 s6, s5;
	s11 =	sshrl.u32 s9, $0x1;
	s29 =	sadd.s32 s28, s26  }
0x10: {  	s26 =	simm.s32 $0x16200;
	s10 =	sor.u32 $0x4E000, s5;
	s9 =	ssub.s32 s9, s11  }
0x11: {  	[dreg:$0x14] =	wrdreg s26;
	s12 =	sshrl.u32 s10, $0x3;
	s9 =	smax.u32 s9, $0x1  }
0x12: {  	s13 =	simm.s32 $0x80;
	s22 =	sadd.s32 s7, s12;
	[dreg:$0x1c] =	wrdreg s9  }
0x13: {  	s23 =	sshll.u32 s10, $0x4;
	s12 =	sadd.s32 s8, s12;
	[dreg:$0x18] =	wrdreg s22  }
0x14: {  	s10 =	sshll.u32 s10, $0x5;
	s11 =	sadd.s32 s21, s23;
	[dreg:$0x19] =	wrdreg s12  }
0x15: {  	s5 =	sshrl.u32 s5, $0x3;
	s10 =	sadd.s32 s0, s10;
	[dreg:$0x1a] =	wrdreg s11  }
0x16: {  	s14 =	simm.s32 $0x100;
	s8 =	sadd.s32 s5, s8;
	[dreg:$0x1b] =	wrdreg s10  }
0x17: {  	s15 =	simm.s32 $0x4100;
	s23 =	simm.s32 $0x14A00;
	[dreg:$0x6] =	wrdreg s8  }
0x18: {  	s9 =	sadd.s32 s24, s7;
	s24 =	simm.s32 $0x15200;
	[dreg:$0x11] =	wrdreg s23  }
0x19: {  	s0 =	sadd.s32 s25, s0;
	s25 =	simm.s32 $0x15A00;
	[dreg:$0x12] =	wrdreg s24  }
0x1a: {  	s18 =	simm.s32 $0x4900;
	s10 =	sadd.s32 $0x200, s29;
	[dreg:$0x13] =	wrdreg s25  }
0x1b: {  	s6 =	simm.s32 $0x1;
	s11 =	sadd.s32 s5, s7;
	[dreg:$0x4] =	wrdreg s10  }
0x1c: {  	s9 =	sadd.s32 s28, s9;
	s22 =	simm.s32 $0x14200;
	[dreg:$0x7] =	wrdreg s11  }
0x1d: {  	s0 =	sadd.s32 s30, s0;
	s28 =	simm.s32 $0x16A00;
	[dreg:$0x10] =	wrdreg s22  }
0x1e: {  	s12 =	sshll.u32 s16, $0xC;
	s29 =	simm.s32 $0x17200;
	[dreg:$0x15] =	wrdreg s28  }
0x1f: {  	s30 =	simm.s32 $0x17A00;
	s7 =	simm.s32 $0x2;
	[dreg:$0x16] =	wrdreg s29  }
0x20: {  	s8 =	simm.s32 $0x3;
	s9 =	sadd.s32 $0x200, s9;
	[dreg:$0x17] =	wrdreg s30  }
.Ltmp0:
0x21: {  	s0 =	sadd.s32 $0x20000, s0;
	[dreg:$0x5] =	wrdreg s9;
	(pc) =	sbr.rel .LBB2_1-.Ltmp0, $4  }
0x22: {  	s5 =	sadd.s32 s12, s21;
	s21 =	simm.s32 $0x13A00;
	[dreg:$0x1d] =	wrdreg s0  }
0x23: {  	v2 =	vlaneseq.u32;
	s12 =	simm.s32 $0x5;
	s3 =	sadd.s32 s3, s5;
	[dreg:$0xf] =	wrdreg s21  }
0x24: {  	vm0 =	vmmov $0xffff;
	v1 =	vshrl.u32 v2, $0x3;
	s0 =	simm.s32 $0xC100;
	s5 =	simm.s32 $0x10200;
	s3 =	sadd.s32 $0x10000, s3  }
0x25: {  	v0 =	vand.u32 $0x7, v2;
	v2 =	vor.u32 $0x8, v2;
	v1 =	vmul.u32 $0x8, v1;
	s9 =	simm.s32 $0x4;
	[dreg:$0x1e] =	wrdreg s3;
	s3 =	simm.s32 $0xC200  }
.LBB2_5:
0x26: {  	s31 =	sadd.s32 $0x1, s31;
	s10 =	rddreg [dreg:$0x1c]  }
0x27: {  	p1 =	sne.s32 s31, s10  }
.Ltmp1:
0x28: {  	_ = 	snop;
	(pc) =	sbr.rel @!p1 .LBB2_6-.Ltmp1, $1  }
0x29: {  	_ =	sdelay $0x3  }
.LBB2_1:
0x2a: {  	[dreg:$0x1f] =	wrdreg s31  }
0x2b: {  	s22 =	simm.s32 $0xB100;
	s25 =	simm.s32 $0x8100;
	s11 =	rddreg [dreg:$0x1e]  }
0x2c: {  	s19 =	simm.s32 $0x5100;
	s10 =	rddreg [dreg:$0x1d];
	s16 =	simm.s32 $0x0  }
0x2d: {  	s29 =	simm.s32 $0xB900;
	s30 =	simm.s32 $0xA100;
	s26 =	simm.s32 $0x8900  }
0x2e: {  	s23 =	simm.s32 $0x7100;
	s20 =	simm.s32 $0x5900;
	s31 =	simm.s32 $0xA900  }
0x2f: {  	s28 =	simm.s32 $0x9100;
	s24 =	simm.s32 $0x7900;
	s21 =	simm.s32 $0x6100  }
.LBB2_2:
0x30: {  	s17 =	rddreg [dreg:$0x7]  }
0x31: {  	s17 =	sadd.s32 s16, s17  }
0x32: {  	[tilespmem:s4], [sflag:$0x5] =	stream.linear.gather [hbm4b:s17+s4], $0x80, $0x38;
	[tilespmem:$0x18200] =	vst v63  }
0x33: {  	_ =	swait.ge [sflag:s12], $0x80  }
0x34: {  	s17 =	rddreg [dreg:$0x6];
	[sflag:s12] =	ssyncset.done $0x0  }
0x35: {  	[sflag:s12] =	ssyncadd.s32 $0xFFFFFF80;
	s17 =	sadd.s32 s16, s17  }
0x36: {  	[tilespmem:s13], [sflag:$0x5] =	stream.linear.gather [hbm4b:s17+s4], $0x80, $0x38;
	[tilespmem:$0x18200] =	vst v63  }
0x37: {  	_ =	swait.ge [sflag:s12], $0x80  }
0x38: {  	[sflag:s12] =	ssyncset.done $0x0  }
0x39: {  	[sflag:s12] =	ssyncadd.s32 $0xFFFFFF80  }
0x3a: {  	[tilespmem:s14], [sflag:$0x1] =	stream.indirect.gather [hbm4b:s1+s13], $0x80, s4, s13, $0xb8;
	[tilespmem:$0x18200] =	vst v63  }
0x3b: {  	v3 =	vld [tilespmem:$0x80];
	_ =	sdelay $0x4  }
0x3c: {  	v4 =	vshll.u32 v3, $0x1  }
0x3d: {  	v3 =	vand.u32 $0x7, v3;
	v4 =	vand.u32 $0xFFFFFFF0, v4  }
0x3e: {  	v3 =	vor.u32 v3, v4  }
0x3f: {  	v4 =	vperm.xlane v3, v0;
	_ =	sdelay $0x1  }
0x40: {  	v3 =	vperm.xlane v3, v2;
	v4 =	vadd.s32 v1, v4;
	_ =	sdelay $0x1  }
0x41: {  	v3 =	vadd.s32 v1, v3;
	_ =	sdelay $0x2  }
0x42: {  	[tilespmem:s15], [sflag:$0x2] =	stream.indirect_vreg.gather [hbm4b:s2+s4], $0x80, v4, vm0, $0xb8;
	[tilespmem:$0x18200] =	vst v63  }
0x43: {  	_ = 	snop  }
0x44: {  	[tilespmem:s18], [sflag:$0x2] =	stream.indirect_vreg.gather [hbm4b:s2+s4], $0x80, v3, vm0, $0xb8;
	[tilespmem:$0x18200] =	vst v63  }
0x45: {  	v3 =	vld [tilespmem:$0x90];
	_ =	sdelay $0x4  }
0x46: {  	v49 =	vshll.u32 v3, $0x1  }
0x47: {  	v3 =	vand.u32 $0x7, v3;
	v4 =	vand.u32 $0xFFFFFFF0, v49  }
0x48: {  	v3 =	vor.u32 v3, v4  }
0x49: {  	v4 =	vperm.xlane v3, v0;
	_ =	sdelay $0x1  }
0x4a: {  	v3 =	vperm.xlane v3, v2;
	v4 =	vadd.s32 v1, v4;
	_ =	sdelay $0x1  }
0x4b: {  	v3 =	vadd.s32 v1, v3;
	_ =	sdelay $0x2  }
0x4c: {  	[tilespmem:s19], [sflag:$0x2] =	stream.indirect_vreg.gather [hbm4b:s2+s4], $0x80, v4, vm0, $0xb8;
	[tilespmem:$0x18200] =	vst v63  }
0x4d: {  	_ = 	snop  }
0x4e: {  	[tilespmem:s20], [sflag:$0x2] =	stream.indirect_vreg.gather [hbm4b:s2+s4], $0x80, v3, vm0, $0xb8;
	[tilespmem:$0x18200] =	vst v63  }
0x4f: {  	v3 =	vld [tilespmem:$0xA0];
	_ =	sdelay $0x4  }
0x50: {  	v50 =	vshll.u32 v3, $0x1  }
0x51: {  	v3 =	vand.u32 $0x7, v3;
	v4 =	vand.u32 $0xFFFFFFF0, v50  }
0x52: {  	v3 =	vor.u32 v3, v4  }
0x53: {  	v4 =	vperm.xlane v3, v0;
	_ =	sdelay $0x1  }
0x54: {  	v3 =	vperm.xlane v3, v2;
	v4 =	vadd.s32 v1, v4;
	_ =	sdelay $0x1  }
0x55: {  	v3 =	vadd.s32 v1, v3;
	_ =	sdelay $0x2  }
0x56: {  	[tilespmem:s21], [sflag:$0x2] =	stream.indirect_vreg.gather [hbm4b:s2+s4], $0x80, v4, vm0, $0xb8;
	[tilespmem:$0x18200] =	vst v63  }
0x57: {  	s18 =	simm.s32 $0x6900  }
0x58: {  	[tilespmem:s18], [sflag:$0x2] =	stream.indirect_vreg.gather [hbm4b:s2+s4], $0x80, v3, vm0, $0xb8;
	[tilespmem:$0x18200] =	vst v63  }
0x59: {  	v3 =	vld [tilespmem:$0xB0];
	_ =	sdelay $0x4  }
0x5a: {  	v51 =	vshll.u32 v3, $0x1  }
0x5b: {  	v3 =	vand.u32 $0x7, v3;
	v4 =	vand.u32 $0xFFFFFFF0, v51  }
0x5c: {  	v3 =	vor.u32 v3, v4  }
0x5d: {  	v4 =	vperm.xlane v3, v0;
	_ =	sdelay $0x1  }
0x5e: {  	v3 =	vperm.xlane v3, v2;
	v4 =	vadd.s32 v1, v4;
	_ =	sdelay $0x1  }
0x5f: {  	v3 =	vadd.s32 v1, v3;
	_ =	sdelay $0x2  }
0x60: {  	[tilespmem:s23], [sflag:$0x2] =	stream.indirect_vreg.gather [hbm4b:s2+s4], $0x80, v4, vm0, $0xb8;
	[tilespmem:$0x18200] =	vst v63  }
0x61: {  	_ = 	snop  }
0x62: {  	[tilespmem:s24], [sflag:$0x2] =	stream.indirect_vreg.gather [hbm4b:s2+s4], $0x80, v3, vm0, $0xb8;
	[tilespmem:$0x18200] =	vst v63  }
0x63: {  	v3 =	vld [tilespmem:$0xC0];
	_ =	sdelay $0x4  }
0x64: {  	v52 =	vshll.u32 v3, $0x1  }
0x65: {  	v3 =	vand.u32 $0x7, v3;
	v4 =	vand.u32 $0xFFFFFFF0, v52  }
0x66: {  	v3 =	vor.u32 v3, v4  }
0x67: {  	v4 =	vperm.xlane v3, v0;
	_ =	sdelay $0x1  }
0x68: {  	v3 =	vperm.xlane v3, v2;
	v4 =	vadd.s32 v1, v4;
	_ =	sdelay $0x1  }
0x69: {  	v3 =	vadd.s32 v1, v3;
	_ =	sdelay $0x2  }
0x6a: {  	[tilespmem:s25], [sflag:$0x2] =	stream.indirect_vreg.gather [hbm4b:s2+s4], $0x80, v4, vm0, $0xb8;
	[tilespmem:$0x18200] =	vst v63  }
0x6b: {  	_ = 	snop  }
0x6c: {  	[tilespmem:s26], [sflag:$0x2] =	stream.indirect_vreg.gather [hbm4b:s2+s4], $0x80, v3, vm0, $0xb8;
	[tilespmem:$0x18200] =	vst v63  }
0x6d: {  	v3 =	vld [tilespmem:$0xD0];
	_ =	sdelay $0x4  }
0x6e: {  	v53 =	vshll.u32 v3, $0x1  }
0x6f: {  	v3 =	vand.u32 $0x7, v3;
	v4 =	vand.u32 $0xFFFFFFF0, v53  }
0x70: {  	v3 =	vor.u32 v3, v4  }
0x71: {  	v4 =	vperm.xlane v3, v0;
	_ =	sdelay $0x1  }
0x72: {  	v3 =	vperm.xlane v3, v2;
	v4 =	vadd.s32 v1, v4;
	_ =	sdelay $0x1  }
0x73: {  	v3 =	vadd.s32 v1, v3;
	_ =	sdelay $0x2  }
0x74: {  	[tilespmem:s28], [sflag:$0x2] =	stream.indirect_vreg.gather [hbm4b:s2+s4], $0x80, v4, vm0, $0xb8;
	[tilespmem:$0x18200] =	vst v63  }
0x75: {  	s18 =	simm.s32 $0x9900  }
0x76: {  	[tilespmem:s18], [sflag:$0x2] =	stream.indirect_vreg.gather [hbm4b:s2+s4], $0x80, v3, vm0, $0xb8;
	[tilespmem:$0x18200] =	vst v63  }
0x77: {  	v3 =	vld [tilespmem:$0xE0];
	_ =	sdelay $0x4  }
0x78: {  	v54 =	vshll.u32 v3, $0x1  }
0x79: {  	v3 =	vand.u32 $0x7, v3;
	v4 =	vand.u32 $0xFFFFFFF0, v54  }
0x7a: {  	v3 =	vor.u32 v3, v4  }
0x7b: {  	v4 =	vperm.xlane v3, v0;
	_ =	sdelay $0x1  }
0x7c: {  	v3 =	vperm.xlane v3, v2;
	v4 =	vadd.s32 v1, v4;
	_ =	sdelay $0x1  }
0x7d: {  	v3 =	vadd.s32 v1, v3;
	_ =	sdelay $0x2  }
0x7e: {  	[tilespmem:s30], [sflag:$0x2] =	stream.indirect_vreg.gather [hbm4b:s2+s4], $0x80, v4, vm0, $0xb8;
	[tilespmem:$0x18200] =	vst v63  }
0x7f: {  	_ = 	snop  }
0x80: {  	[tilespmem:s31], [sflag:$0x2] =	stream.indirect_vreg.gather [hbm4b:s2+s4], $0x80, v3, vm0, $0xb8;
	[tilespmem:$0x18200] =	vst v63  }
0x81: {  	v3 =	vld [tilespmem:$0xF0];
	_ =	sdelay $0x4  }
0x82: {  	v55 =	vshll.u32 v3, $0x1  }
0x83: {  	v3 =	vand.u32 $0x7, v3;
	v4 =	vand.u32 $0xFFFFFFF0, v55  }
0x84: {  	v3 =	vor.u32 v3, v4  }
0x85: {  	v4 =	vperm.xlane v3, v0;
	_ =	sdelay $0x1  }
0x86: {  	v3 =	vperm.xlane v3, v2;
	v4 =	vadd.s32 v1, v4;
	_ =	sdelay $0x1  }
0x87: {  	v3 =	vadd.s32 v1, v3;
	_ =	sdelay $0x2  }
0x88: {  	[tilespmem:s22], [sflag:$0x2] =	stream.indirect_vreg.gather [hbm4b:s2+s4], $0x80, v4, vm0, $0xb8;
	[tilespmem:$0x18200] =	vst v63  }
0x89: {  	s18 =	rddreg [dreg:$0x5]  }
0x8a: {  	[tilespmem:s29], [sflag:$0x2] =	stream.indirect_vreg.gather [hbm4b:s2+s4], $0x80, v3, vm0, $0xb8;
	[tilespmem:$0x18200] =	vst v63  }
0x8b: {  	s17 =	sadd.s32 s16, s18  }
0x8c: {  	[tilespmem:s0], [sflag:$0x5] =	stream.linear.gather [hbm4b:s17+s4], $0x80, $0x38;
	[tilespmem:$0x18200] =	vst v63  }
0x8d: {  	_ =	swait.ge [sflag:s12], $0x80  }
0x8e: {  	s17 =	rddreg [dreg:$0x4];
	[sflag:s12] =	ssyncset.done $0x0  }
0x8f: {  	s18 =	rddreg [dreg:$0x8];
	[sflag:s12] =	ssyncadd.s32 $0xFFFFFF80;
	s17 =	sadd.s32 s16, s17  }
0x90: {  	[tilespmem:s18], [sflag:$0x5] =	stream.linear.gather [hbm4b:s17+s4], $0x80, $0x38;
	[tilespmem:$0x18200] =	vst v63  }
0x91: {  	_ =	swait.ge [sflag:s12], $0x80  }
0x92: {  	[sflag:s12] =	ssyncset.done $0x0  }
0x93: {  	[sflag:s12] =	ssyncadd.s32 $0xFFFFFF80  }
0x94: {  	[tilespmem:s3], [sflag:$0x3] =	stream.indirect.gather [hbm4b:s1+s13], $0x80, s0, s13, $0xb8;
	[tilespmem:$0x18200] =	vst v63  }
0x95: {  	v3 =	vld [tilespmem:$0xC180];
	_ =	sdelay $0x4  }
0x96: {  	v56 =	vshll.u32 v3, $0x1  }
0x97: {  	v3 =	vand.u32 $0x7, v3;
	v4 =	vand.u32 $0xFFFFFFF0, v56  }
0x98: {  	v3 =	vor.u32 v3, v4  }
0x99: {  	v4 =	vperm.xlane v3, v0;
	_ =	sdelay $0x1  }
0x9a: {  	v3 =	vperm.xlane v3, v2;
	v4 =	vadd.s32 v1, v4;
	_ =	sdelay $0x1  }
0x9b: {  	v3 =	vadd.s32 v1, v3;
	_ =	sdelay $0x2  }
0x9c: {  	[tilespmem:s5], [sflag:$0x4] =	stream.indirect_vreg.gather [hbm4b:s2+s4], $0x80, v4, vm0, $0xb8;
	[tilespmem:$0x18200] =	vst v63  }
0x9d: {  	s18 =	rddreg [dreg:$0x9]  }
0x9e: {  	[tilespmem:s18], [sflag:$0x4] =	stream.indirect_vreg.gather [hbm4b:s2+s4], $0x80, v3, vm0, $0xb8;
	[tilespmem:$0x18200] =	vst v63  }
0x9f: {  	v3 =	vld [tilespmem:$0xC190];
	_ =	sdelay $0x4  }
0xa0: {  	v57 =	vshll.u32 v3, $0x1  }
0xa1: {  	v3 =	vand.u32 $0x7, v3;
	v4 =	vand.u32 $0xFFFFFFF0, v57  }
0xa2: {  	v3 =	vor.u32 v3, v4  }
0xa3: {  	v4 =	vperm.xlane v3, v0;
	_ =	sdelay $0x1  }
0xa4: {  	v3 =	vperm.xlane v3, v2;
	v4 =	vadd.s32 v1, v4;
	_ =	sdelay $0x1  }
0xa5: {  	v3 =	vadd.s32 v1, v3;
	_ =	sdelay $0x1  }
0xa6: {  	s17 =	rddreg [dreg:$0xa]  }
0xa7: {  	[tilespmem:s17], [sflag:$0x4] =	stream.indirect_vreg.gather [hbm4b:s2+s4], $0x80, v4, vm0, $0xb8;
	[tilespmem:$0x18200] =	vst v63  }
0xa8: {  	s18 =	rddreg [dreg:$0xb]  }
0xa9: {  	[tilespmem:s18], [sflag:$0x4] =	stream.indirect_vreg.gather [hbm4b:s2+s4], $0x80, v3, vm0, $0xb8;
	[tilespmem:$0x18200] =	vst v63  }
0xaa: {  	v3 =	vld [tilespmem:$0xC1A0];
	_ =	sdelay $0x4  }
0xab: {  	v58 =	vshll.u32 v3, $0x1  }
0xac: {  	v3 =	vand.u32 $0x7, v3;
	v4 =	vand.u32 $0xFFFFFFF0, v58  }
0xad: {  	v3 =	vor.u32 v3, v4  }
0xae: {  	v4 =	vperm.xlane v3, v0;
	_ =	sdelay $0x1  }
0xaf: {  	v3 =	vperm.xlane v3, v2;
	v4 =	vadd.s32 v1, v4;
	_ =	sdelay $0x1  }
0xb0: {  	v3 =	vadd.s32 v1, v3;
	_ =	sdelay $0x1  }
0xb1: {  	s17 =	rddreg [dreg:$0xc]  }
0xb2: {  	[tilespmem:s17], [sflag:$0x4] =	stream.indirect_vreg.gather [hbm4b:s2+s4], $0x80, v4, vm0, $0xb8;
	[tilespmem:$0x18200] =	vst v63  }
0xb3: {  	s18 =	rddreg [dreg:$0xd]  }
0xb4: {  	[tilespmem:s18], [sflag:$0x4] =	stream.indirect_vreg.gather [hbm4b:s2+s4], $0x80, v3, vm0, $0xb8;
	[tilespmem:$0x18200] =	vst v63  }
0xb5: {  	v3 =	vld [tilespmem:$0xC1B0];
	_ =	sdelay $0x4  }
0xb6: {  	v59 =	vshll.u32 v3, $0x1  }
0xb7: {  	v3 =	vand.u32 $0x7, v3;
	v4 =	vand.u32 $0xFFFFFFF0, v59  }
0xb8: {  	v3 =	vor.u32 v3, v4  }
0xb9: {  	v4 =	vperm.xlane v3, v0;
	_ =	sdelay $0x1  }
0xba: {  	v3 =	vperm.xlane v3, v2;
	v4 =	vadd.s32 v1, v4;
	_ =	sdelay $0x1  }
0xbb: {  	v3 =	vadd.s32 v1, v3;
	_ =	sdelay $0x1  }
0xbc: {  	s17 =	rddreg [dreg:$0xe]  }
0xbd: {  	[tilespmem:s17], [sflag:$0x4] =	stream.indirect_vreg.gather [hbm4b:s2+s4], $0x80, v4, vm0, $0xb8;
	[tilespmem:$0x18200] =	vst v63  }
0xbe: {  	s18 =	rddreg [dreg:$0xf]  }
0xbf: {  	[tilespmem:s18], [sflag:$0x4] =	stream.indirect_vreg.gather [hbm4b:s2+s4], $0x80, v3, vm0, $0xb8;
	[tilespmem:$0x18200] =	vst v63  }
0xc0: {  	v3 =	vld [tilespmem:$0xC1C0];
	_ =	sdelay $0x4  }
0xc1: {  	v60 =	vshll.u32 v3, $0x1  }
0xc2: {  	v3 =	vand.u32 $0x7, v3;
	v4 =	vand.u32 $0xFFFFFFF0, v60  }
0xc3: {  	v3 =	vor.u32 v3, v4  }
0xc4: {  	v4 =	vperm.xlane v3, v0;
	_ =	sdelay $0x1  }
0xc5: {  	v3 =	vperm.xlane v3, v2;
	v4 =	vadd.s32 v1, v4;
	_ =	sdelay $0x1  }
0xc6: {  	v3 =	vadd.s32 v1, v3;
	_ =	sdelay $0x1  }
0xc7: {  	s17 =	rddreg [dreg:$0x10]  }
0xc8: {  	[tilespmem:s17], [sflag:$0x4] =	stream.indirect_vreg.gather [hbm4b:s2+s4], $0x80, v4, vm0, $0xb8;
	[tilespmem:$0x18200] =	vst v63  }
0xc9: {  	s18 =	rddreg [dreg:$0x11]  }
0xca: {  	[tilespmem:s18], [sflag:$0x4] =	stream.indirect_vreg.gather [hbm4b:s2+s4], $0x80, v3, vm0, $0xb8;
	[tilespmem:$0x18200] =	vst v63  }
0xcb: {  	v3 =	vld [tilespmem:$0xC1D0];
	_ =	sdelay $0x4  }
0xcc: {  	v61 =	vshll.u32 v3, $0x1  }
0xcd: {  	v3 =	vand.u32 $0x7, v3;
	v4 =	vand.u32 $0xFFFFFFF0, v61  }
0xce: {  	v3 =	vor.u32 v3, v4  }
0xcf: {  	v4 =	vperm.xlane v3, v0;
	_ =	sdelay $0x1  }
0xd0: {  	v3 =	vperm.xlane v3, v2;
	v4 =	vadd.s32 v1, v4;
	_ =	sdelay $0x1  }
0xd1: {  	v3 =	vadd.s32 v1, v3;
	_ =	sdelay $0x1  }
0xd2: {  	s17 =	rddreg [dreg:$0x12]  }
0xd3: {  	[tilespmem:s17], [sflag:$0x4] =	stream.indirect_vreg.gather [hbm4b:s2+s4], $0x80, v4, vm0, $0xb8;
	[tilespmem:$0x18200] =	vst v63  }
0xd4: {  	s18 =	rddreg [dreg:$0x13]  }
0xd5: {  	[tilespmem:s18], [sflag:$0x4] =	stream.indirect_vreg.gather [hbm4b:s2+s4], $0x80, v3, vm0, $0xb8;
	[tilespmem:$0x18200] =	vst v63  }
0xd6: {  	v3 =	vld [tilespmem:$0xC1E0];
	_ =	sdelay $0x4  }
0xd7: {  	v62 =	vshll.u32 v3, $0x1  }
0xd8: {  	v3 =	vand.u32 $0x7, v3;
	v4 =	vand.u32 $0xFFFFFFF0, v62  }
0xd9: {  	v3 =	vor.u32 v3, v4  }
0xda: {  	v4 =	vperm.xlane v3, v0;
	_ =	sdelay $0x1  }
0xdb: {  	v3 =	vperm.xlane v3, v2;
	v4 =	vadd.s32 v1, v4;
	_ =	sdelay $0x1  }
0xdc: {  	v3 =	vadd.s32 v1, v3;
	_ =	sdelay $0x1  }
0xdd: {  	s17 =	rddreg [dreg:$0x14]  }
0xde: {  	[tilespmem:s17], [sflag:$0x4] =	stream.indirect_vreg.gather [hbm4b:s2+s4], $0x80, v4, vm0, $0xb8;
	[tilespmem:$0x18200] =	vst v63  }
0xdf: {  	s18 =	rddreg [dreg:$0x15]  }
0xe0: {  	[tilespmem:s18], [sflag:$0x4] =	stream.indirect_vreg.gather [hbm4b:s2+s4], $0x80, v3, vm0, $0xb8;
	[tilespmem:$0x18200] =	vst v63  }
0xe1: {  	v3 =	vld [tilespmem:$0xC1F0];
	_ =	sdelay $0x4  }
0xe2: {  	v63 =	vshll.u32 v3, $0x1  }
0xe3: {  	v3 =	vand.u32 $0x7, v3;
	v4 =	vand.u32 $0xFFFFFFF0, v63  }
0xe4: {  	v3 =	vor.u32 v3, v4  }
0xe5: {  	v4 =	vperm.xlane v3, v0;
	_ =	sdelay $0x1  }
0xe6: {  	v3 =	vperm.xlane v3, v2;
	v4 =	vadd.s32 v1, v4;
	_ =	sdelay $0x1  }
0xe7: {  	v3 =	vadd.s32 v1, v3;
	_ =	sdelay $0x1  }
0xe8: {  	s17 =	rddreg [dreg:$0x16]  }
0xe9: {  	[tilespmem:s17], [sflag:$0x4] =	stream.indirect_vreg.gather [hbm4b:s2+s4], $0x80, v4, vm0, $0xb8;
	[tilespmem:$0x18200] =	vst v63  }
0xea: {  	s18 =	rddreg [dreg:$0x17]  }
0xeb: {  	[tilespmem:s18], [sflag:$0x4] =	stream.indirect_vreg.gather [hbm4b:s2+s4], $0x80, v3, vm0, $0xb8;
	[tilespmem:$0x18200] =	vst v63  }
0xec: {  	_ =	swait.ge [sflag:s6], $0x4000  }
0xed: {  	[sflag:s6] =	ssyncset.done $0x0  }
0xee: {  	[sflag:s6] =	ssyncadd.s32 $0xFFFFC000  }
0xef: {  	_ =	swait.ge [sflag:s7], $0x8000  }
0xf0: {  	[sflag:s7] =	ssyncset.done $0x0  }
0xf1: {  	s17 =	sadd.s32 $0xFFFF0000, s11;
	[sflag:s7] =	ssyncadd.s32 $0xFFFF8000  }
0xf2: {  	[hbm4b:s17+s4] =	stream.linear.scatter [tilespmem:s14], [sflag:$0x5], $0x4000, $0x38;
	[tilespmem:$0x18200] =	vst v63  }
0xf3: {  	_ =	swait.ge [sflag:s12], $0x4000  }
0xf4: {  	[sflag:s12] =	ssyncset.done $0x0  }
0xf5: {  	s17 =	sadd.s32 $0xFFFE0000, s10;
	[sflag:s12] =	ssyncadd.s32 $0xFFFFC000  }
0xf6: {  	[hbm4b:s17+s4] =	stream.linear.scatter [tilespmem:s15], [sflag:$0x5], $0x8000, $0x38;
	[tilespmem:$0x18200] =	vst v63  }
0xf7: {  	_ =	swait.ge [sflag:s12], $0x8000  }
0xf8: {  	[sflag:s12] =	ssyncset.done $0x0  }
0xf9: {  	[sflag:s12] =	ssyncadd.s32 $0xFFFF8000  }
0xfa: {  	_ =	swait.ge [sflag:s8], $0x4000  }
0xfb: {  	[sflag:s8] =	ssyncset.done $0x0  }
0xfc: {  	[sflag:s8] =	ssyncadd.s32 $0xFFFFC000  }
0xfd: {  	_ =	swait.ge [sflag:s9], $0x8000  }
0xfe: {  	[sflag:s9] =	ssyncset.done $0x0  }
0xff: {  	[sflag:s9] =	ssyncadd.s32 $0xFFFF8000  }
0x100: {  	[hbm4b:s11+s4] =	stream.linear.scatter [tilespmem:s3], [sflag:$0x5], $0x4000, $0x38;
	[tilespmem:$0x18200] =	vst v63  }
0x101: {  	_ =	swait.ge [sflag:s12], $0x4000  }
0x102: {  	p1 =	sne.s32 s16, $0x9800;
	[sflag:s12] =	ssyncset.done $0x0  }
.Ltmp2:
0x103: {  	[sflag:s12] =	ssyncadd.s32 $0xFFFFC000;
	(pc) =	sbr.rel @p1 .LBB2_2-.Ltmp2, $4  }
0x104: {  	[hbm4b:s10+s4] =	stream.linear.scatter [tilespmem:s5], [sflag:$0x5], $0x8000, $0x38;
	[tilespmem:$0x18200] =	vst v63  }
0x105: {  	_ =	swait.ge [sflag:s12], $0x8000  }
0x106: {  	s16 =	sadd.s32 $0x400, s16;
	s18 =	simm.s32 $0x4900;
	[sflag:s12] =	ssyncset.done $0x0  }
0x107: {  	s11 =	sadd.s32 $0x20000, s11;
	s10 =	sadd.s32 $0x40000, s10;
	[sflag:s12] =	ssyncadd.s32 $0xFFFF8000  }
0x108: {  	s11 =	simm.s32 $0x5100  }
.Ltmp3:
0x109: {  	s16 =	simm.s32 $0x5900;
	s17 =	simm.s32 $0x6100;
	(pc) =	sbr.rel @p0 .LBB2_5-.Ltmp3, $4  }
0x10a: {  	s19 =	simm.s32 $0x6900;
	s20 =	simm.s32 $0x7100;
	s21 =	simm.s32 $0x7900  }
0x10b: {  	s22 =	simm.s32 $0x8100;
	s23 =	simm.s32 $0x8900;
	s24 =	simm.s32 $0x9100  }
0x10c: {  	s25 =	simm.s32 $0x9900;
	s26 =	simm.s32 $0xA100;
	s28 =	simm.s32 $0xA900  }
0x10d: {  	s29 =	simm.s32 $0xB100;
	s30 =	simm.s32 $0xB900;
	s31 =	rddreg [dreg:$0x1f]  }
0x10e: {  	s10 =	rddreg [dreg:$0x18]  }
0x10f: {  	[tilespmem:s4], [sflag:$0x5] =	stream.linear.gather [hbm4b:s10+s4], $0x80, $0x38;
	[tilespmem:$0x18200] =	vst v63  }
0x110: {  	_ =	swait.ge [sflag:s12], $0x80  }
0x111: {  	[sflag:s12] =	ssyncset.done $0x0  }
0x112: {  	s10 =	rddreg [dreg:$0x19];
	[sflag:s12] =	ssyncadd.s32 $0xFFFFFF80  }
0x113: {  	[tilespmem:s13], [sflag:$0x5] =	stream.linear.gather [hbm4b:s10+s4], $0x80, $0x38;
	[tilespmem:$0x18200] =	vst v63  }
0x114: {  	_ =	swait.ge [sflag:s12], $0x80  }
0x115: {  	[sflag:s12] =	ssyncset.done $0x0  }
0x116: {  	[sflag:s12] =	ssyncadd.s32 $0xFFFFFF80  }
0x117: {  	[tilespmem:s14], [sflag:$0x1] =	stream.indirect.gather [hbm4b:s1+s13], $0x80, s4, s13, $0xb8;
	[tilespmem:$0x18200] =	vst v63  }
0x118: {  	v3 =	vld [tilespmem:$0x80];
	_ =	sdelay $0x4  }
0x119: {  	v4 =	vshll.u32 v3, $0x1  }
0x11a: {  	v3 =	vand.u32 $0x7, v3;
	v4 =	vand.u32 $0xFFFFFFF0, v4  }
0x11b: {  	v3 =	vor.u32 v3, v4  }
0x11c: {  	v4 =	vperm.xlane v3, v0;
	_ =	sdelay $0x1  }
0x11d: {  	v3 =	vperm.xlane v3, v2;
	v4 =	vadd.s32 v1, v4;
	_ =	sdelay $0x1  }
0x11e: {  	v3 =	vadd.s32 v1, v3;
	_ =	sdelay $0x2  }
0x11f: {  	[tilespmem:s15], [sflag:$0x2] =	stream.indirect_vreg.gather [hbm4b:s2+s4], $0x80, v4, vm0, $0xb8;
	[tilespmem:$0x18200] =	vst v63  }
0x120: {  	_ = 	snop  }
0x121: {  	[tilespmem:s18], [sflag:$0x2] =	stream.indirect_vreg.gather [hbm4b:s2+s4], $0x80, v3, vm0, $0xb8;
	[tilespmem:$0x18200] =	vst v63  }
0x122: {  	v3 =	vld [tilespmem:$0x90];
	_ =	sdelay $0x4  }
0x123: {  	v57 =	vshll.u32 v3, $0x1  }
0x124: {  	v3 =	vand.u32 $0x7, v3;
	v4 =	vand.u32 $0xFFFFFFF0, v57  }
0x125: {  	v3 =	vor.u32 v3, v4  }
0x126: {  	v4 =	vperm.xlane v3, v0;
	_ =	sdelay $0x1  }
0x127: {  	v3 =	vperm.xlane v3, v2;
	v4 =	vadd.s32 v1, v4;
	_ =	sdelay $0x1  }
0x128: {  	v3 =	vadd.s32 v1, v3;
	_ =	sdelay $0x2  }
0x129: {  	[tilespmem:s11], [sflag:$0x2] =	stream.indirect_vreg.gather [hbm4b:s2+s4], $0x80, v4, vm0, $0xb8;
	[tilespmem:$0x18200] =	vst v63  }
0x12a: {  	_ = 	snop  }
0x12b: {  	[tilespmem:s16], [sflag:$0x2] =	stream.indirect_vreg.gather [hbm4b:s2+s4], $0x80, v3, vm0, $0xb8;
	[tilespmem:$0x18200] =	vst v63  }
0x12c: {  	v3 =	vld [tilespmem:$0xA0];
	_ =	sdelay $0x4  }
0x12d: {  	v58 =	vshll.u32 v3, $0x1  }
0x12e: {  	v3 =	vand.u32 $0x7, v3;
	v4 =	vand.u32 $0xFFFFFFF0, v58  }
0x12f: {  	v3 =	vor.u32 v3, v4  }
0x130: {  	v4 =	vperm.xlane v3, v0;
	_ =	sdelay $0x1  }
0x131: {  	v3 =	vperm.xlane v3, v2;
	v4 =	vadd.s32 v1, v4;
	_ =	sdelay $0x1  }
0x132: {  	v3 =	vadd.s32 v1, v3;
	_ =	sdelay $0x2  }
0x133: {  	[tilespmem:s17], [sflag:$0x2] =	stream.indirect_vreg.gather [hbm4b:s2+s4], $0x80, v4, vm0, $0xb8;
	[tilespmem:$0x18200] =	vst v63  }
0x134: {  	_ = 	snop  }
0x135: {  	[tilespmem:s19], [sflag:$0x2] =	stream.indirect_vreg.gather [hbm4b:s2+s4], $0x80, v3, vm0, $0xb8;
	[tilespmem:$0x18200] =	vst v63  }
0x136: {  	v3 =	vld [tilespmem:$0xB0];
	_ =	sdelay $0x4  }
0x137: {  	v59 =	vshll.u32 v3, $0x1  }
0x138: {  	v3 =	vand.u32 $0x7, v3;
	v4 =	vand.u32 $0xFFFFFFF0, v59  }
0x139: {  	v3 =	vor.u32 v3, v4  }
0x13a: {  	v4 =	vperm.xlane v3, v0;
	_ =	sdelay $0x1  }
0x13b: {  	v3 =	vperm.xlane v3, v2;
	v4 =	vadd.s32 v1, v4;
	_ =	sdelay $0x1  }
0x13c: {  	v3 =	vadd.s32 v1, v3;
	_ =	sdelay $0x2  }
0x13d: {  	[tilespmem:s20], [sflag:$0x2] =	stream.indirect_vreg.gather [hbm4b:s2+s4], $0x80, v4, vm0, $0xb8;
	[tilespmem:$0x18200] =	vst v63  }
0x13e: {  	_ = 	snop  }
0x13f: {  	[tilespmem:s21], [sflag:$0x2] =	stream.indirect_vreg.gather [hbm4b:s2+s4], $0x80, v3, vm0, $0xb8;
	[tilespmem:$0x18200] =	vst v63  }
0x140: {  	v3 =	vld [tilespmem:$0xC0];
	_ =	sdelay $0x4  }
0x141: {  	v60 =	vshll.u32 v3, $0x1  }
0x142: {  	v3 =	vand.u32 $0x7, v3;
	v4 =	vand.u32 $0xFFFFFFF0, v60  }
0x143: {  	v3 =	vor.u32 v3, v4  }
0x144: {  	v4 =	vperm.xlane v3, v0;
	_ =	sdelay $0x1  }
0x145: {  	v3 =	vperm.xlane v3, v2;
	v4 =	vadd.s32 v1, v4;
	_ =	sdelay $0x1  }
0x146: {  	v3 =	vadd.s32 v1, v3;
	_ =	sdelay $0x2  }
0x147: {  	[tilespmem:s22], [sflag:$0x2] =	stream.indirect_vreg.gather [hbm4b:s2+s4], $0x80, v4, vm0, $0xb8;
	[tilespmem:$0x18200] =	vst v63  }
0x148: {  	_ = 	snop  }
0x149: {  	[tilespmem:s23], [sflag:$0x2] =	stream.indirect_vreg.gather [hbm4b:s2+s4], $0x80, v3, vm0, $0xb8;
	[tilespmem:$0x18200] =	vst v63  }
0x14a: {  	v3 =	vld [tilespmem:$0xD0];
	_ =	sdelay $0x4  }
0x14b: {  	v61 =	vshll.u32 v3, $0x1  }
0x14c: {  	v3 =	vand.u32 $0x7, v3;
	v4 =	vand.u32 $0xFFFFFFF0, v61  }
0x14d: {  	v3 =	vor.u32 v3, v4  }
0x14e: {  	v4 =	vperm.xlane v3, v0;
	_ =	sdelay $0x1  }
0x14f: {  	v3 =	vperm.xlane v3, v2;
	v4 =	vadd.s32 v1, v4;
	_ =	sdelay $0x1  }
0x150: {  	v3 =	vadd.s32 v1, v3;
	_ =	sdelay $0x2  }
0x151: {  	[tilespmem:s24], [sflag:$0x2] =	stream.indirect_vreg.gather [hbm4b:s2+s4], $0x80, v4, vm0, $0xb8;
	[tilespmem:$0x18200] =	vst v63  }
0x152: {  	_ = 	snop  }
0x153: {  	[tilespmem:s25], [sflag:$0x2] =	stream.indirect_vreg.gather [hbm4b:s2+s4], $0x80, v3, vm0, $0xb8;
	[tilespmem:$0x18200] =	vst v63  }
0x154: {  	v3 =	vld [tilespmem:$0xE0];
	_ =	sdelay $0x4  }
0x155: {  	v62 =	vshll.u32 v3, $0x1  }
0x156: {  	v3 =	vand.u32 $0x7, v3;
	v4 =	vand.u32 $0xFFFFFFF0, v62  }
0x157: {  	v3 =	vor.u32 v3, v4  }
0x158: {  	v4 =	vperm.xlane v3, v0;
	_ =	sdelay $0x1  }
0x159: {  	v3 =	vperm.xlane v3, v2;
	v4 =	vadd.s32 v1, v4;
	_ =	sdelay $0x1  }
0x15a: {  	v3 =	vadd.s32 v1, v3;
	_ =	sdelay $0x2  }
0x15b: {  	[tilespmem:s26], [sflag:$0x2] =	stream.indirect_vreg.gather [hbm4b:s2+s4], $0x80, v4, vm0, $0xb8;
	[tilespmem:$0x18200] =	vst v63  }
0x15c: {  	_ = 	snop  }
0x15d: {  	[tilespmem:s28], [sflag:$0x2] =	stream.indirect_vreg.gather [hbm4b:s2+s4], $0x80, v3, vm0, $0xb8;
	[tilespmem:$0x18200] =	vst v63  }
0x15e: {  	v3 =	vld [tilespmem:$0xF0];
	_ =	sdelay $0x4  }
0x15f: {  	v63 =	vshll.u32 v3, $0x1  }
0x160: {  	v3 =	vand.u32 $0x7, v3;
	v4 =	vand.u32 $0xFFFFFFF0, v63  }
0x161: {  	v3 =	vor.u32 v3, v4  }
0x162: {  	v4 =	vperm.xlane v3, v0;
	_ =	sdelay $0x1  }
0x163: {  	v3 =	vperm.xlane v3, v2;
	v4 =	vadd.s32 v1, v4;
	_ =	sdelay $0x1  }
0x164: {  	v3 =	vadd.s32 v1, v3;
	_ =	sdelay $0x2  }
0x165: {  	[tilespmem:s29], [sflag:$0x2] =	stream.indirect_vreg.gather [hbm4b:s2+s4], $0x80, v4, vm0, $0xb8;
	[tilespmem:$0x18200] =	vst v63  }
0x166: {  	_ = 	snop  }
0x167: {  	[tilespmem:s30], [sflag:$0x2] =	stream.indirect_vreg.gather [hbm4b:s2+s4], $0x80, v3, vm0, $0xb8;
	[tilespmem:$0x18200] =	vst v63  }
0x168: {  	_ =	swait.ge [sflag:s6], $0x4000  }
0x169: {  	[sflag:s6] =	ssyncset.done $0x0  }
0x16a: {  	[sflag:s6] =	ssyncadd.s32 $0xFFFFC000  }
0x16b: {  	_ =	swait.ge [sflag:s7], $0x8000  }
0x16c: {  	[sflag:s7] =	ssyncset.done $0x0  }
0x16d: {  	s29 =	rddreg [dreg:$0x1a];
	[sflag:s7] =	ssyncadd.s32 $0xFFFF8000  }
0x16e: {  	[hbm4b:s29+s4] =	stream.linear.scatter [tilespmem:s14], [sflag:$0x5], $0x4000, $0x38;
	[tilespmem:$0x18200] =	vst v63  }
0x16f: {  	_ =	swait.ge [sflag:s12], $0x4000  }
0x170: {  	[sflag:s12] =	ssyncset.done $0x0  }
.Ltmp4:
0x171: {  	s30 =	rddreg [dreg:$0x1b];
	[sflag:s12] =	ssyncadd.s32 $0xFFFFC000;
	(pc) =	sbr.rel .LBB2_5-.Ltmp4, $4  }
0x172: {  	[hbm4b:s30+s4] =	stream.linear.scatter [tilespmem:s15], [sflag:$0x5], $0x8000, $0x38;
	[tilespmem:$0x18200] =	vst v63  }
0x173: {  	_ =	swait.ge [sflag:s12], $0x8000  }
0x174: {  	[sflag:s12] =	ssyncset.done $0x0  }
0x175: {  	[sflag:s12] =	ssyncadd.s32 $0xFFFF8000  }
.LBB2_6:
0x176: {  	_ =	sfence.sel $0x180000  }
0x177: {  	[bflag:$0x0] =	sbarrier.arrive $0xFFFF  }
0x178: {  	_ =	strace $0x90000047  }
0x179: {  	s0 =	stileid.u32;
	[bflag:$0x2] =	sbarrier.arrive $0xFFFF  }
0x17a: {  	p0 =	sne.s32 s0, $0x0;
	s0 =	rddreg [dreg:$0x3]  }
0x17b: {  	s0 =	sadd.s32 @!p0 $0x100000, s0  }
0x17c: {  	[sflag:s0] =	ssyncadd.tile.s32 @!p0 $0x1;
	_ =	shalt  }
.Lfunc_end2:
_tile_overlayer_lowered:
.L_overlay_start_2:
0x17d: {  	(tag) =	ssettag $0x2  }
0x17e: {  	s0 =	rddreg [dreg:$0x0];
	s2 =	stileid.u32  }
0x17f: {  	s1 =	rddreg [dreg:$0x1];
	p0 =	sne.s32 s2, $0x0  }
0x180: {  	s3 =	rddreg [dreg:$0x2];
	[bflag:$0x3] =	sbarrier.arrive $0xFFFF;
	s2 =	simm.s32 @!p0 $0x1C05  }
0x181: {  	[timem:s3], [sflag:s2] =	dma.local @!p0 [hbm:s0], s1  }
0x182: {  	s0 =	simm.s32 @!p0 $0x5  }
0x183: {  	_ =	swait.ge @!p0 [sflag:s0], s1  }
0x184: {  	s1 =	ssub.s32 @!p0 $0x0, s1;
	[sflag:s0] =	ssyncset.done @!p0 $0x0  }
0x185: {  	[sflag:s0] =	ssyncadd.s32 @!p0 s1  }
0x186: {  	[bflag:$0x3] =	sbarrier.arrive $0xFFFF  }
0x187: {  	_ =	shalt  }

</sc_bundles>
